<compile_context>
chip_gen: v7x
topology: tpu7x:2x2x1
jax: 0.10.2.dev20260603
libtpu: 0.0.44.dev20260713+nightly
codegen_flags: <defaults>
</compile_context>

<pallas_src>
import functools

import jax
import jax.numpy as jnp
from jax import lax
from jax.experimental import pallas as pl
from jax.experimental.pallas import tpu as pltpu
from jax.experimental.pallas import tpu_sc as plsc

B, N, H = 32, 2048, 512
L = 16
KH = H // L
CH = 64
NCH = N // CH
NEG = -1e30
LN2 = 0.6931471805599453

_MESH = plsc.VectorSubcoreMesh(core_axis_name="c", subcore_axis_name="s")


def _sc_body(hv, w, d, probs, logp, w_v, d_v, sc_v, lp_v, buf0, buf1, buf2,
             sem0, sem1, sem2, semw):
    wid = lax.axis_index("s") * 2 + lax.axis_index("c")
    iota = lax.broadcasted_iota(jnp.int32, (L,), 0)

    def matvec_chunk(buf, base):
        def group_body(g, carry):
            def row_body(j, vec):
                r = g * L + j
                accs = [buf[r, pl.ds(L * k, L)] * wch[k] for k in range(4)]
                for k in range(4, KH):
                    accs[k % 4] = accs[k % 4] + buf[r, pl.ds(L * k, L)] * wch[k]
                acc = (accs[0] + accs[1]) + (accs[2] + accs[3])
                return jnp.where(iota == j, jnp.sum(acc), vec)
            vec = lax.fori_loop(0, L, row_body, jnp.zeros((L,), jnp.float32),
                                unroll=1)
            sc_v[pl.ds(base + g * L, L)] = vec
            return carry
        lax.fori_loop(0, CH // L, group_body, 0)

    def start(chunk, buf, sem):
        pltpu.make_async_copy(hv.at[wid, pl.ds(chunk * CH, CH)], buf,
                              sem).start()

    def wait(chunk, buf, sem):
        pltpu.make_async_copy(hv.at[wid, pl.ds(chunk * CH, CH)], buf,
                              sem).wait()

    bufs = (buf0, buf1, buf2)
    sems = (sem0, sem1, sem2)
    for j in range(3):
        start(j, bufs[j], sems[j])
    pltpu.make_async_copy(w, w_v, semw).start()
    pltpu.make_async_copy(d, d_v, semw).start()
    pltpu.make_async_copy(w, w_v, semw).wait()
    pltpu.make_async_copy(d, d_v, semw).wait()
    wch = [w_v[pl.ds(L * k, L)] for k in range(KH)]

    def outer(i, carry):
        c0 = 3 * i
        for u in range(3):
            j = c0 + u
            s = u
            wait(j, bufs[s], sems[s])
            matvec_chunk(bufs[s], j * CH)
            start(lax.rem(j + 3, NCH), bufs[s], sems[s])
        return carry

    lax.fori_loop(0, NCH // 3, outer, 0)
    for j in range(NCH - NCH % 3, NCH):
        s = j % 3
        wait(j, bufs[s], sems[s])
        matvec_chunk(bufs[s], j * CH)
    for j in range(3 - NCH % 3):
        wait(0, bufs[(NCH + j) % 3], sems[(NCH + j) % 3])

    dvec = d_v[pl.ds(jnp.bitwise_and(wid, ~(L - 1)), L)]
    ddf = jnp.max(jnp.where(iota == jnp.bitwise_and(wid, L - 1),
                            dvec.astype(jnp.float32), 0.0))
    dd = ddf.astype(jnp.int32)
    svec = sc_v[pl.ds(jnp.bitwise_and(dd, ~(L - 1)), L)]
    sd = jnp.max(jnp.where(iota == jnp.bitwise_and(dd, L - 1), svec, NEG))
    last = sc_v[pl.ds(N - L, L)]
    sc_v[pl.ds(N - L, L)] = jnp.where(iota == L - 1, NEG, last)

    def mx_body(j, mv):
        return jnp.maximum(mv, sc_v[pl.ds(L * j, L)])

    mv = lax.fori_loop(0, N // L, mx_body, jnp.full((L,), NEG, jnp.float32))
    m = jnp.max(mv)

    def ex_body(j, sv):
        e = jnp.exp(sc_v[pl.ds(L * j, L)] - m)
        sc_v[pl.ds(L * j, L)] = e
        return sv + e

    sv = lax.fori_loop(0, N // L, ex_body, jnp.zeros((L,), jnp.float32))
    ssum = jnp.sum(sv)
    inv_v = jnp.full((L,), 1.0, jnp.float32) / jnp.full((L,), ssum)

    def nm_body(j, carry):
        sc_v[pl.ds(L * j, L)] = sc_v[pl.ds(L * j, L)] * inv_v
        return carry

    lax.fori_loop(0, N // L, nm_body, 0)
    pltpu.sync_copy(sc_v, probs.at[wid])

    vv = jnp.full((L,), 1.0, jnp.float32) * ssum
    bits = plsc.bitcast(vv, jnp.int32)
    y = bits.astype(jnp.float32) * (LN2 / 2.0**23) - 127.0 * LN2
    y = y + vv * jnp.exp(-y) - 1.0
    y = y + vv * jnp.exp(-y) - 1.0
    y = y + vv * jnp.exp(-y) - 1.0
    lp_v[...] = (sd - m) - y
    pltpu.sync_copy(lp_v, logp.at[wid])


_sc_call = functools.partial(
    pl.kernel,
    out_type=[
        jax.ShapeDtypeStruct((B, N), jnp.float32),
        jax.ShapeDtypeStruct((B, L), jnp.float32),
    ],
    mesh=_MESH,
    compiler_params=pltpu.CompilerParams(needs_layout_passes=False),
    scratch_types=[
        pltpu.VMEM((H,), jnp.float32),
        pltpu.VMEM((B,), jnp.int32),
        pltpu.VMEM((N,), jnp.float32),
        pltpu.VMEM((L,), jnp.float32),
        pltpu.VMEM((CH, H), jnp.float32),
        pltpu.VMEM((CH, H), jnp.float32),
        pltpu.VMEM((CH, H), jnp.float32),
        pltpu.SemaphoreType.DMA,
        pltpu.SemaphoreType.DMA,
        pltpu.SemaphoreType.DMA,
        pltpu.SemaphoreType.DMA,
    ],
)(_sc_body)


def kernel(hv, W, b, d):
    del b
    probs, logp = _sc_call(hv, W[:H], d.astype(jnp.int32))
    return probs[:, : N - 1], logp[:, :1]

# --- scband reference (transcript-rebuilt; emitter-appended) ---
"""Pipeline reference for scband-choose-dest-and-update-54339926229640 (READ-ONLY COPY).

The authoritative reference and input builder live on the scoring server;
editing this copy changes nothing except your own understanding.
"""

import jax, jax.numpy as jnp
import numpy as np

B, N, H = 32, 2048, 512

def setup_inputs(seed: int = 0) -> dict:
    key = jax.random.key(seed)
    k1, k2, k3, k4 = jax.random.split(key, 4)
    hv = jax.random.normal(k1, (B, N, H), dtype=jnp.float32)
    d = jax.random.randint(k2, (B,), 0, N - 1)
    # parameters of nn.Linear(2*H, 1): weight [1, 2H] flattened to [2H], bias scalar
    W = jax.random.normal(k3, (2 * H,), dtype=jnp.float32) * (1.0 / np.sqrt(2 * H))
    b = jax.random.normal(k4, (), dtype=jnp.float32) * 0.01
    return {"hv": hv, "W": W, "b": b, "d": d}

def reference(hv, W, b, d):
    # For each graph g in g_list (batched along axis 0):
    #   src = number_of_nodes - 1 (last node); possible_dests = nodes [0, src)
    src_embed = hv[:, -1, :]                      # [B, H]
    possible = hv[:, :-1, :]                      # [B, N-1, H]
    src_expand = jnp.broadcast_to(src_embed[:, None, :], possible.shape)  # expand(src, -1)
    cat = jnp.concatenate([possible, src_expand], axis=-1)  # [B, N-1, 2H]
    # self.choose_dest = nn.Linear(2*H, 1) -> scores viewed as [1, src] per graph
    dests_scores = jnp.einsum('bnd,d->bn', cat, W) + b      # [B, N-1]
    dests_probs = jax.nn.softmax(dests_scores, axis=1)       # F.softmax(dim=1)
    # training path: record log P of the supplied action d
    logp = jax.nn.log_softmax(dests_scores, axis=1)
    log_prob = jnp.take_along_axis(logp, d[:, None].astype(jnp.int32), axis=1)  # [B, 1]
    return dests_probs, log_prob

if __name__ == "__main__":
    import jax
    _d = setup_inputs()
    print(jax.jit(kernel)(*tuple(_d.values())))

</pallas_src>

<mosaic_0001>
#map = affine_map<(d0, d1) -> (0, 0, 0)>
#map1 = affine_map<(d0, d1) -> (0)>
#map2 = affine_map<(d0, d1) -> (0, 0)>
module attributes {stable_mosaic.version = 14 : i64} {
  func.func @_sc_body(%arg0: i32, %arg1: i32, %arg2: memref<32x2048x512xf32, #tpu.memory_space<hbm>>, %arg3: memref<512xf32, #tpu.memory_space<hbm>>, %arg4: memref<32xi32, #tpu.memory_space<hbm>>, %arg5: memref<32x2048xf32, #tpu.memory_space<hbm>>, %arg6: memref<32x16xf32, #tpu.memory_space<hbm>>, %arg7: memref<512xf32, #tpu.memory_space<vmem>>, %arg8: memref<32xi32, #tpu.memory_space<vmem>>, %arg9: memref<2048xf32, #tpu.memory_space<vmem>>, %arg10: memref<16xf32, #tpu.memory_space<vmem>>, %arg11: memref<64x512xf32, #tpu.memory_space<vmem>>, %arg12: memref<64x512xf32, #tpu.memory_space<vmem>>, %arg13: memref<64x512xf32, #tpu.memory_space<vmem>>, %arg14: memref<!tpu.dma_semaphore, #tpu.memory_space<semaphore_mem>>, %arg15: memref<!tpu.dma_semaphore, #tpu.memory_space<semaphore_mem>>, %arg16: memref<!tpu.dma_semaphore, #tpu.memory_space<semaphore_mem>>, %arg17: memref<!tpu.dma_semaphore, #tpu.memory_space<semaphore_mem>>) attributes {dimension_semantics = [#tpu.dimension_semantics<core_parallel>, #tpu.dimension_semantics<subcore_parallel>], iteration_bounds = array<i64: 2, 16>, scalar_prefetch = 0 : i64, scratch_operands = 11 : i64, tpu.core_type = #tpu.core_type<sc_vector_subcore>, window_params = [{transform_indices = #map}, {transform_indices = #map1}, {transform_indices = #map1}, {transform_indices = #map2}, {transform_indices = #map2}]} {
    %mul3A = arith.constant 2 : i32
    %mul3A_0 = arith.muli %arg1, %mul3A : i32
    %add3A = arith.addi %mul3A_0, %arg0 : i32
    %iota3A = tpu.iota {dimensions = array<i32: 0>} : vector<16xi32>
    %dma_start3A = arith.constant 0 : i32
    %dma_start3A_1 = arith.constant 0 : i32
    %dma_start3A_2 = tpu.memref_slice %arg2[%add3A, %dma_start3A, %dma_start3A_1] : memref<32x2048x512xf32, #tpu.memory_space<hbm>> -> memref<1x64x512xf32, #tpu.memory_space<hbm>>
    %dma_start3A_3 = tpu.memref_squeeze %dma_start3A_2 : memref<1x64x512xf32, #tpu.memory_space<hbm>> -> memref<64x512xf32, #tpu.memory_space<hbm>>
    %dma_start3A_4 = arith.constant 0 : i32
    %dma_start3A_5 = arith.constant 0 : i32
    %dma_start3A_6 = tpu.memref_slice %arg2[%add3A, %dma_start3A_4, %dma_start3A_5] : memref<32x2048x512xf32, #tpu.memory_space<hbm>> -> memref<1x64x512xf32, #tpu.memory_space<hbm>>
    %dma_start3A_7 = tpu.memref_squeeze %dma_start3A_6 : memref<1x64x512xf32, #tpu.memory_space<hbm>> -> memref<64x512xf32, #tpu.memory_space<hbm>>
    tpu.enqueue_dma source(%dma_start3A_7 : memref<64x512xf32, #tpu.memory_space<hbm>>) target(%arg11 : memref<64x512xf32, #tpu.memory_space<vmem>>) target_semaphore(%arg14 : memref<!tpu.dma_semaphore, #tpu.memory_space<semaphore_mem>>)
    %dma_start3A_8 = arith.constant 64 : i32
    %dma_start3A_9 = arith.constant 0 : i32
    %dma_start3A_10 = tpu.memref_slice %arg2[%add3A, %dma_start3A_8, %dma_start3A_9] : memref<32x2048x512xf32, #tpu.memory_space<hbm>> -> memref<1x64x512xf32, #tpu.memory_space<hbm>>
    %dma_start3A_11 = tpu.memref_squeeze %dma_start3A_10 : memref<1x64x512xf32, #tpu.memory_space<hbm>> -> memref<64x512xf32, #tpu.memory_space<hbm>>
    %dma_start3A_12 = arith.constant 64 : i32
    %dma_start3A_13 = arith.constant 0 : i32
    %dma_start3A_14 = tpu.memref_slice %arg2[%add3A, %dma_start3A_12, %dma_start3A_13] : memref<32x2048x512xf32, #tpu.memory_space<hbm>> -> memref<1x64x512xf32, #tpu.memory_space<hbm>>
    %dma_start3A_15 = tpu.memref_squeeze %dma_start3A_14 : memref<1x64x512xf32, #tpu.memory_space<hbm>> -> memref<64x512xf32, #tpu.memory_space<hbm>>
    tpu.enqueue_dma source(%dma_start3A_15 : memref<64x512xf32, #tpu.memory_space<hbm>>) target(%arg12 : memref<64x512xf32, #tpu.memory_space<vmem>>) target_semaphore(%arg15 : memref<!tpu.dma_semaphore, #tpu.memory_space<semaphore_mem>>)
    %dma_start3A_16 = arith.constant 128 : i32
    %dma_start3A_17 = arith.constant 0 : i32
    %dma_start3A_18 = tpu.memref_slice %arg2[%add3A, %dma_start3A_16, %dma_start3A_17] : memref<32x2048x512xf32, #tpu.memory_space<hbm>> -> memref<1x64x512xf32, #tpu.memory_space<hbm>>
    %dma_start3A_19 = tpu.memref_squeeze %dma_start3A_18 : memref<1x64x512xf32, #tpu.memory_space<hbm>> -> memref<64x512xf32, #tpu.memory_space<hbm>>
    %dma_start3A_20 = arith.constant 128 : i32
    %dma_start3A_21 = arith.constant 0 : i32
    %dma_start3A_22 = tpu.memref_slice %arg2[%add3A, %dma_start3A_20, %dma_start3A_21] : memref<32x2048x512xf32, #tpu.memory_space<hbm>> -> memref<1x64x512xf32, #tpu.memory_space<hbm>>
    %dma_start3A_23 = tpu.memref_squeeze %dma_start3A_22 : memref<1x64x512xf32, #tpu.memory_space<hbm>> -> memref<64x512xf32, #tpu.memory_space<hbm>>
    tpu.enqueue_dma source(%dma_start3A_23 : memref<64x512xf32, #tpu.memory_space<hbm>>) target(%arg13 : memref<64x512xf32, #tpu.memory_space<vmem>>) target_semaphore(%arg16 : memref<!tpu.dma_semaphore, #tpu.memory_space<semaphore_mem>>)
    tpu.enqueue_dma source(%arg3 : memref<512xf32, #tpu.memory_space<hbm>>) target(%arg7 : memref<512xf32, #tpu.memory_space<vmem>>) target_semaphore(%arg17 : memref<!tpu.dma_semaphore, #tpu.memory_space<semaphore_mem>>)
    tpu.enqueue_dma source(%arg4 : memref<32xi32, #tpu.memory_space<hbm>>) target(%arg8 : memref<32xi32, #tpu.memory_space<vmem>>) target_semaphore(%arg17 : memref<!tpu.dma_semaphore, #tpu.memory_space<semaphore_mem>>)
    tpu.wait_dma2 semaphore(%arg17 : memref<!tpu.dma_semaphore, #tpu.memory_space<semaphore_mem>>) src(%arg3 : memref<512xf32, #tpu.memory_space<hbm>>) dst(%arg7 : memref<512xf32, #tpu.memory_space<vmem>>)
    tpu.wait_dma2 semaphore(%arg17 : memref<!tpu.dma_semaphore, #tpu.memory_space<semaphore_mem>>) src(%arg4 : memref<32xi32, #tpu.memory_space<hbm>>) dst(%arg8 : memref<32xi32, #tpu.memory_space<vmem>>)
    %get3A = arith.constant 0 : index
    %get3A_24 = tpu.vector_load %arg7[%get3A] {strides = array<i32>} : memref<512xf32, #tpu.memory_space<vmem>>, vector<16xf32>,
    %get3A_25 = arith.constant 16 : index
    %get3A_26 = tpu.vector_load %arg7[%get3A_25] {strides = array<i32>} : memref<512xf32, #tpu.memory_space<vmem>>, vector<16xf32>,
    %get3A_27 = arith.constant 32 : index
    %get3A_28 = tpu.vector_load %arg7[%get3A_27] {strides = array<i32>} : memref<512xf32, #tpu.memory_space<vmem>>, vector<16xf32>,
    %get3A_29 = arith.constant 48 : index
    %get3A_30 = tpu.vector_load %arg7[%get3A_29] {strides = array<i32>} : memref<512xf32, #tpu.memory_space<vmem>>, vector<16xf32>,
    %get3A_31 = arith.constant 64 : index
    %get3A_32 = tpu.vector_load %arg7[%get3A_31] {strides = array<i32>} : memref<512xf32, #tpu.memory_space<vmem>>, vector<16xf32>,
    %get3A_33 = arith.constant 80 : index
    %get3A_34 = tpu.vector_load %arg7[%get3A_33] {strides = array<i32>} : memref<512xf32, #tpu.memory_space<vmem>>, vector<16xf32>,
    %get3A_35 = arith.constant 96 : index
    %get3A_36 = tpu.vector_load %arg7[%get3A_35] {strides = array<i32>} : memref<512xf32, #tpu.memory_space<vmem>>, vector<16xf32>,
    %get3A_37 = arith.constant 112 : index
    %get3A_38 = tpu.vector_load %arg7[%get3A_37] {strides = array<i32>} : memref<512xf32, #tpu.memory_space<vmem>>, vector<16xf32>,
    %get3A_39 = arith.constant 128 : index
    %get3A_40 = tpu.vector_load %arg7[%get3A_39] {strides = array<i32>} : memref<512xf32, #tpu.memory_space<vmem>>, vector<16xf32>,
    %get3A_41 = arith.constant 144 : index
    %get3A_42 = tpu.vector_load %arg7[%get3A_41] {strides = array<i32>} : memref<512xf32, #tpu.memory_space<vmem>>, vector<16xf32>,
    %get3A_43 = arith.constant 160 : index
    %get3A_44 = tpu.vector_load %arg7[%get3A_43] {strides = array<i32>} : memref<512xf32, #tpu.memory_space<vmem>>, vector<16xf32>,
    %get3A_45 = arith.constant 176 : index
    %get3A_46 = tpu.vector_load %arg7[%get3A_45] {strides = array<i32>} : memref<512xf32, #tpu.memory_space<vmem>>, vector<16xf32>,
    %get3A_47 = arith.constant 192 : index
    %get3A_48 = tpu.vector_load %arg7[%get3A_47] {strides = array<i32>} : memref<512xf32, #tpu.memory_space<vmem>>, vector<16xf32>,
    %get3A_49 = arith.constant 208 : index
    %get3A_50 = tpu.vector_load %arg7[%get3A_49] {strides = array<i32>} : memref<512xf32, #tpu.memory_space<vmem>>, vector<16xf32>,
    %get3A_51 = arith.constant 224 : index
    %get3A_52 = tpu.vector_load %arg7[%get3A_51] {strides = array<i32>} : memref<512xf32, #tpu.memory_space<vmem>>, vector<16xf32>,
    %get3A_53 = arith.constant 240 : index
    %get3A_54 = tpu.vector_load %arg7[%get3A_53] {strides = array<i32>} : memref<512xf32, #tpu.memory_space<vmem>>, vector<16xf32>,
    %get3A_55 = arith.constant 256 : index
    %get3A_56 = tpu.vector_load %arg7[%get3A_55] {strides = array<i32>} : memref<512xf32, #tpu.memory_space<vmem>>, vector<16xf32>,
    %get3A_57 = arith.constant 272 : index
    %get3A_58 = tpu.vector_load %arg7[%get3A_57] {strides = array<i32>} : memref<512xf32, #tpu.memory_space<vmem>>, vector<16xf32>,
    %get3A_59 = arith.constant 288 : index
    %get3A_60 = tpu.vector_load %arg7[%get3A_59] {strides = array<i32>} : memref<512xf32, #tpu.memory_space<vmem>>, vector<16xf32>,
    %get3A_61 = arith.constant 304 : index
    %get3A_62 = tpu.vector_load %arg7[%get3A_61] {strides = array<i32>} : memref<512xf32, #tpu.memory_space<vmem>>, vector<16xf32>,
    %get3A_63 = arith.constant 320 : index
    %get3A_64 = tpu.vector_load %arg7[%get3A_63] {strides = array<i32>} : memref<512xf32, #tpu.memory_space<vmem>>, vector<16xf32>,
    %get3A_65 = arith.constant 336 : index
    %get3A_66 = tpu.vector_load %arg7[%get3A_65] {strides = array<i32>} : memref<512xf32, #tpu.memory_space<vmem>>, vector<16xf32>,
    %get3A_67 = arith.constant 352 : index
    %get3A_68 = tpu.vector_load %arg7[%get3A_67] {strides = array<i32>} : memref<512xf32, #tpu.memory_space<vmem>>, vector<16xf32>,
    %get3A_69 = arith.constant 368 : index
    %get3A_70 = tpu.vector_load %arg7[%get3A_69] {strides = array<i32>} : memref<512xf32, #tpu.memory_space<vmem>>, vector<16xf32>,
    %get3A_71 = arith.constant 384 : index
    %get3A_72 = tpu.vector_load %arg7[%get3A_71] {strides = array<i32>} : memref<512xf32, #tpu.memory_space<vmem>>, vector<16xf32>,
    %get3A_73 = arith.constant 400 : index
    %get3A_74 = tpu.vector_load %arg7[%get3A_73] {strides = array<i32>} : memref<512xf32, #tpu.memory_space<vmem>>, vector<16xf32>,
    %get3A_75 = arith.constant 416 : index
    %get3A_76 = tpu.vector_load %arg7[%get3A_75] {strides = array<i32>} : memref<512xf32, #tpu.memory_space<vmem>>, vector<16xf32>,
    %get3A_77 = arith.constant 432 : index
    %get3A_78 = tpu.vector_load %arg7[%get3A_77] {strides = array<i32>} : memref<512xf32, #tpu.memory_space<vmem>>, vector<16xf32>,
    %get3A_79 = arith.constant 448 : index
    %get3A_80 = tpu.vector_load %arg7[%get3A_79] {strides = array<i32>} : memref<512xf32, #tpu.memory_space<vmem>>, vector<16xf32>,
    %get3A_81 = arith.constant 464 : index
    %get3A_82 = tpu.vector_load %arg7[%get3A_81] {strides = array<i32>} : memref<512xf32, #tpu.memory_space<vmem>>, vector<16xf32>,
    %get3A_83 = arith.constant 480 : index
    %get3A_84 = tpu.vector_load %arg7[%get3A_83] {strides = array<i32>} : memref<512xf32, #tpu.memory_space<vmem>>, vector<16xf32>,
    %get3A_85 = arith.constant 496 : index
    %get3A_86 = tpu.vector_load %arg7[%get3A_85] {strides = array<i32>} : memref<512xf32, #tpu.memory_space<vmem>>, vector<16xf32>,
    %scan3A = arith.constant 0 : i32
    %scan3A_87 = arith.constant 0 : i32
    %scan3A_88 = arith.constant 10 : i32
    %scan3A_89 = arith.addi %scan3A_87, %scan3A_88 : i32
    %scan3A_90 = arith.constant 1 : i32
    scf.for %scan3A_233 = %scan3A_87 to %scan3A_89 step %scan3A_90  : i32 {
      %mul3A_234 = arith.constant 3 : i32
      %mul3A_235 = arith.muli %mul3A_234, %scan3A_233 : i32
      %add3A_236 = arith.constant 0 : i32
      %add3A_237 = arith.addi %mul3A_235, %add3A_236 : i32
      %mul3A_238 = arith.constant 64 : i32
      %mul3A_239 = arith.muli %add3A_237, %mul3A_238 : i32
      %dma_wait3A_240 = arith.constant 0 : i32
      %dma_wait3A_241 = tpu.memref_slice %arg2[%add3A, %mul3A_239, %dma_wait3A_240] : memref<32x2048x512xf32, #tpu.memory_space<hbm>> -> memref<1x64x512xf32, #tpu.memory_space<hbm>>
      %dma_wait3A_242 = tpu.memref_squeeze %dma_wait3A_241 : memref<1x64x512xf32, #tpu.memory_space<hbm>> -> memref<64x512xf32, #tpu.memory_space<hbm>>
      %dma_wait3A_243 = arith.constant 0 : i32
      %dma_wait3A_244 = tpu.memref_slice %arg2[%add3A, %mul3A_239, %dma_wait3A_243] : memref<32x2048x512xf32, #tpu.memory_space<hbm>> -> memref<1x64x512xf32, #tpu.memory_space<hbm>>
      %dma_wait3A_245 = tpu.memref_squeeze %dma_wait3A_244 : memref<1x64x512xf32, #tpu.memory_space<hbm>> -> memref<64x512xf32, #tpu.memory_space<hbm>>
      tpu.wait_dma2 semaphore(%arg14 : memref<!tpu.dma_semaphore, #tpu.memory_space<semaphore_mem>>) src(%dma_wait3A_245 : memref<64x512xf32, #tpu.memory_space<hbm>>) dst(%arg11 : memref<64x512xf32, #tpu.memory_space<vmem>>)
      %mul3A_246 = arith.constant 64 : i32
      %mul3A_247 = arith.muli %add3A_237, %mul3A_246 : i32
      %scan3A_248 = arith.constant 0 : i32
      %scan3A_249 = arith.constant 0 : i32
      %scan3A_250 = arith.constant 4 : i32
      %scan3A_251 = arith.addi %scan3A_249, %scan3A_250 : i32
      %scan3A_252 = arith.constant 1 : i32
      scf.for %scan3A_325 = %scan3A_249 to %scan3A_251 step %scan3A_252  : i32 {
        %broadcast_in_dim3A_326 = arith.constant 0.000000e+00 : f32
        %broadcast_in_dim3A_327 = vector.broadcast %broadcast_in_dim3A_326 : f32 to vector<16xf32>
        %scan3A_328 = arith.constant 0 : i32
        %scan3A_329 = arith.constant 16 : i32
        %scan3A_330 = arith.addi %scan3A_328, %scan3A_329 : i32
        %scan3A_331 = arith.constant 1 : i32
        %scan3A_332 = scf.for %scan3A_339 = %scan3A_328 to %scan3A_330 step %scan3A_331 iter_args(%scan3A_340 = %broadcast_in_dim3A_327) -> (vector<16xf32>)  : i32 {
          %mul3A_341 = arith.constant 16 : i32
          %mul3A_342 = arith.muli %scan3A_325, %mul3A_341 : i32
          %add3A_343 = arith.addi %mul3A_342, %scan3A_339 : i32
          %get3A_344 = arith.index_cast %add3A_343 : i32 to index
          %get3A_345 = arith.constant 0 : index
          %get3A_346 = tpu.vector_load %arg11[%get3A_344, %get3A_345] {strides = array<i32>} : memref<64x512xf32, #tpu.memory_space<vmem>>, vector<16xf32>,
          %mul3A_347 = arith.mulf %get3A_346, %get3A_24 : vector<16xf32>
          %get3A_348 = arith.index_cast %add3A_343 : i32 to index
          %get3A_349 = arith.constant 16 : index
          %get3A_350 = tpu.vector_load %arg11[%get3A_348, %get3A_349] {strides = array<i32>} : memref<64x512xf32, #tpu.memory_space<vmem>>, vector<16xf32>,
          %mul3A_351 = arith.mulf %get3A_350, %get3A_26 : vector<16xf32>
          %get3A_352 = arith.index_cast %add3A_343 : i32 to index
          %get3A_353 = arith.constant 32 : index
          %get3A_354 = tpu.vector_load %arg11[%get3A_352, %get3A_353] {strides = array<i32>} : memref<64x512xf32, #tpu.memory_space<vmem>>, vector<16xf32>,
          %mul3A_355 = arith.mulf %get3A_354, %get3A_28 : vector<16xf32>
          %get3A_356 = arith.index_cast %add3A_343 : i32 to index
          %get3A_357 = arith.constant 48 : index
          %get3A_358 = tpu.vector_load %arg11[%get3A_356, %get3A_357] {strides = array<i32>} : memref<64x512xf32, #tpu.memory_space<vmem>>, vector<16xf32>,
          %mul3A_359 = arith.mulf %get3A_358, %get3A_30 : vector<16xf32>
          %get3A_360 = arith.index_cast %add3A_343 : i32 to index
          %get3A_361 = arith.constant 64 : index
          %get3A_362 = tpu.vector_load %arg11[%get3A_360, %get3A_361] {strides = array<i32>} : memref<64x512xf32, #tpu.memory_space<vmem>>, vector<16xf32>,
          %mul3A_363 = arith.mulf %get3A_362, %get3A_32 : vector<16xf32>
          %add3A_364 = arith.addf %mul3A_347, %mul3A_363 : vector<16xf32>
          %get3A_365 = arith.index_cast %add3A_343 : i32 to index
          %get3A_366 = arith.constant 80 : index
          %get3A_367 = tpu.vector_load %arg11[%get3A_365, %get3A_366] {strides = array<i32>} : memref<64x512xf32, #tpu.memory_space<vmem>>, vector<16xf32>,
          %mul3A_368 = arith.mulf %get3A_367, %get3A_34 : vector<16xf32>
          %add3A_369 = arith.addf %mul3A_351, %mul3A_368 : vector<16xf32>
          %get3A_370 = arith.index_cast %add3A_343 : i32 to index
          %get3A_371 = arith.constant 96 : index
          %get3A_372 = tpu.vector_load %arg11[%get3A_370, %get3A_371] {strides = array<i32>} : memref<64x512xf32, #tpu.memory_space<vmem>>, vector<16xf32>,
          %mul3A_373 = arith.mulf %get3A_372, %get3A_36 : vector<16xf32>
          %add3A_374 = arith.addf %mul3A_355, %mul3A_373 : vector<16xf32>
          %get3A_375 = arith.index_cast %add3A_343 : i32 to index
          %get3A_376 = arith.constant 112 : index
          %get3A_377 = tpu.vector_load %arg11[%get3A_375, %get3A_376] {strides = array<i32>} : memref<64x512xf32, #tpu.memory_space<vmem>>, vector<16xf32>,
          %mul3A_378 = arith.mulf %get3A_377, %get3A_38 : vector<16xf32>
          %add3A_379 = arith.addf %mul3A_359, %mul3A_378 : vector<16xf32>
          %get3A_380 = arith.index_cast %add3A_343 : i32 to index
          %get3A_381 = arith.constant 128 : index
          %get3A_382 = tpu.vector_load %arg11[%get3A_380, %get3A_381] {strides = array<i32>} : memref<64x512xf32, #tpu.memory_space<vmem>>, vector<16xf32>,
          %mul3A_383 = arith.mulf %get3A_382, %get3A_40 : vector<16xf32>
          %add3A_384 = arith.addf %add3A_364, %mul3A_383 : vector<16xf32>
          %get3A_385 = arith.index_cast %add3A_343 : i32 to index
          %get3A_386 = arith.constant 144 : index
          %get3A_387 = tpu.vector_load %arg11[%get3A_385, %get3A_386] {strides = array<i32>} : memref<64x512xf32, #tpu.memory_space<vmem>>, vector<16xf32>,
          %mul3A_388 = arith.mulf %get3A_387, %get3A_42 : vector<16xf32>
          %add3A_389 = arith.addf %add3A_369, %mul3A_388 : vector<16xf32>
          %get3A_390 = arith.index_cast %add3A_343 : i32 to index
          %get3A_391 = arith.constant 160 : index
          %get3A_392 = tpu.vector_load %arg11[%get3A_390, %get3A_391] {strides = array<i32>} : memref<64x512xf32, #tpu.memory_space<vmem>>, vector<16xf32>,
          %mul3A_393 = arith.mulf %get3A_392, %get3A_44 : vector<16xf32>
          %add3A_394 = arith.addf %add3A_374, %mul3A_393 : vector<16xf32>
          %get3A_395 = arith.index_cast %add3A_343 : i32 to index
          %get3A_396 = arith.constant 176 : index
          %get3A_397 = tpu.vector_load %arg11[%get3A_395, %get3A_396] {strides = array<i32>} : memref<64x512xf32, #tpu.memory_space<vmem>>, vector<16xf32>,
          %mul3A_398 = arith.mulf %get3A_397, %get3A_46 : vector<16xf32>
          %add3A_399 = arith.addf %add3A_379, %mul3A_398 : vector<16xf32>
          %get3A_400 = arith.index_cast %add3A_343 : i32 to index
          %get3A_401 = arith.constant 192 : index
          %get3A_402 = tpu.vector_load %arg11[%get3A_400, %get3A_401] {strides = array<i32>} : memref<64x512xf32, #tpu.memory_space<vmem>>, vector<16xf32>,
          %mul3A_403 = arith.mulf %get3A_402, %get3A_48 : vector<16xf32>
          %add3A_404 = arith.addf %add3A_384, %mul3A_403 : vector<16xf32>
          %get3A_405 = arith.index_cast %add3A_343 : i32 to index
          %get3A_406 = arith.constant 208 : index
          %get3A_407 = tpu.vector_load %arg11[%get3A_405, %get3A_406] {strides = array<i32>} : memref<64x512xf32, #tpu.memory_space<vmem>>, vector<16xf32>,
          %mul3A_408 = arith.mulf %get3A_407, %get3A_50 : vector<16xf32>
          %add3A_409 = arith.addf %add3A_389, %mul3A_408 : vector<16xf32>
          %get3A_410 = arith.index_cast %add3A_343 : i32 to index
          %get3A_411 = arith.constant 224 : index
          %get3A_412 = tpu.vector_load %arg11[%get3A_410, %get3A_411] {strides = array<i32>} : memref<64x512xf32, #tpu.memory_space<vmem>>, vector<16xf32>,
          %mul3A_413 = arith.mulf %get3A_412, %get3A_52 : vector<16xf32>
          %add3A_414 = arith.addf %add3A_394, %mul3A_413 : vector<16xf32>
          %get3A_415 = arith.index_cast %add3A_343 : i32 to index
          %get3A_416 = arith.constant 240 : index
          %get3A_417 = tpu.vector_load %arg11[%get3A_415, %get3A_416] {strides = array<i32>} : memref<64x512xf32, #tpu.memory_space<vmem>>, vector<16xf32>,
          %mul3A_418 = arith.mulf %get3A_417, %get3A_54 : vector<16xf32>
          %add3A_419 = arith.addf %add3A_399, %mul3A_418 : vector<16xf32>
          %get3A_420 = arith.index_cast %add3A_343 : i32 to index
          %get3A_421 = arith.constant 256 : index
          %get3A_422 = tpu.vector_load %arg11[%get3A_420, %get3A_421] {strides = array<i32>} : memref<64x512xf32, #tpu.memory_space<vmem>>, vector<16xf32>,
          %mul3A_423 = arith.mulf %get3A_422, %get3A_56 : vector<16xf32>
          %add3A_424 = arith.addf %add3A_404, %mul3A_423 : vector<16xf32>
          %get3A_425 = arith.index_cast %add3A_343 : i32 to index
          %get3A_426 = arith.constant 272 : index
          %get3A_427 = tpu.vector_load %arg11[%get3A_425, %get3A_426] {strides = array<i32>} : memref<64x512xf32, #tpu.memory_space<vmem>>, vector<16xf32>,
          %mul3A_428 = arith.mulf %get3A_427, %get3A_58 : vector<16xf32>
          %add3A_429 = arith.addf %add3A_409, %mul3A_428 : vector<16xf32>
          %get3A_430 = arith.index_cast %add3A_343 : i32 to index
          %get3A_431 = arith.constant 288 : index
          %get3A_432 = tpu.vector_load %arg11[%get3A_430, %get3A_431] {strides = array<i32>} : memref<64x512xf32, #tpu.memory_space<vmem>>, vector<16xf32>,
          %mul3A_433 = arith.mulf %get3A_432, %get3A_60 : vector<16xf32>
          %add3A_434 = arith.addf %add3A_414, %mul3A_433 : vector<16xf32>
          %get3A_435 = arith.index_cast %add3A_343 : i32 to index
          %get3A_436 = arith.constant 304 : index
          %get3A_437 = tpu.vector_load %arg11[%get3A_435, %get3A_436] {strides = array<i32>} : memref<64x512xf32, #tpu.memory_space<vmem>>, vector<16xf32>,
          %mul3A_438 = arith.mulf %get3A_437, %get3A_62 : vector<16xf32>
          %add3A_439 = arith.addf %add3A_419, %mul3A_438 : vector<16xf32>
          %get3A_440 = arith.index_cast %add3A_343 : i32 to index
          %get3A_441 = arith.constant 320 : index
          %get3A_442 = tpu.vector_load %arg11[%get3A_440, %get3A_441] {strides = array<i32>} : memref<64x512xf32, #tpu.memory_space<vmem>>, vector<16xf32>,
          %mul3A_443 = arith.mulf %get3A_442, %get3A_64 : vector<16xf32>
          %add3A_444 = arith.addf %add3A_424, %mul3A_443 : vector<16xf32>
          %get3A_445 = arith.index_cast %add3A_343 : i32 to index
          %get3A_446 = arith.constant 336 : index
          %get3A_447 = tpu.vector_load %arg11[%get3A_445, %get3A_446] {strides = array<i32>} : memref<64x512xf32, #tpu.memory_space<vmem>>, vector<16xf32>,
          %mul3A_448 = arith.mulf %get3A_447, %get3A_66 : vector<16xf32>
          %add3A_449 = arith.addf %add3A_429, %mul3A_448 : vector<16xf32>
          %get3A_450 = arith.index_cast %add3A_343 : i32 to index
          %get3A_451 = arith.constant 352 : index
          %get3A_452 = tpu.vector_load %arg11[%get3A_450, %get3A_451] {strides = array<i32>} : memref<64x512xf32, #tpu.memory_space<vmem>>, vector<16xf32>,
          %mul3A_453 = arith.mulf %get3A_452, %get3A_68 : vector<16xf32>
          %add3A_454 = arith.addf %add3A_434, %mul3A_453 : vector<16xf32>
          %get3A_455 = arith.index_cast %add3A_343 : i32 to index
          %get3A_456 = arith.constant 368 : index
          %get3A_457 = tpu.vector_load %arg11[%get3A_455, %get3A_456] {strides = array<i32>} : memref<64x512xf32, #tpu.memory_space<vmem>>, vector<16xf32>,
          %mul3A_458 = arith.mulf %get3A_457, %get3A_70 : vector<16xf32>
          %add3A_459 = arith.addf %add3A_439, %mul3A_458 : vector<16xf32>
          %get3A_460 = arith.index_cast %add3A_343 : i32 to index
          %get3A_461 = arith.constant 384 : index
          %get3A_462 = tpu.vector_load %arg11[%get3A_460, %get3A_461] {strides = array<i32>} : memref<64x512xf32, #tpu.memory_space<vmem>>, vector<16xf32>,
          %mul3A_463 = arith.mulf %get3A_462, %get3A_72 : vector<16xf32>
          %add3A_464 = arith.addf %add3A_444, %mul3A_463 : vector<16xf32>
          %get3A_465 = arith.index_cast %add3A_343 : i32 to index
          %get3A_466 = arith.constant 400 : index
          %get3A_467 = tpu.vector_load %arg11[%get3A_465, %get3A_466] {strides = array<i32>} : memref<64x512xf32, #tpu.memory_space<vmem>>, vector<16xf32>,
          %mul3A_468 = arith.mulf %get3A_467, %get3A_74 : vector<16xf32>
          %add3A_469 = arith.addf %add3A_449, %mul3A_468 : vector<16xf32>
          %get3A_470 = arith.index_cast %add3A_343 : i32 to index
          %get3A_471 = arith.constant 416 : index
          %get3A_472 = tpu.vector_load %arg11[%get3A_470, %get3A_471] {strides = array<i32>} : memref<64x512xf32, #tpu.memory_space<vmem>>, vector<16xf32>,
          %mul3A_473 = arith.mulf %get3A_472, %get3A_76 : vector<16xf32>
          %add3A_474 = arith.addf %add3A_454, %mul3A_473 : vector<16xf32>
          %get3A_475 = arith.index_cast %add3A_343 : i32 to index
          %get3A_476 = arith.constant 432 : index
          %get3A_477 = tpu.vector_load %arg11[%get3A_475, %get3A_476] {strides = array<i32>} : memref<64x512xf32, #tpu.memory_space<vmem>>, vector<16xf32>,
          %mul3A_478 = arith.mulf %get3A_477, %get3A_78 : vector<16xf32>
          %add3A_479 = arith.addf %add3A_459, %mul3A_478 : vector<16xf32>
          %get3A_480 = arith.index_cast %add3A_343 : i32 to index
          %get3A_481 = arith.constant 448 : index
          %get3A_482 = tpu.vector_load %arg11[%get3A_480, %get3A_481] {strides = array<i32>} : memref<64x512xf32, #tpu.memory_space<vmem>>, vector<16xf32>,
          %mul3A_483 = arith.mulf %get3A_482, %get3A_80 : vector<16xf32>
          %add3A_484 = arith.addf %add3A_464, %mul3A_483 : vector<16xf32>
          %get3A_485 = arith.index_cast %add3A_343 : i32 to index
          %get3A_486 = arith.constant 464 : index
          %get3A_487 = tpu.vector_load %arg11[%get3A_485, %get3A_486] {strides = array<i32>} : memref<64x512xf32, #tpu.memory_space<vmem>>, vector<16xf32>,
          %mul3A_488 = arith.mulf %get3A_487, %get3A_82 : vector<16xf32>
          %add3A_489 = arith.addf %add3A_469, %mul3A_488 : vector<16xf32>
          %get3A_490 = arith.index_cast %add3A_343 : i32 to index
          %get3A_491 = arith.constant 480 : index
          %get3A_492 = tpu.vector_load %arg11[%get3A_490, %get3A_491] {strides = array<i32>} : memref<64x512xf32, #tpu.memory_space<vmem>>, vector<16xf32>,
          %mul3A_493 = arith.mulf %get3A_492, %get3A_84 : vector<16xf32>
          %add3A_494 = arith.addf %add3A_474, %mul3A_493 : vector<16xf32>
          %get3A_495 = arith.index_cast %add3A_343 : i32 to index
          %get3A_496 = arith.constant 496 : index
          %get3A_497 = tpu.vector_load %arg11[%get3A_495, %get3A_496] {strides = array<i32>} : memref<64x512xf32, #tpu.memory_space<vmem>>, vector<16xf32>,
          %mul3A_498 = arith.mulf %get3A_497, %get3A_86 : vector<16xf32>
          %add3A_499 = arith.addf %add3A_479, %mul3A_498 : vector<16xf32>
          %add3A_500 = arith.addf %add3A_484, %add3A_489 : vector<16xf32>
          %add3A_501 = arith.addf %add3A_494, %add3A_499 : vector<16xf32>
          %add3A_502 = arith.addf %add3A_500, %add3A_501 : vector<16xf32>
          %eq3A_503 = vector.broadcast %scan3A_339 : i32 to vector<16xi32>
          %eq3A_504 = arith.cmpi eq, %iota3A, %eq3A_503 : vector<16xi32>
          %reduce_sum3A_505 = arith.constant true
          %reduce_sum3A_506 = vector.broadcast %reduce_sum3A_505 : i1 to vector<16xi1>
          %reduce_sum3A_507 = tpu.scan <sum>, %add3A_502 masked %reduce_sum3A_506 : vector<16xf32>, vector<16xi1> -> vector<16xf32>
          %reduce_sum3A_508 = vector.extract %reduce_sum3A_507[15] : f32 from vector<16xf32>
          %broadcast_in_dim3A_509 = vector.broadcast %reduce_sum3A_508 : f32 to vector<16xf32>
          %select_n3A_510 = arith.select %eq3A_504, %broadcast_in_dim3A_509, %scan3A_340 : vector<16xi1>, vector<16xf32>
          scf.yield %select_n3A_510 : vector<16xf32>
        }
        %scan3A_333 = arith.constant 16 : i32
        %mul3A_334 = arith.constant 16 : i32
        %mul3A_335 = arith.muli %scan3A_325, %mul3A_334 : i32
        %add3A_336 = arith.addi %mul3A_247, %mul3A_335 : i32
        %swap3A_337 = arith.index_cast %add3A_336 : i32 to index
        %swap3A_338 = tpu.vector_load %arg9[%swap3A_337] {strides = array<i32>} : memref<2048xf32, #tpu.memory_space<vmem>>, vector<16xf32>,
        tpu.vector_store %arg9[%swap3A_337], %scan3A_332 {strides = array<i32>} : memref<2048xf32, #tpu.memory_space<vmem>>, vector<16xf32>,
      }
      %scan3A_253 = arith.constant 4 : i32
      %add3A_254 = arith.constant 3 : i32
      %add3A_255 = arith.addi %add3A_237, %add3A_254 : i32
      %rem3A = arith.constant 32 : i32
      %rem3A_256 = arith.remsi %add3A_255, %rem3A : i32
      %mul3A_257 = arith.constant 64 : i32
      %mul3A_258 = arith.muli %rem3A_256, %mul3A_257 : i32
      %dma_start3A_259 = arith.constant 0 : i32
      %dma_start3A_260 = tpu.memref_slice %arg2[%add3A, %mul3A_258, %dma_start3A_259] : memref<32x2048x512xf32, #tpu.memory_space<hbm>> -> memref<1x64x512xf32, #tpu.memory_space<hbm>>
      %dma_start3A_261 = tpu.memref_squeeze %dma_start3A_260 : memref<1x64x512xf32, #tpu.memory_space<hbm>> -> memref<64x512xf32, #tpu.memory_space<hbm>>
      %dma_start3A_262 = arith.constant 0 : i32
      %dma_start3A_263 = tpu.memref_slice %arg2[%add3A, %mul3A_258, %dma_start3A_262] : memref<32x2048x512xf32, #tpu.memory_space<hbm>> -> memref<1x64x512xf32, #tpu.memory_space<hbm>>
      %dma_start3A_264 = tpu.memref_squeeze %dma_start3A_263 : memref<1x64x512xf32, #tpu.memory_space<hbm>> -> memref<64x512xf32, #tpu.memory_space<hbm>>
      tpu.enqueue_dma source(%dma_start3A_264 : memref<64x512xf32, #tpu.memory_space<hbm>>) target(%arg11 : memref<64x512xf32, #tpu.memory_space<vmem>>) target_semaphore(%arg14 : memref<!tpu.dma_semaphore, #tpu.memory_space<semaphore_mem>>)
      %add3A_265 = arith.constant 1 : i32
      %add3A_266 = arith.addi %mul3A_235, %add3A_265 : i32
      %mul3A_267 = arith.constant 64 : i32
      %mul3A_268 = arith.muli %add3A_266, %mul3A_267 : i32
      %dma_wait3A_269 = arith.constant 0 : i32
      %dma_wait3A_270 = tpu.memref_slice %arg2[%add3A, %mul3A_268, %dma_wait3A_269] : memref<32x2048x512xf32, #tpu.memory_space<hbm>> -> memref<1x64x512xf32, #tpu.memory_space<hbm>>
      %dma_wait3A_271 = tpu.memref_squeeze %dma_wait3A_270 : memref<1x64x512xf32, #tpu.memory_space<hbm>> -> memref<64x512xf32, #tpu.memory_space<hbm>>
      %dma_wait3A_272 = arith.constant 0 : i32
      %dma_wait3A_273 = tpu.memref_slice %arg2[%add3A, %mul3A_268, %dma_wait3A_272] : memref<32x2048x512xf32, #tpu.memory_space<hbm>> -> memref<1x64x512xf32, #tpu.memory_space<hbm>>
      %dma_wait3A_274 = tpu.memref_squeeze %dma_wait3A_273 : memref<1x64x512xf32, #tpu.memory_space<hbm>> -> memref<64x512xf32, #tpu.memory_space<hbm>>
      tpu.wait_dma2 semaphore(%arg15 : memref<!tpu.dma_semaphore, #tpu.memory_space<semaphore_mem>>) src(%dma_wait3A_274 : memref<64x512xf32, #tpu.memory_space<hbm>>) dst(%arg12 : memref<64x512xf32, #tpu.memory_space<vmem>>)
      %mul3A_275 = arith.constant 64 : i32
      %mul3A_276 = arith.muli %add3A_266, %mul3A_275 : i32
      %scan3A_277 = arith.constant 0 : i32
      %scan3A_278 = arith.constant 0 : i32
      %scan3A_279 = arith.constant 4 : i32
      %scan3A_280 = arith.addi %scan3A_278, %scan3A_279 : i32
      %scan3A_281 = arith.constant 1 : i32
      scf.for %scan3A_325 = %scan3A_278 to %scan3A_280 step %scan3A_281  : i32 {
        %broadcast_in_dim3A_326 = arith.constant 0.000000e+00 : f32
        %broadcast_in_dim3A_327 = vector.broadcast %broadcast_in_dim3A_326 : f32 to vector<16xf32>
        %scan3A_328 = arith.constant 0 : i32
        %scan3A_329 = arith.constant 16 : i32
        %scan3A_330 = arith.addi %scan3A_328, %scan3A_329 : i32
        %scan3A_331 = arith.constant 1 : i32
        %scan3A_332 = scf.for %scan3A_339 = %scan3A_328 to %scan3A_330 step %scan3A_331 iter_args(%scan3A_340 = %broadcast_in_dim3A_327) -> (vector<16xf32>)  : i32 {
          %mul3A_341 = arith.constant 16 : i32
          %mul3A_342 = arith.muli %scan3A_325, %mul3A_341 : i32
          %add3A_343 = arith.addi %mul3A_342, %scan3A_339 : i32
          %get3A_344 = arith.index_cast %add3A_343 : i32 to index
          %get3A_345 = arith.constant 0 : index
          %get3A_346 = tpu.vector_load %arg12[%get3A_344, %get3A_345] {strides = array<i32>} : memref<64x512xf32, #tpu.memory_space<vmem>>, vector<16xf32>,
          %mul3A_347 = arith.mulf %get3A_346, %get3A_24 : vector<16xf32>
          %get3A_348 = arith.index_cast %add3A_343 : i32 to index
          %get3A_349 = arith.constant 16 : index
          %get3A_350 = tpu.vector_load %arg12[%get3A_348, %get3A_349] {strides = array<i32>} : memref<64x512xf32, #tpu.memory_space<vmem>>, vector<16xf32>,
          %mul3A_351 = arith.mulf %get3A_350, %get3A_26 : vector<16xf32>
          %get3A_352 = arith.index_cast %add3A_343 : i32 to index
          %get3A_353 = arith.constant 32 : index
          %get3A_354 = tpu.vector_load %arg12[%get3A_352, %get3A_353] {strides = array<i32>} : memref<64x512xf32, #tpu.memory_space<vmem>>, vector<16xf32>,
          %mul3A_355 = arith.mulf %get3A_354, %get3A_28 : vector<16xf32>
          %get3A_356 = arith.index_cast %add3A_343 : i32 to index
          %get3A_357 = arith.constant 48 : index
          %get3A_358 = tpu.vector_load %arg12[%get3A_356, %get3A_357] {strides = array<i32>} : memref<64x512xf32, #tpu.memory_space<vmem>>, vector<16xf32>,
          %mul3A_359 = arith.mulf %get3A_358, %get3A_30 : vector<16xf32>
          %get3A_360 = arith.index_cast %add3A_343 : i32 to index
          %get3A_361 = arith.constant 64 : index
          %get3A_362 = tpu.vector_load %arg12[%get3A_360, %get3A_361] {strides = array<i32>} : memref<64x512xf32, #tpu.memory_space<vmem>>, vector<16xf32>,
          %mul3A_363 = arith.mulf %get3A_362, %get3A_32 : vector<16xf32>
          %add3A_364 = arith.addf %mul3A_347, %mul3A_363 : vector<16xf32>
          %get3A_365 = arith.index_cast %add3A_343 : i32 to index
          %get3A_366 = arith.constant 80 : index
          %get3A_367 = tpu.vector_load %arg12[%get3A_365, %get3A_366] {strides = array<i32>} : memref<64x512xf32, #tpu.memory_space<vmem>>, vector<16xf32>,
          %mul3A_368 = arith.mulf %get3A_367, %get3A_34 : vector<16xf32>
          %add3A_369 = arith.addf %mul3A_351, %mul3A_368 : vector<16xf32>
          %get3A_370 = arith.index_cast %add3A_343 : i32 to index
          %get3A_371 = arith.constant 96 : index
          %get3A_372 = tpu.vector_load %arg12[%get3A_370, %get3A_371] {strides = array<i32>} : memref<64x512xf32, #tpu.memory_space<vmem>>, vector<16xf32>,
          %mul3A_373 = arith.mulf %get3A_372, %get3A_36 : vector<16xf32>
          %add3A_374 = arith.addf %mul3A_355, %mul3A_373 : vector<16xf32>
          %get3A_375 = arith.index_cast %add3A_343 : i32 to index
          %get3A_376 = arith.constant 112 : index
          %get3A_377 = tpu.vector_load %arg12[%get3A_375, %get3A_376] {strides = array<i32>} : memref<64x512xf32, #tpu.memory_space<vmem>>, vector<16xf32>,
          %mul3A_378 = arith.mulf %get3A_377, %get3A_38 : vector<16xf32>
          %add3A_379 = arith.addf %mul3A_359, %mul3A_378 : vector<16xf32>
          %get3A_380 = arith.index_cast %add3A_343 : i32 to index
          %get3A_381 = arith.constant 128 : index
          %get3A_382 = tpu.vector_load %arg12[%get3A_380, %get3A_381] {strides = array<i32>} : memref<64x512xf32, #tpu.memory_space<vmem>>, vector<16xf32>,
          %mul3A_383 = arith.mulf %get3A_382, %get3A_40 : vector<16xf32>
          %add3A_384 = arith.addf %add3A_364, %mul3A_383 : vector<16xf32>
          %get3A_385 = arith.index_cast %add3A_343 : i32 to index
          %get3A_386 = arith.constant 144 : index
          %get3A_387 = tpu.vector_load %arg12[%get3A_385, %get3A_386] {strides = array<i32>} : memref<64x512xf32, #tpu.memory_space<vmem>>, vector<16xf32>,
          %mul3A_388 = arith.mulf %get3A_387, %get3A_42 : vector<16xf32>
          %add3A_389 = arith.addf %add3A_369, %mul3A_388 : vector<16xf32>
          %get3A_390 = arith.index_cast %add3A_343 : i32 to index
          %get3A_391 = arith.constant 160 : index
          %get3A_392 = tpu.vector_load %arg12[%get3A_390, %get3A_391] {strides = array<i32>} : memref<64x512xf32, #tpu.memory_space<vmem>>, vector<16xf32>,
          %mul3A_393 = arith.mulf %get3A_392, %get3A_44 : vector<16xf32>
          %add3A_394 = arith.addf %add3A_374, %mul3A_393 : vector<16xf32>
          %get3A_395 = arith.index_cast %add3A_343 : i32 to index
          %get3A_396 = arith.constant 176 : index
          %get3A_397 = tpu.vector_load %arg12[%get3A_395, %get3A_396] {strides = array<i32>} : memref<64x512xf32, #tpu.memory_space<vmem>>, vector<16xf32>,
          %mul3A_398 = arith.mulf %get3A_397, %get3A_46 : vector<16xf32>
          %add3A_399 = arith.addf %add3A_379, %mul3A_398 : vector<16xf32>
          %get3A_400 = arith.index_cast %add3A_343 : i32 to index
          %get3A_401 = arith.constant 192 : index
          %get3A_402 = tpu.vector_load %arg12[%get3A_400, %get3A_401] {strides = array<i32>} : memref<64x512xf32, #tpu.memory_space<vmem>>, vector<16xf32>,
          %mul3A_403 = arith.mulf %get3A_402, %get3A_48 : vector<16xf32>
          %add3A_404 = arith.addf %add3A_384, %mul3A_403 : vector<16xf32>
          %get3A_405 = arith.index_cast %add3A_343 : i32 to index
          %get3A_406 = arith.constant 208 : index
          %get3A_407 = tpu.vector_load %arg12[%get3A_405, %get3A_406] {strides = array<i32>} : memref<64x512xf32, #tpu.memory_space<vmem>>, vector<16xf32>,
          %mul3A_408 = arith.mulf %get3A_407, %get3A_50 : vector<16xf32>
          %add3A_409 = arith.addf %add3A_389, %mul3A_408 : vector<16xf32>
          %get3A_410 = arith.index_cast %add3A_343 : i32 to index
          %get3A_411 = arith.constant 224 : index
          %get3A_412 = tpu.vector_load %arg12[%get3A_410, %get3A_411] {strides = array<i32>} : memref<64x512xf32, #tpu.memory_space<vmem>>, vector<16xf32>,
          %mul3A_413 = arith.mulf %get3A_412, %get3A_52 : vector<16xf32>
          %add3A_414 = arith.addf %add3A_394, %mul3A_413 : vector<16xf32>
          %get3A_415 = arith.index_cast %add3A_343 : i32 to index
          %get3A_416 = arith.constant 240 : index
          %get3A_417 = tpu.vector_load %arg12[%get3A_415, %get3A_416] {strides = array<i32>} : memref<64x512xf32, #tpu.memory_space<vmem>>, vector<16xf32>,
          %mul3A_418 = arith.mulf %get3A_417, %get3A_54 : vector<16xf32>
          %add3A_419 = arith.addf %add3A_399, %mul3A_418 : vector<16xf32>
          %get3A_420 = arith.index_cast %add3A_343 : i32 to index
          %get3A_421 = arith.constant 256 : index
          %get3A_422 = tpu.vector_load %arg12[%get3A_420, %get3A_421] {strides = array<i32>} : memref<64x512xf32, #tpu.memory_space<vmem>>, vector<16xf32>,
          %mul3A_423 = arith.mulf %get3A_422, %get3A_56 : vector<16xf32>
          %add3A_424 = arith.addf %add3A_404, %mul3A_423 : vector<16xf32>
          %get3A_425 = arith.index_cast %add3A_343 : i32 to index
          %get3A_426 = arith.constant 272 : index
          %get3A_427 = tpu.vector_load %arg12[%get3A_425, %get3A_426] {strides = array<i32>} : memref<64x512xf32, #tpu.memory_space<vmem>>, vector<16xf32>,
          %mul3A_428 = arith.mulf %get3A_427, %get3A_58 : vector<16xf32>
          %add3A_429 = arith.addf %add3A_409, %mul3A_428 : vector<16xf32>
          %get3A_430 = arith.index_cast %add3A_343 : i32 to index
          %get3A_431 = arith.constant 288 : index
          %get3A_432 = tpu.vector_load %arg12[%get3A_430, %get3A_431] {strides = array<i32>} : memref<64x512xf32, #tpu.memory_space<vmem>>, vector<16xf32>,
          %mul3A_433 = arith.mulf %get3A_432, %get3A_60 : vector<16xf32>
          %add3A_434 = arith.addf %add3A_414, %mul3A_433 : vector<16xf32>
          %get3A_435 = arith.index_cast %add3A_343 : i32 to index
          %get3A_436 = arith.constant 304 : index
          %get3A_437 = tpu.vector_load %arg12[%get3A_435, %get3A_436] {strides = array<i32>} : memref<64x512xf32, #tpu.memory_space<vmem>>, vector<16xf32>,
          %mul3A_438 = arith.mulf %get3A_437, %get3A_62 : vector<16xf32>
          %add3A_439 = arith.addf %add3A_419, %mul3A_438 : vector<16xf32>
          %get3A_440 = arith.index_cast %add3A_343 : i32 to index
          %get3A_441 = arith.constant 320 : index
          %get3A_442 = tpu.vector_load %arg12[%get3A_440, %get3A_441] {strides = array<i32>} : memref<64x512xf32, #tpu.memory_space<vmem>>, vector<16xf32>,
          %mul3A_443 = arith.mulf %get3A_442, %get3A_64 : vector<16xf32>
          %add3A_444 = arith.addf %add3A_424, %mul3A_443 : vector<16xf32>
          %get3A_445 = arith.index_cast %add3A_343 : i32 to index
          %get3A_446 = arith.constant 336 : index
          %get3A_447 = tpu.vector_load %arg12[%get3A_445, %get3A_446] {strides = array<i32>} : memref<64x512xf32, #tpu.memory_space<vmem>>, vector<16xf32>,
          %mul3A_448 = arith.mulf %get3A_447, %get3A_66 : vector<16xf32>
          %add3A_449 = arith.addf %add3A_429, %mul3A_448 : vector<16xf32>
          %get3A_450 = arith.index_cast %add3A_343 : i32 to index
          %get3A_451 = arith.constant 352 : index
          %get3A_452 = tpu.vector_load %arg12[%get3A_450, %get3A_451] {strides = array<i32>} : memref<64x512xf32, #tpu.memory_space<vmem>>, vector<16xf32>,
          %mul3A_453 = arith.mulf %get3A_452, %get3A_68 : vector<16xf32>
          %add3A_454 = arith.addf %add3A_434, %mul3A_453 : vector<16xf32>
          %get3A_455 = arith.index_cast %add3A_343 : i32 to index
          %get3A_456 = arith.constant 368 : index
          %get3A_457 = tpu.vector_load %arg12[%get3A_455, %get3A_456] {strides = array<i32>} : memref<64x512xf32, #tpu.memory_space<vmem>>, vector<16xf32>,
          %mul3A_458 = arith.mulf %get3A_457, %get3A_70 : vector<16xf32>
          %add3A_459 = arith.addf %add3A_439, %mul3A_458 : vector<16xf32>
          %get3A_460 = arith.index_cast %add3A_343 : i32 to index
          %get3A_461 = arith.constant 384 : index
          %get3A_462 = tpu.vector_load %arg12[%get3A_460, %get3A_461] {strides = array<i32>} : memref<64x512xf32, #tpu.memory_space<vmem>>, vector<16xf32>,
          %mul3A_463 = arith.mulf %get3A_462, %get3A_72 : vector<16xf32>
          %add3A_464 = arith.addf %add3A_444, %mul3A_463 : vector<16xf32>
          %get3A_465 = arith.index_cast %add3A_343 : i32 to index
          %get3A_466 = arith.constant 400 : index
          %get3A_467 = tpu.vector_load %arg12[%get3A_465, %get3A_466] {strides = array<i32>} : memref<64x512xf32, #tpu.memory_space<vmem>>, vector<16xf32>,
          %mul3A_468 = arith.mulf %get3A_467, %get3A_74 : vector<16xf32>
          %add3A_469 = arith.addf %add3A_449, %mul3A_468 : vector<16xf32>
          %get3A_470 = arith.index_cast %add3A_343 : i32 to index
          %get3A_471 = arith.constant 416 : index
          %get3A_472 = tpu.vector_load %arg12[%get3A_470, %get3A_471] {strides = array<i32>} : memref<64x512xf32, #tpu.memory_space<vmem>>, vector<16xf32>,
          %mul3A_473 = arith.mulf %get3A_472, %get3A_76 : vector<16xf32>
          %add3A_474 = arith.addf %add3A_454, %mul3A_473 : vector<16xf32>
          %get3A_475 = arith.index_cast %add3A_343 : i32 to index
          %get3A_476 = arith.constant 432 : index
          %get3A_477 = tpu.vector_load %arg12[%get3A_475, %get3A_476] {strides = array<i32>} : memref<64x512xf32, #tpu.memory_space<vmem>>, vector<16xf32>,
          %mul3A_478 = arith.mulf %get3A_477, %get3A_78 : vector<16xf32>
          %add3A_479 = arith.addf %add3A_459, %mul3A_478 : vector<16xf32>
          %get3A_480 = arith.index_cast %add3A_343 : i32 to index
          %get3A_481 = arith.constant 448 : index
          %get3A_482 = tpu.vector_load %arg12[%get3A_480, %get3A_481] {strides = array<i32>} : memref<64x512xf32, #tpu.memory_space<vmem>>, vector<16xf32>,
          %mul3A_483 = arith.mulf %get3A_482, %get3A_80 : vector<16xf32>
          %add3A_484 = arith.addf %add3A_464, %mul3A_483 : vector<16xf32>
          %get3A_485 = arith.index_cast %add3A_343 : i32 to index
          %get3A_486 = arith.constant 464 : index
          %get3A_487 = tpu.vector_load %arg12[%get3A_485, %get3A_486] {strides = array<i32>} : memref<64x512xf32, #tpu.memory_space<vmem>>, vector<16xf32>,
          %mul3A_488 = arith.mulf %get3A_487, %get3A_82 : vector<16xf32>
          %add3A_489 = arith.addf %add3A_469, %mul3A_488 : vector<16xf32>
          %get3A_490 = arith.index_cast %add3A_343 : i32 to index
          %get3A_491 = arith.constant 480 : index
          %get3A_492 = tpu.vector_load %arg12[%get3A_490, %get3A_491] {strides = array<i32>} : memref<64x512xf32, #tpu.memory_space<vmem>>, vector<16xf32>,
          %mul3A_493 = arith.mulf %get3A_492, %get3A_84 : vector<16xf32>
          %add3A_494 = arith.addf %add3A_474, %mul3A_493 : vector<16xf32>
          %get3A_495 = arith.index_cast %add3A_343 : i32 to index
          %get3A_496 = arith.constant 496 : index
          %get3A_497 = tpu.vector_load %arg12[%get3A_495, %get3A_496] {strides = array<i32>} : memref<64x512xf32, #tpu.memory_space<vmem>>, vector<16xf32>,
          %mul3A_498 = arith.mulf %get3A_497, %get3A_86 : vector<16xf32>
          %add3A_499 = arith.addf %add3A_479, %mul3A_498 : vector<16xf32>
          %add3A_500 = arith.addf %add3A_484, %add3A_489 : vector<16xf32>
          %add3A_501 = arith.addf %add3A_494, %add3A_499 : vector<16xf32>
          %add3A_502 = arith.addf %add3A_500, %add3A_501 : vector<16xf32>
          %eq3A_503 = vector.broadcast %scan3A_339 : i32 to vector<16xi32>
          %eq3A_504 = arith.cmpi eq, %iota3A, %eq3A_503 : vector<16xi32>
          %reduce_sum3A_505 = arith.constant true
          %reduce_sum3A_506 = vector.broadcast %reduce_sum3A_505 : i1 to vector<16xi1>
          %reduce_sum3A_507 = tpu.scan <sum>, %add3A_502 masked %reduce_sum3A_506 : vector<16xf32>, vector<16xi1> -> vector<16xf32>
          %reduce_sum3A_508 = vector.extract %reduce_sum3A_507[15] : f32 from vector<16xf32>
          %broadcast_in_dim3A_509 = vector.broadcast %reduce_sum3A_508 : f32 to vector<16xf32>
          %select_n3A_510 = arith.select %eq3A_504, %broadcast_in_dim3A_509, %scan3A_340 : vector<16xi1>, vector<16xf32>
          scf.yield %select_n3A_510 : vector<16xf32>
        }
        %scan3A_333 = arith.constant 16 : i32
        %mul3A_334 = arith.constant 16 : i32
        %mul3A_335 = arith.muli %scan3A_325, %mul3A_334 : i32
        %add3A_336 = arith.addi %mul3A_276, %mul3A_335 : i32
        %swap3A_337 = arith.index_cast %add3A_336 : i32 to index
        %swap3A_338 = tpu.vector_load %arg9[%swap3A_337] {strides = array<i32>} : memref<2048xf32, #tpu.memory_space<vmem>>, vector<16xf32>,
        tpu.vector_store %arg9[%swap3A_337], %scan3A_332 {strides = array<i32>} : memref<2048xf32, #tpu.memory_space<vmem>>, vector<16xf32>,
      }
      %scan3A_282 = arith.constant 4 : i32
      %add3A_283 = arith.constant 3 : i32
      %add3A_284 = arith.addi %add3A_266, %add3A_283 : i32
      %rem3A_285 = arith.constant 32 : i32
      %rem3A_286 = arith.remsi %add3A_284, %rem3A_285 : i32
      %mul3A_287 = arith.constant 64 : i32
      %mul3A_288 = arith.muli %rem3A_286, %mul3A_287 : i32
      %dma_start3A_289 = arith.constant 0 : i32
      %dma_start3A_290 = tpu.memref_slice %arg2[%add3A, %mul3A_288, %dma_start3A_289] : memref<32x2048x512xf32, #tpu.memory_space<hbm>> -> memref<1x64x512xf32, #tpu.memory_space<hbm>>
      %dma_start3A_291 = tpu.memref_squeeze %dma_start3A_290 : memref<1x64x512xf32, #tpu.memory_space<hbm>> -> memref<64x512xf32, #tpu.memory_space<hbm>>
      %dma_start3A_292 = arith.constant 0 : i32
      %dma_start3A_293 = tpu.memref_slice %arg2[%add3A, %mul3A_288, %dma_start3A_292] : memref<32x2048x512xf32, #tpu.memory_space<hbm>> -> memref<1x64x512xf32, #tpu.memory_space<hbm>>
      %dma_start3A_294 = tpu.memref_squeeze %dma_start3A_293 : memref<1x64x512xf32, #tpu.memory_space<hbm>> -> memref<64x512xf32, #tpu.memory_space<hbm>>
      tpu.enqueue_dma source(%dma_start3A_294 : memref<64x512xf32, #tpu.memory_space<hbm>>) target(%arg12 : memref<64x512xf32, #tpu.memory_space<vmem>>) target_semaphore(%arg15 : memref<!tpu.dma_semaphore, #tpu.memory_space<semaphore_mem>>)
      %add3A_295 = arith.constant 2 : i32
      %add3A_296 = arith.addi %mul3A_235, %add3A_295 : i32
      %mul3A_297 = arith.constant 64 : i32
      %mul3A_298 = arith.muli %add3A_296, %mul3A_297 : i32
      %dma_wait3A_299 = arith.constant 0 : i32
      %dma_wait3A_300 = tpu.memref_slice %arg2[%add3A, %mul3A_298, %dma_wait3A_299] : memref<32x2048x512xf32, #tpu.memory_space<hbm>> -> memref<1x64x512xf32, #tpu.memory_space<hbm>>
      %dma_wait3A_301 = tpu.memref_squeeze %dma_wait3A_300 : memref<1x64x512xf32, #tpu.memory_space<hbm>> -> memref<64x512xf32, #tpu.memory_space<hbm>>
      %dma_wait3A_302 = arith.constant 0 : i32
      %dma_wait3A_303 = tpu.memref_slice %arg2[%add3A, %mul3A_298, %dma_wait3A_302] : memref<32x2048x512xf32, #tpu.memory_space<hbm>> -> memref<1x64x512xf32, #tpu.memory_space<hbm>>
      %dma_wait3A_304 = tpu.memref_squeeze %dma_wait3A_303 : memref<1x64x512xf32, #tpu.memory_space<hbm>> -> memref<64x512xf32, #tpu.memory_space<hbm>>
      tpu.wait_dma2 semaphore(%arg16 : memref<!tpu.dma_semaphore, #tpu.memory_space<semaphore_mem>>) src(%dma_wait3A_304 : memref<64x512xf32, #tpu.memory_space<hbm>>) dst(%arg13 : memref<64x512xf32, #tpu.memory_space<vmem>>)
      %mul3A_305 = arith.constant 64 : i32
      %mul3A_306 = arith.muli %add3A_296, %mul3A_305 : i32
      %scan3A_307 = arith.constant 0 : i32
      %scan3A_308 = arith.constant 0 : i32
      %scan3A_309 = arith.constant 4 : i32
      %scan3A_310 = arith.addi %scan3A_308, %scan3A_309 : i32
      %scan3A_311 = arith.constant 1 : i32
      scf.for %scan3A_325 = %scan3A_308 to %scan3A_310 step %scan3A_311  : i32 {
        %broadcast_in_dim3A_326 = arith.constant 0.000000e+00 : f32
        %broadcast_in_dim3A_327 = vector.broadcast %broadcast_in_dim3A_326 : f32 to vector<16xf32>
        %scan3A_328 = arith.constant 0 : i32
        %scan3A_329 = arith.constant 16 : i32
        %scan3A_330 = arith.addi %scan3A_328, %scan3A_329 : i32
        %scan3A_331 = arith.constant 1 : i32
        %scan3A_332 = scf.for %scan3A_339 = %scan3A_328 to %scan3A_330 step %scan3A_331 iter_args(%scan3A_340 = %broadcast_in_dim3A_327) -> (vector<16xf32>)  : i32 {
          %mul3A_341 = arith.constant 16 : i32
          %mul3A_342 = arith.muli %scan3A_325, %mul3A_341 : i32
          %add3A_343 = arith.addi %mul3A_342, %scan3A_339 : i32
          %get3A_344 = arith.index_cast %add3A_343 : i32 to index
          %get3A_345 = arith.constant 0 : index
          %get3A_346 = tpu.vector_load %arg13[%get3A_344, %get3A_345] {strides = array<i32>} : memref<64x512xf32, #tpu.memory_space<vmem>>, vector<16xf32>,
          %mul3A_347 = arith.mulf %get3A_346, %get3A_24 : vector<16xf32>
          %get3A_348 = arith.index_cast %add3A_343 : i32 to index
          %get3A_349 = arith.constant 16 : index
          %get3A_350 = tpu.vector_load %arg13[%get3A_348, %get3A_349] {strides = array<i32>} : memref<64x512xf32, #tpu.memory_space<vmem>>, vector<16xf32>,
          %mul3A_351 = arith.mulf %get3A_350, %get3A_26 : vector<16xf32>
          %get3A_352 = arith.index_cast %add3A_343 : i32 to index
          %get3A_353 = arith.constant 32 : index
          %get3A_354 = tpu.vector_load %arg13[%get3A_352, %get3A_353] {strides = array<i32>} : memref<64x512xf32, #tpu.memory_space<vmem>>, vector<16xf32>,
          %mul3A_355 = arith.mulf %get3A_354, %get3A_28 : vector<16xf32>
          %get3A_356 = arith.index_cast %add3A_343 : i32 to index
          %get3A_357 = arith.constant 48 : index
          %get3A_358 = tpu.vector_load %arg13[%get3A_356, %get3A_357] {strides = array<i32>} : memref<64x512xf32, #tpu.memory_space<vmem>>, vector<16xf32>,
          %mul3A_359 = arith.mulf %get3A_358, %get3A_30 : vector<16xf32>
          %get3A_360 = arith.index_cast %add3A_343 : i32 to index
          %get3A_361 = arith.constant 64 : index
          %get3A_362 = tpu.vector_load %arg13[%get3A_360, %get3A_361] {strides = array<i32>} : memref<64x512xf32, #tpu.memory_space<vmem>>, vector<16xf32>,
          %mul3A_363 = arith.mulf %get3A_362, %get3A_32 : vector<16xf32>
          %add3A_364 = arith.addf %mul3A_347, %mul3A_363 : vector<16xf32>
          %get3A_365 = arith.index_cast %add3A_343 : i32 to index
          %get3A_366 = arith.constant 80 : index
          %get3A_367 = tpu.vector_load %arg13[%get3A_365, %get3A_366] {strides = array<i32>} : memref<64x512xf32, #tpu.memory_space<vmem>>, vector<16xf32>,
          %mul3A_368 = arith.mulf %get3A_367, %get3A_34 : vector<16xf32>
          %add3A_369 = arith.addf %mul3A_351, %mul3A_368 : vector<16xf32>
          %get3A_370 = arith.index_cast %add3A_343 : i32 to index
          %get3A_371 = arith.constant 96 : index
          %get3A_372 = tpu.vector_load %arg13[%get3A_370, %get3A_371] {strides = array<i32>} : memref<64x512xf32, #tpu.memory_space<vmem>>, vector<16xf32>,
          %mul3A_373 = arith.mulf %get3A_372, %get3A_36 : vector<16xf32>
          %add3A_374 = arith.addf %mul3A_355, %mul3A_373 : vector<16xf32>
          %get3A_375 = arith.index_cast %add3A_343 : i32 to index
          %get3A_376 = arith.constant 112 : index
          %get3A_377 = tpu.vector_load %arg13[%get3A_375, %get3A_376] {strides = array<i32>} : memref<64x512xf32, #tpu.memory_space<vmem>>, vector<16xf32>,
          %mul3A_378 = arith.mulf %get3A_377, %get3A_38 : vector<16xf32>
          %add3A_379 = arith.addf %mul3A_359, %mul3A_378 : vector<16xf32>
          %get3A_380 = arith.index_cast %add3A_343 : i32 to index
          %get3A_381 = arith.constant 128 : index
          %get3A_382 = tpu.vector_load %arg13[%get3A_380, %get3A_381] {strides = array<i32>} : memref<64x512xf32, #tpu.memory_space<vmem>>, vector<16xf32>,
          %mul3A_383 = arith.mulf %get3A_382, %get3A_40 : vector<16xf32>
          %add3A_384 = arith.addf %add3A_364, %mul3A_383 : vector<16xf32>
          %get3A_385 = arith.index_cast %add3A_343 : i32 to index
          %get3A_386 = arith.constant 144 : index
          %get3A_387 = tpu.vector_load %arg13[%get3A_385, %get3A_386] {strides = array<i32>} : memref<64x512xf32, #tpu.memory_space<vmem>>, vector<16xf32>,
          %mul3A_388 = arith.mulf %get3A_387, %get3A_42 : vector<16xf32>
          %add3A_389 = arith.addf %add3A_369, %mul3A_388 : vector<16xf32>
          %get3A_390 = arith.index_cast %add3A_343 : i32 to index
          %get3A_391 = arith.constant 160 : index
          %get3A_392 = tpu.vector_load %arg13[%get3A_390, %get3A_391] {strides = array<i32>} : memref<64x512xf32, #tpu.memory_space<vmem>>, vector<16xf32>,
          %mul3A_393 = arith.mulf %get3A_392, %get3A_44 : vector<16xf32>
          %add3A_394 = arith.addf %add3A_374, %mul3A_393 : vector<16xf32>
          %get3A_395 = arith.index_cast %add3A_343 : i32 to index
          %get3A_396 = arith.constant 176 : index
          %get3A_397 = tpu.vector_load %arg13[%get3A_395, %get3A_396] {strides = array<i32>} : memref<64x512xf32, #tpu.memory_space<vmem>>, vector<16xf32>,
          %mul3A_398 = arith.mulf %get3A_397, %get3A_46 : vector<16xf32>
          %add3A_399 = arith.addf %add3A_379, %mul3A_398 : vector<16xf32>
          %get3A_400 = arith.index_cast %add3A_343 : i32 to index
          %get3A_401 = arith.constant 192 : index
          %get3A_402 = tpu.vector_load %arg13[%get3A_400, %get3A_401] {strides = array<i32>} : memref<64x512xf32, #tpu.memory_space<vmem>>, vector<16xf32>,
          %mul3A_403 = arith.mulf %get3A_402, %get3A_48 : vector<16xf32>
          %add3A_404 = arith.addf %add3A_384, %mul3A_403 : vector<16xf32>
          %get3A_405 = arith.index_cast %add3A_343 : i32 to index
          %get3A_406 = arith.constant 208 : index
          %get3A_407 = tpu.vector_load %arg13[%get3A_405, %get3A_406] {strides = array<i32>} : memref<64x512xf32, #tpu.memory_space<vmem>>, vector<16xf32>,
          %mul3A_408 = arith.mulf %get3A_407, %get3A_50 : vector<16xf32>
          %add3A_409 = arith.addf %add3A_389, %mul3A_408 : vector<16xf32>
          %get3A_410 = arith.index_cast %add3A_343 : i32 to index
          %get3A_411 = arith.constant 224 : index
          %get3A_412 = tpu.vector_load %arg13[%get3A_410, %get3A_411] {strides = array<i32>} : memref<64x512xf32, #tpu.memory_space<vmem>>, vector<16xf32>,
          %mul3A_413 = arith.mulf %get3A_412, %get3A_52 : vector<16xf32>
          %add3A_414 = arith.addf %add3A_394, %mul3A_413 : vector<16xf32>
          %get3A_415 = arith.index_cast %add3A_343 : i32 to index
          %get3A_416 = arith.constant 240 : index
          %get3A_417 = tpu.vector_load %arg13[%get3A_415, %get3A_416] {strides = array<i32>} : memref<64x512xf32, #tpu.memory_space<vmem>>, vector<16xf32>,
          %mul3A_418 = arith.mulf %get3A_417, %get3A_54 : vector<16xf32>
          %add3A_419 = arith.addf %add3A_399, %mul3A_418 : vector<16xf32>
          %get3A_420 = arith.index_cast %add3A_343 : i32 to index
          %get3A_421 = arith.constant 256 : index
          %get3A_422 = tpu.vector_load %arg13[%get3A_420, %get3A_421] {strides = array<i32>} : memref<64x512xf32, #tpu.memory_space<vmem>>, vector<16xf32>,
          %mul3A_423 = arith.mulf %get3A_422, %get3A_56 : vector<16xf32>
          %add3A_424 = arith.addf %add3A_404, %mul3A_423 : vector<16xf32>
          %get3A_425 = arith.index_cast %add3A_343 : i32 to index
          %get3A_426 = arith.constant 272 : index
          %get3A_427 = tpu.vector_load %arg13[%get3A_425, %get3A_426] {strides = array<i32>} : memref<64x512xf32, #tpu.memory_space<vmem>>, vector<16xf32>,
          %mul3A_428 = arith.mulf %get3A_427, %get3A_58 : vector<16xf32>
          %add3A_429 = arith.addf %add3A_409, %mul3A_428 : vector<16xf32>
          %get3A_430 = arith.index_cast %add3A_343 : i32 to index
          %get3A_431 = arith.constant 288 : index
          %get3A_432 = tpu.vector_load %arg13[%get3A_430, %get3A_431] {strides = array<i32>} : memref<64x512xf32, #tpu.memory_space<vmem>>, vector<16xf32>,
          %mul3A_433 = arith.mulf %get3A_432, %get3A_60 : vector<16xf32>
          %add3A_434 = arith.addf %add3A_414, %mul3A_433 : vector<16xf32>
          %get3A_435 = arith.index_cast %add3A_343 : i32 to index
          %get3A_436 = arith.constant 304 : index
          %get3A_437 = tpu.vector_load %arg13[%get3A_435, %get3A_436] {strides = array<i32>} : memref<64x512xf32, #tpu.memory_space<vmem>>, vector<16xf32>,
          %mul3A_438 = arith.mulf %get3A_437, %get3A_62 : vector<16xf32>
          %add3A_439 = arith.addf %add3A_419, %mul3A_438 : vector<16xf32>
          %get3A_440 = arith.index_cast %add3A_343 : i32 to index
          %get3A_441 = arith.constant 320 : index
          %get3A_442 = tpu.vector_load %arg13[%get3A_440, %get3A_441] {strides = array<i32>} : memref<64x512xf32, #tpu.memory_space<vmem>>, vector<16xf32>,
          %mul3A_443 = arith.mulf %get3A_442, %get3A_64 : vector<16xf32>
          %add3A_444 = arith.addf %add3A_424, %mul3A_443 : vector<16xf32>
          %get3A_445 = arith.index_cast %add3A_343 : i32 to index
          %get3A_446 = arith.constant 336 : index
          %get3A_447 = tpu.vector_load %arg13[%get3A_445, %get3A_446] {strides = array<i32>} : memref<64x512xf32, #tpu.memory_space<vmem>>, vector<16xf32>,
          %mul3A_448 = arith.mulf %get3A_447, %get3A_66 : vector<16xf32>
          %add3A_449 = arith.addf %add3A_429, %mul3A_448 : vector<16xf32>
          %get3A_450 = arith.index_cast %add3A_343 : i32 to index
          %get3A_451 = arith.constant 352 : index
          %get3A_452 = tpu.vector_load %arg13[%get3A_450, %get3A_451] {strides = array<i32>} : memref<64x512xf32, #tpu.memory_space<vmem>>, vector<16xf32>,
          %mul3A_453 = arith.mulf %get3A_452, %get3A_68 : vector<16xf32>
          %add3A_454 = arith.addf %add3A_434, %mul3A_453 : vector<16xf32>
          %get3A_455 = arith.index_cast %add3A_343 : i32 to index
          %get3A_456 = arith.constant 368 : index
          %get3A_457 = tpu.vector_load %arg13[%get3A_455, %get3A_456] {strides = array<i32>} : memref<64x512xf32, #tpu.memory_space<vmem>>, vector<16xf32>,
          %mul3A_458 = arith.mulf %get3A_457, %get3A_70 : vector<16xf32>
          %add3A_459 = arith.addf %add3A_439, %mul3A_458 : vector<16xf32>
          %get3A_460 = arith.index_cast %add3A_343 : i32 to index
          %get3A_461 = arith.constant 384 : index
          %get3A_462 = tpu.vector_load %arg13[%get3A_460, %get3A_461] {strides = array<i32>} : memref<64x512xf32, #tpu.memory_space<vmem>>, vector<16xf32>,
          %mul3A_463 = arith.mulf %get3A_462, %get3A_72 : vector<16xf32>
          %add3A_464 = arith.addf %add3A_444, %mul3A_463 : vector<16xf32>
          %get3A_465 = arith.index_cast %add3A_343 : i32 to index
          %get3A_466 = arith.constant 400 : index
          %get3A_467 = tpu.vector_load %arg13[%get3A_465, %get3A_466] {strides = array<i32>} : memref<64x512xf32, #tpu.memory_space<vmem>>, vector<16xf32>,
          %mul3A_468 = arith.mulf %get3A_467, %get3A_74 : vector<16xf32>
          %add3A_469 = arith.addf %add3A_449, %mul3A_468 : vector<16xf32>
          %get3A_470 = arith.index_cast %add3A_343 : i32 to index
          %get3A_471 = arith.constant 416 : index
          %get3A_472 = tpu.vector_load %arg13[%get3A_470, %get3A_471] {strides = array<i32>} : memref<64x512xf32, #tpu.memory_space<vmem>>, vector<16xf32>,
          %mul3A_473 = arith.mulf %get3A_472, %get3A_76 : vector<16xf32>
          %add3A_474 = arith.addf %add3A_454, %mul3A_473 : vector<16xf32>
          %get3A_475 = arith.index_cast %add3A_343 : i32 to index
          %get3A_476 = arith.constant 432 : index
          %get3A_477 = tpu.vector_load %arg13[%get3A_475, %get3A_476] {strides = array<i32>} : memref<64x512xf32, #tpu.memory_space<vmem>>, vector<16xf32>,
          %mul3A_478 = arith.mulf %get3A_477, %get3A_78 : vector<16xf32>
          %add3A_479 = arith.addf %add3A_459, %mul3A_478 : vector<16xf32>
          %get3A_480 = arith.index_cast %add3A_343 : i32 to index
          %get3A_481 = arith.constant 448 : index
          %get3A_482 = tpu.vector_load %arg13[%get3A_480, %get3A_481] {strides = array<i32>} : memref<64x512xf32, #tpu.memory_space<vmem>>, vector<16xf32>,
          %mul3A_483 = arith.mulf %get3A_482, %get3A_80 : vector<16xf32>
          %add3A_484 = arith.addf %add3A_464, %mul3A_483 : vector<16xf32>
          %get3A_485 = arith.index_cast %add3A_343 : i32 to index
          %get3A_486 = arith.constant 464 : index
          %get3A_487 = tpu.vector_load %arg13[%get3A_485, %get3A_486] {strides = array<i32>} : memref<64x512xf32, #tpu.memory_space<vmem>>, vector<16xf32>,
          %mul3A_488 = arith.mulf %get3A_487, %get3A_82 : vector<16xf32>
          %add3A_489 = arith.addf %add3A_469, %mul3A_488 : vector<16xf32>
          %get3A_490 = arith.index_cast %add3A_343 : i32 to index
          %get3A_491 = arith.constant 480 : index
          %get3A_492 = tpu.vector_load %arg13[%get3A_490, %get3A_491] {strides = array<i32>} : memref<64x512xf32, #tpu.memory_space<vmem>>, vector<16xf32>,
          %mul3A_493 = arith.mulf %get3A_492, %get3A_84 : vector<16xf32>
          %add3A_494 = arith.addf %add3A_474, %mul3A_493 : vector<16xf32>
          %get3A_495 = arith.index_cast %add3A_343 : i32 to index
          %get3A_496 = arith.constant 496 : index
          %get3A_497 = tpu.vector_load %arg13[%get3A_495, %get3A_496] {strides = array<i32>} : memref<64x512xf32, #tpu.memory_space<vmem>>, vector<16xf32>,
          %mul3A_498 = arith.mulf %get3A_497, %get3A_86 : vector<16xf32>
          %add3A_499 = arith.addf %add3A_479, %mul3A_498 : vector<16xf32>
          %add3A_500 = arith.addf %add3A_484, %add3A_489 : vector<16xf32>
          %add3A_501 = arith.addf %add3A_494, %add3A_499 : vector<16xf32>
          %add3A_502 = arith.addf %add3A_500, %add3A_501 : vector<16xf32>
          %eq3A_503 = vector.broadcast %scan3A_339 : i32 to vector<16xi32>
          %eq3A_504 = arith.cmpi eq, %iota3A, %eq3A_503 : vector<16xi32>
          %reduce_sum3A_505 = arith.constant true
          %reduce_sum3A_506 = vector.broadcast %reduce_sum3A_505 : i1 to vector<16xi1>
          %reduce_sum3A_507 = tpu.scan <sum>, %add3A_502 masked %reduce_sum3A_506 : vector<16xf32>, vector<16xi1> -> vector<16xf32>
          %reduce_sum3A_508 = vector.extract %reduce_sum3A_507[15] : f32 from vector<16xf32>
          %broadcast_in_dim3A_509 = vector.broadcast %reduce_sum3A_508 : f32 to vector<16xf32>
          %select_n3A_510 = arith.select %eq3A_504, %broadcast_in_dim3A_509, %scan3A_340 : vector<16xi1>, vector<16xf32>
          scf.yield %select_n3A_510 : vector<16xf32>
        }
        %scan3A_333 = arith.constant 16 : i32
        %mul3A_334 = arith.constant 16 : i32
        %mul3A_335 = arith.muli %scan3A_325, %mul3A_334 : i32
        %add3A_336 = arith.addi %mul3A_306, %mul3A_335 : i32
        %swap3A_337 = arith.index_cast %add3A_336 : i32 to index
        %swap3A_338 = tpu.vector_load %arg9[%swap3A_337] {strides = array<i32>} : memref<2048xf32, #tpu.memory_space<vmem>>, vector<16xf32>,
        tpu.vector_store %arg9[%swap3A_337], %scan3A_332 {strides = array<i32>} : memref<2048xf32, #tpu.memory_space<vmem>>, vector<16xf32>,
      }
      %scan3A_312 = arith.constant 4 : i32
      %add3A_313 = arith.constant 3 : i32
      %add3A_314 = arith.addi %add3A_296, %add3A_313 : i32
      %rem3A_315 = arith.constant 32 : i32
      %rem3A_316 = arith.remsi %add3A_314, %rem3A_315 : i32
      %mul3A_317 = arith.constant 64 : i32
      %mul3A_318 = arith.muli %rem3A_316, %mul3A_317 : i32
      %dma_start3A_319 = arith.constant 0 : i32
      %dma_start3A_320 = tpu.memref_slice %arg2[%add3A, %mul3A_318, %dma_start3A_319] : memref<32x2048x512xf32, #tpu.memory_space<hbm>> -> memref<1x64x512xf32, #tpu.memory_space<hbm>>
      %dma_start3A_321 = tpu.memref_squeeze %dma_start3A_320 : memref<1x64x512xf32, #tpu.memory_space<hbm>> -> memref<64x512xf32, #tpu.memory_space<hbm>>
      %dma_start3A_322 = arith.constant 0 : i32
      %dma_start3A_323 = tpu.memref_slice %arg2[%add3A, %mul3A_318, %dma_start3A_322] : memref<32x2048x512xf32, #tpu.memory_space<hbm>> -> memref<1x64x512xf32, #tpu.memory_space<hbm>>
      %dma_start3A_324 = tpu.memref_squeeze %dma_start3A_323 : memref<1x64x512xf32, #tpu.memory_space<hbm>> -> memref<64x512xf32, #tpu.memory_space<hbm>>
      tpu.enqueue_dma source(%dma_start3A_324 : memref<64x512xf32, #tpu.memory_space<hbm>>) target(%arg13 : memref<64x512xf32, #tpu.memory_space<vmem>>) target_semaphore(%arg16 : memref<!tpu.dma_semaphore, #tpu.memory_space<semaphore_mem>>)
    }
    %scan3A_91 = arith.constant 10 : i32
    %dma_wait3A = arith.constant 1920 : i32
    %dma_wait3A_92 = arith.constant 0 : i32
    %dma_wait3A_93 = tpu.memref_slice %arg2[%add3A, %dma_wait3A, %dma_wait3A_92] : memref<32x2048x512xf32, #tpu.memory_space<hbm>> -> memref<1x64x512xf32, #tpu.memory_space<hbm>>
    %dma_wait3A_94 = tpu.memref_squeeze %dma_wait3A_93 : memref<1x64x512xf32, #tpu.memory_space<hbm>> -> memref<64x512xf32, #tpu.memory_space<hbm>>
    %dma_wait3A_95 = arith.constant 1920 : i32
    %dma_wait3A_96 = arith.constant 0 : i32
    %dma_wait3A_97 = tpu.memref_slice %arg2[%add3A, %dma_wait3A_95, %dma_wait3A_96] : memref<32x2048x512xf32, #tpu.memory_space<hbm>> -> memref<1x64x512xf32, #tpu.memory_space<hbm>>
    %dma_wait3A_98 = tpu.memref_squeeze %dma_wait3A_97 : memref<1x64x512xf32, #tpu.memory_space<hbm>> -> memref<64x512xf32, #tpu.memory_space<hbm>>
    tpu.wait_dma2 semaphore(%arg14 : memref<!tpu.dma_semaphore, #tpu.memory_space<semaphore_mem>>) src(%dma_wait3A_98 : memref<64x512xf32, #tpu.memory_space<hbm>>) dst(%arg11 : memref<64x512xf32, #tpu.memory_space<vmem>>)
    %scan3A_99 = arith.constant 0 : i32
    %scan3A_100 = arith.constant 0 : i32
    %scan3A_101 = arith.constant 4 : i32
    %scan3A_102 = arith.addi %scan3A_100, %scan3A_101 : i32
    %scan3A_103 = arith.constant 1 : i32
    scf.for %scan3A_233 = %scan3A_100 to %scan3A_102 step %scan3A_103  : i32 {
      %broadcast_in_dim3A_234 = arith.constant 0.000000e+00 : f32
      %broadcast_in_dim3A_235 = vector.broadcast %broadcast_in_dim3A_234 : f32 to vector<16xf32>
      %scan3A_236 = arith.constant 0 : i32
      %scan3A_237 = arith.constant 16 : i32
      %scan3A_238 = arith.addi %scan3A_236, %scan3A_237 : i32
      %scan3A_239 = arith.constant 1 : i32
      %scan3A_240 = scf.for %scan3A_248 = %scan3A_236 to %scan3A_238 step %scan3A_239 iter_args(%scan3A_249 = %broadcast_in_dim3A_235) -> (vector<16xf32>)  : i32 {
        %mul3A_250 = arith.constant 16 : i32
        %mul3A_251 = arith.muli %scan3A_233, %mul3A_250 : i32
        %add3A_252 = arith.addi %mul3A_251, %scan3A_248 : i32
        %get3A_253 = arith.index_cast %add3A_252 : i32 to index
        %get3A_254 = arith.constant 0 : index
        %get3A_255 = tpu.vector_load %arg11[%get3A_253, %get3A_254] {strides = array<i32>} : memref<64x512xf32, #tpu.memory_space<vmem>>, vector<16xf32>,
        %mul3A_256 = arith.mulf %get3A_255, %get3A_24 : vector<16xf32>
        %get3A_257 = arith.index_cast %add3A_252 : i32 to index
        %get3A_258 = arith.constant 16 : index
        %get3A_259 = tpu.vector_load %arg11[%get3A_257, %get3A_258] {strides = array<i32>} : memref<64x512xf32, #tpu.memory_space<vmem>>, vector<16xf32>,
        %mul3A_260 = arith.mulf %get3A_259, %get3A_26 : vector<16xf32>
        %get3A_261 = arith.index_cast %add3A_252 : i32 to index
        %get3A_262 = arith.constant 32 : index
        %get3A_263 = tpu.vector_load %arg11[%get3A_261, %get3A_262] {strides = array<i32>} : memref<64x512xf32, #tpu.memory_space<vmem>>, vector<16xf32>,
        %mul3A_264 = arith.mulf %get3A_263, %get3A_28 : vector<16xf32>
        %get3A_265 = arith.index_cast %add3A_252 : i32 to index
        %get3A_266 = arith.constant 48 : index
        %get3A_267 = tpu.vector_load %arg11[%get3A_265, %get3A_266] {strides = array<i32>} : memref<64x512xf32, #tpu.memory_space<vmem>>, vector<16xf32>,
        %mul3A_268 = arith.mulf %get3A_267, %get3A_30 : vector<16xf32>
        %get3A_269 = arith.index_cast %add3A_252 : i32 to index
        %get3A_270 = arith.constant 64 : index
        %get3A_271 = tpu.vector_load %arg11[%get3A_269, %get3A_270] {strides = array<i32>} : memref<64x512xf32, #tpu.memory_space<vmem>>, vector<16xf32>,
        %mul3A_272 = arith.mulf %get3A_271, %get3A_32 : vector<16xf32>
        %add3A_273 = arith.addf %mul3A_256, %mul3A_272 : vector<16xf32>
        %get3A_274 = arith.index_cast %add3A_252 : i32 to index
        %get3A_275 = arith.constant 80 : index
        %get3A_276 = tpu.vector_load %arg11[%get3A_274, %get3A_275] {strides = array<i32>} : memref<64x512xf32, #tpu.memory_space<vmem>>, vector<16xf32>,
        %mul3A_277 = arith.mulf %get3A_276, %get3A_34 : vector<16xf32>
        %add3A_278 = arith.addf %mul3A_260, %mul3A_277 : vector<16xf32>
        %get3A_279 = arith.index_cast %add3A_252 : i32 to index
        %get3A_280 = arith.constant 96 : index
        %get3A_281 = tpu.vector_load %arg11[%get3A_279, %get3A_280] {strides = array<i32>} : memref<64x512xf32, #tpu.memory_space<vmem>>, vector<16xf32>,
        %mul3A_282 = arith.mulf %get3A_281, %get3A_36 : vector<16xf32>
        %add3A_283 = arith.addf %mul3A_264, %mul3A_282 : vector<16xf32>
        %get3A_284 = arith.index_cast %add3A_252 : i32 to index
        %get3A_285 = arith.constant 112 : index
        %get3A_286 = tpu.vector_load %arg11[%get3A_284, %get3A_285] {strides = array<i32>} : memref<64x512xf32, #tpu.memory_space<vmem>>, vector<16xf32>,
        %mul3A_287 = arith.mulf %get3A_286, %get3A_38 : vector<16xf32>
        %add3A_288 = arith.addf %mul3A_268, %mul3A_287 : vector<16xf32>
        %get3A_289 = arith.index_cast %add3A_252 : i32 to index
        %get3A_290 = arith.constant 128 : index
        %get3A_291 = tpu.vector_load %arg11[%get3A_289, %get3A_290] {strides = array<i32>} : memref<64x512xf32, #tpu.memory_space<vmem>>, vector<16xf32>,
        %mul3A_292 = arith.mulf %get3A_291, %get3A_40 : vector<16xf32>
        %add3A_293 = arith.addf %add3A_273, %mul3A_292 : vector<16xf32>
        %get3A_294 = arith.index_cast %add3A_252 : i32 to index
        %get3A_295 = arith.constant 144 : index
        %get3A_296 = tpu.vector_load %arg11[%get3A_294, %get3A_295] {strides = array<i32>} : memref<64x512xf32, #tpu.memory_space<vmem>>, vector<16xf32>,
        %mul3A_297 = arith.mulf %get3A_296, %get3A_42 : vector<16xf32>
        %add3A_298 = arith.addf %add3A_278, %mul3A_297 : vector<16xf32>
        %get3A_299 = arith.index_cast %add3A_252 : i32 to index
        %get3A_300 = arith.constant 160 : index
        %get3A_301 = tpu.vector_load %arg11[%get3A_299, %get3A_300] {strides = array<i32>} : memref<64x512xf32, #tpu.memory_space<vmem>>, vector<16xf32>,
        %mul3A_302 = arith.mulf %get3A_301, %get3A_44 : vector<16xf32>
        %add3A_303 = arith.addf %add3A_283, %mul3A_302 : vector<16xf32>
        %get3A_304 = arith.index_cast %add3A_252 : i32 to index
        %get3A_305 = arith.constant 176 : index
        %get3A_306 = tpu.vector_load %arg11[%get3A_304, %get3A_305] {strides = array<i32>} : memref<64x512xf32, #tpu.memory_space<vmem>>, vector<16xf32>,
        %mul3A_307 = arith.mulf %get3A_306, %get3A_46 : vector<16xf32>
        %add3A_308 = arith.addf %add3A_288, %mul3A_307 : vector<16xf32>
        %get3A_309 = arith.index_cast %add3A_252 : i32 to index
        %get3A_310 = arith.constant 192 : index
        %get3A_311 = tpu.vector_load %arg11[%get3A_309, %get3A_310] {strides = array<i32>} : memref<64x512xf32, #tpu.memory_space<vmem>>, vector<16xf32>,
        %mul3A_312 = arith.mulf %get3A_311, %get3A_48 : vector<16xf32>
        %add3A_313 = arith.addf %add3A_293, %mul3A_312 : vector<16xf32>
        %get3A_314 = arith.index_cast %add3A_252 : i32 to index
        %get3A_315 = arith.constant 208 : index
        %get3A_316 = tpu.vector_load %arg11[%get3A_314, %get3A_315] {strides = array<i32>} : memref<64x512xf32, #tpu.memory_space<vmem>>, vector<16xf32>,
        %mul3A_317 = arith.mulf %get3A_316, %get3A_50 : vector<16xf32>
        %add3A_318 = arith.addf %add3A_298, %mul3A_317 : vector<16xf32>
        %get3A_319 = arith.index_cast %add3A_252 : i32 to index
        %get3A_320 = arith.constant 224 : index
        %get3A_321 = tpu.vector_load %arg11[%get3A_319, %get3A_320] {strides = array<i32>} : memref<64x512xf32, #tpu.memory_space<vmem>>, vector<16xf32>,
        %mul3A_322 = arith.mulf %get3A_321, %get3A_52 : vector<16xf32>
        %add3A_323 = arith.addf %add3A_303, %mul3A_322 : vector<16xf32>
        %get3A_324 = arith.index_cast %add3A_252 : i32 to index
        %get3A_325 = arith.constant 240 : index
        %get3A_326 = tpu.vector_load %arg11[%get3A_324, %get3A_325] {strides = array<i32>} : memref<64x512xf32, #tpu.memory_space<vmem>>, vector<16xf32>,
        %mul3A_327 = arith.mulf %get3A_326, %get3A_54 : vector<16xf32>
        %add3A_328 = arith.addf %add3A_308, %mul3A_327 : vector<16xf32>
        %get3A_329 = arith.index_cast %add3A_252 : i32 to index
        %get3A_330 = arith.constant 256 : index
        %get3A_331 = tpu.vector_load %arg11[%get3A_329, %get3A_330] {strides = array<i32>} : memref<64x512xf32, #tpu.memory_space<vmem>>, vector<16xf32>,
        %mul3A_332 = arith.mulf %get3A_331, %get3A_56 : vector<16xf32>
        %add3A_333 = arith.addf %add3A_313, %mul3A_332 : vector<16xf32>
        %get3A_334 = arith.index_cast %add3A_252 : i32 to index
        %get3A_335 = arith.constant 272 : index
        %get3A_336 = tpu.vector_load %arg11[%get3A_334, %get3A_335] {strides = array<i32>} : memref<64x512xf32, #tpu.memory_space<vmem>>, vector<16xf32>,
        %mul3A_337 = arith.mulf %get3A_336, %get3A_58 : vector<16xf32>
        %add3A_338 = arith.addf %add3A_318, %mul3A_337 : vector<16xf32>
        %get3A_339 = arith.index_cast %add3A_252 : i32 to index
        %get3A_340 = arith.constant 288 : index
        %get3A_341 = tpu.vector_load %arg11[%get3A_339, %get3A_340] {strides = array<i32>} : memref<64x512xf32, #tpu.memory_space<vmem>>, vector<16xf32>,
        %mul3A_342 = arith.mulf %get3A_341, %get3A_60 : vector<16xf32>
        %add3A_343 = arith.addf %add3A_323, %mul3A_342 : vector<16xf32>
        %get3A_344 = arith.index_cast %add3A_252 : i32 to index
        %get3A_345 = arith.constant 304 : index
        %get3A_346 = tpu.vector_load %arg11[%get3A_344, %get3A_345] {strides = array<i32>} : memref<64x512xf32, #tpu.memory_space<vmem>>, vector<16xf32>,
        %mul3A_347 = arith.mulf %get3A_346, %get3A_62 : vector<16xf32>
        %add3A_348 = arith.addf %add3A_328, %mul3A_347 : vector<16xf32>
        %get3A_349 = arith.index_cast %add3A_252 : i32 to index
        %get3A_350 = arith.constant 320 : index
        %get3A_351 = tpu.vector_load %arg11[%get3A_349, %get3A_350] {strides = array<i32>} : memref<64x512xf32, #tpu.memory_space<vmem>>, vector<16xf32>,
        %mul3A_352 = arith.mulf %get3A_351, %get3A_64 : vector<16xf32>
        %add3A_353 = arith.addf %add3A_333, %mul3A_352 : vector<16xf32>
        %get3A_354 = arith.index_cast %add3A_252 : i32 to index
        %get3A_355 = arith.constant 336 : index
        %get3A_356 = tpu.vector_load %arg11[%get3A_354, %get3A_355] {strides = array<i32>} : memref<64x512xf32, #tpu.memory_space<vmem>>, vector<16xf32>,
        %mul3A_357 = arith.mulf %get3A_356, %get3A_66 : vector<16xf32>
        %add3A_358 = arith.addf %add3A_338, %mul3A_357 : vector<16xf32>
        %get3A_359 = arith.index_cast %add3A_252 : i32 to index
        %get3A_360 = arith.constant 352 : index
        %get3A_361 = tpu.vector_load %arg11[%get3A_359, %get3A_360] {strides = array<i32>} : memref<64x512xf32, #tpu.memory_space<vmem>>, vector<16xf32>,
        %mul3A_362 = arith.mulf %get3A_361, %get3A_68 : vector<16xf32>
        %add3A_363 = arith.addf %add3A_343, %mul3A_362 : vector<16xf32>
        %get3A_364 = arith.index_cast %add3A_252 : i32 to index
        %get3A_365 = arith.constant 368 : index
        %get3A_366 = tpu.vector_load %arg11[%get3A_364, %get3A_365] {strides = array<i32>} : memref<64x512xf32, #tpu.memory_space<vmem>>, vector<16xf32>,
        %mul3A_367 = arith.mulf %get3A_366, %get3A_70 : vector<16xf32>
        %add3A_368 = arith.addf %add3A_348, %mul3A_367 : vector<16xf32>
        %get3A_369 = arith.index_cast %add3A_252 : i32 to index
        %get3A_370 = arith.constant 384 : index
        %get3A_371 = tpu.vector_load %arg11[%get3A_369, %get3A_370] {strides = array<i32>} : memref<64x512xf32, #tpu.memory_space<vmem>>, vector<16xf32>,
        %mul3A_372 = arith.mulf %get3A_371, %get3A_72 : vector<16xf32>
        %add3A_373 = arith.addf %add3A_353, %mul3A_372 : vector<16xf32>
        %get3A_374 = arith.index_cast %add3A_252 : i32 to index
        %get3A_375 = arith.constant 400 : index
        %get3A_376 = tpu.vector_load %arg11[%get3A_374, %get3A_375] {strides = array<i32>} : memref<64x512xf32, #tpu.memory_space<vmem>>, vector<16xf32>,
        %mul3A_377 = arith.mulf %get3A_376, %get3A_74 : vector<16xf32>
        %add3A_378 = arith.addf %add3A_358, %mul3A_377 : vector<16xf32>
        %get3A_379 = arith.index_cast %add3A_252 : i32 to index
        %get3A_380 = arith.constant 416 : index
        %get3A_381 = tpu.vector_load %arg11[%get3A_379, %get3A_380] {strides = array<i32>} : memref<64x512xf32, #tpu.memory_space<vmem>>, vector<16xf32>,
        %mul3A_382 = arith.mulf %get3A_381, %get3A_76 : vector<16xf32>
        %add3A_383 = arith.addf %add3A_363, %mul3A_382 : vector<16xf32>
        %get3A_384 = arith.index_cast %add3A_252 : i32 to index
        %get3A_385 = arith.constant 432 : index
        %get3A_386 = tpu.vector_load %arg11[%get3A_384, %get3A_385] {strides = array<i32>} : memref<64x512xf32, #tpu.memory_space<vmem>>, vector<16xf32>,
        %mul3A_387 = arith.mulf %get3A_386, %get3A_78 : vector<16xf32>
        %add3A_388 = arith.addf %add3A_368, %mul3A_387 : vector<16xf32>
        %get3A_389 = arith.index_cast %add3A_252 : i32 to index
        %get3A_390 = arith.constant 448 : index
        %get3A_391 = tpu.vector_load %arg11[%get3A_389, %get3A_390] {strides = array<i32>} : memref<64x512xf32, #tpu.memory_space<vmem>>, vector<16xf32>,
        %mul3A_392 = arith.mulf %get3A_391, %get3A_80 : vector<16xf32>
        %add3A_393 = arith.addf %add3A_373, %mul3A_392 : vector<16xf32>
        %get3A_394 = arith.index_cast %add3A_252 : i32 to index
        %get3A_395 = arith.constant 464 : index
        %get3A_396 = tpu.vector_load %arg11[%get3A_394, %get3A_395] {strides = array<i32>} : memref<64x512xf32, #tpu.memory_space<vmem>>, vector<16xf32>,
        %mul3A_397 = arith.mulf %get3A_396, %get3A_82 : vector<16xf32>
        %add3A_398 = arith.addf %add3A_378, %mul3A_397 : vector<16xf32>
        %get3A_399 = arith.index_cast %add3A_252 : i32 to index
        %get3A_400 = arith.constant 480 : index
        %get3A_401 = tpu.vector_load %arg11[%get3A_399, %get3A_400] {strides = array<i32>} : memref<64x512xf32, #tpu.memory_space<vmem>>, vector<16xf32>,
        %mul3A_402 = arith.mulf %get3A_401, %get3A_84 : vector<16xf32>
        %add3A_403 = arith.addf %add3A_383, %mul3A_402 : vector<16xf32>
        %get3A_404 = arith.index_cast %add3A_252 : i32 to index
        %get3A_405 = arith.constant 496 : index
        %get3A_406 = tpu.vector_load %arg11[%get3A_404, %get3A_405] {strides = array<i32>} : memref<64x512xf32, #tpu.memory_space<vmem>>, vector<16xf32>,
        %mul3A_407 = arith.mulf %get3A_406, %get3A_86 : vector<16xf32>
        %add3A_408 = arith.addf %add3A_388, %mul3A_407 : vector<16xf32>
        %add3A_409 = arith.addf %add3A_393, %add3A_398 : vector<16xf32>
        %add3A_410 = arith.addf %add3A_403, %add3A_408 : vector<16xf32>
        %add3A_411 = arith.addf %add3A_409, %add3A_410 : vector<16xf32>
        %eq3A_412 = vector.broadcast %scan3A_248 : i32 to vector<16xi32>
        %eq3A_413 = arith.cmpi eq, %iota3A, %eq3A_412 : vector<16xi32>
        %reduce_sum3A_414 = arith.constant true
        %reduce_sum3A_415 = vector.broadcast %reduce_sum3A_414 : i1 to vector<16xi1>
        %reduce_sum3A_416 = tpu.scan <sum>, %add3A_411 masked %reduce_sum3A_415 : vector<16xf32>, vector<16xi1> -> vector<16xf32>
        %reduce_sum3A_417 = vector.extract %reduce_sum3A_416[15] : f32 from vector<16xf32>
        %broadcast_in_dim3A_418 = vector.broadcast %reduce_sum3A_417 : f32 to vector<16xf32>
        %select_n3A_419 = arith.select %eq3A_413, %broadcast_in_dim3A_418, %scan3A_249 : vector<16xi1>, vector<16xf32>
        scf.yield %select_n3A_419 : vector<16xf32>
      }
      %scan3A_241 = arith.constant 16 : i32
      %mul3A_242 = arith.constant 16 : i32
      %mul3A_243 = arith.muli %scan3A_233, %mul3A_242 : i32
      %add3A_244 = arith.constant 1920 : i32
      %add3A_245 = arith.addi %add3A_244, %mul3A_243 : i32
      %swap3A_246 = arith.index_cast %add3A_245 : i32 to index
      %swap3A_247 = tpu.vector_load %arg9[%swap3A_246] {strides = array<i32>} : memref<2048xf32, #tpu.memory_space<vmem>>, vector<16xf32>,
      tpu.vector_store %arg9[%swap3A_246], %scan3A_240 {strides = array<i32>} : memref<2048xf32, #tpu.memory_space<vmem>>, vector<16xf32>,
    }
    %scan3A_104 = arith.constant 4 : i32
    %dma_wait3A_105 = arith.constant 1984 : i32
    %dma_wait3A_106 = arith.constant 0 : i32
    %dma_wait3A_107 = tpu.memref_slice %arg2[%add3A, %dma_wait3A_105, %dma_wait3A_106] : memref<32x2048x512xf32, #tpu.memory_space<hbm>> -> memref<1x64x512xf32, #tpu.memory_space<hbm>>
    %dma_wait3A_108 = tpu.memref_squeeze %dma_wait3A_107 : memref<1x64x512xf32, #tpu.memory_space<hbm>> -> memref<64x512xf32, #tpu.memory_space<hbm>>
    %dma_wait3A_109 = arith.constant 1984 : i32
    %dma_wait3A_110 = arith.constant 0 : i32
    %dma_wait3A_111 = tpu.memref_slice %arg2[%add3A, %dma_wait3A_109, %dma_wait3A_110] : memref<32x2048x512xf32, #tpu.memory_space<hbm>> -> memref<1x64x512xf32, #tpu.memory_space<hbm>>
    %dma_wait3A_112 = tpu.memref_squeeze %dma_wait3A_111 : memref<1x64x512xf32, #tpu.memory_space<hbm>> -> memref<64x512xf32, #tpu.memory_space<hbm>>
    tpu.wait_dma2 semaphore(%arg15 : memref<!tpu.dma_semaphore, #tpu.memory_space<semaphore_mem>>) src(%dma_wait3A_112 : memref<64x512xf32, #tpu.memory_space<hbm>>) dst(%arg12 : memref<64x512xf32, #tpu.memory_space<vmem>>)
    %scan3A_113 = arith.constant 0 : i32
    %scan3A_114 = arith.constant 0 : i32
    %scan3A_115 = arith.constant 4 : i32
    %scan3A_116 = arith.addi %scan3A_114, %scan3A_115 : i32
    %scan3A_117 = arith.constant 1 : i32
    scf.for %scan3A_233 = %scan3A_114 to %scan3A_116 step %scan3A_117  : i32 {
      %broadcast_in_dim3A_234 = arith.constant 0.000000e+00 : f32
      %broadcast_in_dim3A_235 = vector.broadcast %broadcast_in_dim3A_234 : f32 to vector<16xf32>
      %scan3A_236 = arith.constant 0 : i32
      %scan3A_237 = arith.constant 16 : i32
      %scan3A_238 = arith.addi %scan3A_236, %scan3A_237 : i32
      %scan3A_239 = arith.constant 1 : i32
      %scan3A_240 = scf.for %scan3A_248 = %scan3A_236 to %scan3A_238 step %scan3A_239 iter_args(%scan3A_249 = %broadcast_in_dim3A_235) -> (vector<16xf32>)  : i32 {
        %mul3A_250 = arith.constant 16 : i32
        %mul3A_251 = arith.muli %scan3A_233, %mul3A_250 : i32
        %add3A_252 = arith.addi %mul3A_251, %scan3A_248 : i32
        %get3A_253 = arith.index_cast %add3A_252 : i32 to index
        %get3A_254 = arith.constant 0 : index
        %get3A_255 = tpu.vector_load %arg12[%get3A_253, %get3A_254] {strides = array<i32>} : memref<64x512xf32, #tpu.memory_space<vmem>>, vector<16xf32>,
        %mul3A_256 = arith.mulf %get3A_255, %get3A_24 : vector<16xf32>
        %get3A_257 = arith.index_cast %add3A_252 : i32 to index
        %get3A_258 = arith.constant 16 : index
        %get3A_259 = tpu.vector_load %arg12[%get3A_257, %get3A_258] {strides = array<i32>} : memref<64x512xf32, #tpu.memory_space<vmem>>, vector<16xf32>,
        %mul3A_260 = arith.mulf %get3A_259, %get3A_26 : vector<16xf32>
        %get3A_261 = arith.index_cast %add3A_252 : i32 to index
        %get3A_262 = arith.constant 32 : index
        %get3A_263 = tpu.vector_load %arg12[%get3A_261, %get3A_262] {strides = array<i32>} : memref<64x512xf32, #tpu.memory_space<vmem>>, vector<16xf32>,
        %mul3A_264 = arith.mulf %get3A_263, %get3A_28 : vector<16xf32>
        %get3A_265 = arith.index_cast %add3A_252 : i32 to index
        %get3A_266 = arith.constant 48 : index
        %get3A_267 = tpu.vector_load %arg12[%get3A_265, %get3A_266] {strides = array<i32>} : memref<64x512xf32, #tpu.memory_space<vmem>>, vector<16xf32>,
        %mul3A_268 = arith.mulf %get3A_267, %get3A_30 : vector<16xf32>
        %get3A_269 = arith.index_cast %add3A_252 : i32 to index
        %get3A_270 = arith.constant 64 : index
        %get3A_271 = tpu.vector_load %arg12[%get3A_269, %get3A_270] {strides = array<i32>} : memref<64x512xf32, #tpu.memory_space<vmem>>, vector<16xf32>,
        %mul3A_272 = arith.mulf %get3A_271, %get3A_32 : vector<16xf32>
        %add3A_273 = arith.addf %mul3A_256, %mul3A_272 : vector<16xf32>
        %get3A_274 = arith.index_cast %add3A_252 : i32 to index
        %get3A_275 = arith.constant 80 : index
        %get3A_276 = tpu.vector_load %arg12[%get3A_274, %get3A_275] {strides = array<i32>} : memref<64x512xf32, #tpu.memory_space<vmem>>, vector<16xf32>,
        %mul3A_277 = arith.mulf %get3A_276, %get3A_34 : vector<16xf32>
        %add3A_278 = arith.addf %mul3A_260, %mul3A_277 : vector<16xf32>
        %get3A_279 = arith.index_cast %add3A_252 : i32 to index
        %get3A_280 = arith.constant 96 : index
        %get3A_281 = tpu.vector_load %arg12[%get3A_279, %get3A_280] {strides = array<i32>} : memref<64x512xf32, #tpu.memory_space<vmem>>, vector<16xf32>,
        %mul3A_282 = arith.mulf %get3A_281, %get3A_36 : vector<16xf32>
        %add3A_283 = arith.addf %mul3A_264, %mul3A_282 : vector<16xf32>
        %get3A_284 = arith.index_cast %add3A_252 : i32 to index
        %get3A_285 = arith.constant 112 : index
        %get3A_286 = tpu.vector_load %arg12[%get3A_284, %get3A_285] {strides = array<i32>} : memref<64x512xf32, #tpu.memory_space<vmem>>, vector<16xf32>,
        %mul3A_287 = arith.mulf %get3A_286, %get3A_38 : vector<16xf32>
        %add3A_288 = arith.addf %mul3A_268, %mul3A_287 : vector<16xf32>
        %get3A_289 = arith.index_cast %add3A_252 : i32 to index
        %get3A_290 = arith.constant 128 : index
        %get3A_291 = tpu.vector_load %arg12[%get3A_289, %get3A_290] {strides = array<i32>} : memref<64x512xf32, #tpu.memory_space<vmem>>, vector<16xf32>,
        %mul3A_292 = arith.mulf %get3A_291, %get3A_40 : vector<16xf32>
        %add3A_293 = arith.addf %add3A_273, %mul3A_292 : vector<16xf32>
        %get3A_294 = arith.index_cast %add3A_252 : i32 to index
        %get3A_295 = arith.constant 144 : index
        %get3A_296 = tpu.vector_load %arg12[%get3A_294, %get3A_295] {strides = array<i32>} : memref<64x512xf32, #tpu.memory_space<vmem>>, vector<16xf32>,
        %mul3A_297 = arith.mulf %get3A_296, %get3A_42 : vector<16xf32>
        %add3A_298 = arith.addf %add3A_278, %mul3A_297 : vector<16xf32>
        %get3A_299 = arith.index_cast %add3A_252 : i32 to index
        %get3A_300 = arith.constant 160 : index
        %get3A_301 = tpu.vector_load %arg12[%get3A_299, %get3A_300] {strides = array<i32>} : memref<64x512xf32, #tpu.memory_space<vmem>>, vector<16xf32>,
        %mul3A_302 = arith.mulf %get3A_301, %get3A_44 : vector<16xf32>
        %add3A_303 = arith.addf %add3A_283, %mul3A_302 : vector<16xf32>
        %get3A_304 = arith.index_cast %add3A_252 : i32 to index
        %get3A_305 = arith.constant 176 : index
        %get3A_306 = tpu.vector_load %arg12[%get3A_304, %get3A_305] {strides = array<i32>} : memref<64x512xf32, #tpu.memory_space<vmem>>, vector<16xf32>,
        %mul3A_307 = arith.mulf %get3A_306, %get3A_46 : vector<16xf32>
        %add3A_308 = arith.addf %add3A_288, %mul3A_307 : vector<16xf32>
        %get3A_309 = arith.index_cast %add3A_252 : i32 to index
        %get3A_310 = arith.constant 192 : index
        %get3A_311 = tpu.vector_load %arg12[%get3A_309, %get3A_310] {strides = array<i32>} : memref<64x512xf32, #tpu.memory_space<vmem>>, vector<16xf32>,
        %mul3A_312 = arith.mulf %get3A_311, %get3A_48 : vector<16xf32>
        %add3A_313 = arith.addf %add3A_293, %mul3A_312 : vector<16xf32>
        %get3A_314 = arith.index_cast %add3A_252 : i32 to index
        %get3A_315 = arith.constant 208 : index
        %get3A_316 = tpu.vector_load %arg12[%get3A_314, %get3A_315] {strides = array<i32>} : memref<64x512xf32, #tpu.memory_space<vmem>>, vector<16xf32>,
        %mul3A_317 = arith.mulf %get3A_316, %get3A_50 : vector<16xf32>
        %add3A_318 = arith.addf %add3A_298, %mul3A_317 : vector<16xf32>
        %get3A_319 = arith.index_cast %add3A_252 : i32 to index
        %get3A_320 = arith.constant 224 : index
        %get3A_321 = tpu.vector_load %arg12[%get3A_319, %get3A_320] {strides = array<i32>} : memref<64x512xf32, #tpu.memory_space<vmem>>, vector<16xf32>,
        %mul3A_322 = arith.mulf %get3A_321, %get3A_52 : vector<16xf32>
        %add3A_323 = arith.addf %add3A_303, %mul3A_322 : vector<16xf32>
        %get3A_324 = arith.index_cast %add3A_252 : i32 to index
        %get3A_325 = arith.constant 240 : index
        %get3A_326 = tpu.vector_load %arg12[%get3A_324, %get3A_325] {strides = array<i32>} : memref<64x512xf32, #tpu.memory_space<vmem>>, vector<16xf32>,
        %mul3A_327 = arith.mulf %get3A_326, %get3A_54 : vector<16xf32>
        %add3A_328 = arith.addf %add3A_308, %mul3A_327 : vector<16xf32>
        %get3A_329 = arith.index_cast %add3A_252 : i32 to index
        %get3A_330 = arith.constant 256 : index
        %get3A_331 = tpu.vector_load %arg12[%get3A_329, %get3A_330] {strides = array<i32>} : memref<64x512xf32, #tpu.memory_space<vmem>>, vector<16xf32>,
        %mul3A_332 = arith.mulf %get3A_331, %get3A_56 : vector<16xf32>
        %add3A_333 = arith.addf %add3A_313, %mul3A_332 : vector<16xf32>
        %get3A_334 = arith.index_cast %add3A_252 : i32 to index
        %get3A_335 = arith.constant 272 : index
        %get3A_336 = tpu.vector_load %arg12[%get3A_334, %get3A_335] {strides = array<i32>} : memref<64x512xf32, #tpu.memory_space<vmem>>, vector<16xf32>,
        %mul3A_337 = arith.mulf %get3A_336, %get3A_58 : vector<16xf32>
        %add3A_338 = arith.addf %add3A_318, %mul3A_337 : vector<16xf32>
        %get3A_339 = arith.index_cast %add3A_252 : i32 to index
        %get3A_340 = arith.constant 288 : index
        %get3A_341 = tpu.vector_load %arg12[%get3A_339, %get3A_340] {strides = array<i32>} : memref<64x512xf32, #tpu.memory_space<vmem>>, vector<16xf32>,
        %mul3A_342 = arith.mulf %get3A_341, %get3A_60 : vector<16xf32>
        %add3A_343 = arith.addf %add3A_323, %mul3A_342 : vector<16xf32>
        %get3A_344 = arith.index_cast %add3A_252 : i32 to index
        %get3A_345 = arith.constant 304 : index
        %get3A_346 = tpu.vector_load %arg12[%get3A_344, %get3A_345] {strides = array<i32>} : memref<64x512xf32, #tpu.memory_space<vmem>>, vector<16xf32>,
        %mul3A_347 = arith.mulf %get3A_346, %get3A_62 : vector<16xf32>
        %add3A_348 = arith.addf %add3A_328, %mul3A_347 : vector<16xf32>
        %get3A_349 = arith.index_cast %add3A_252 : i32 to index
        %get3A_350 = arith.constant 320 : index
        %get3A_351 = tpu.vector_load %arg12[%get3A_349, %get3A_350] {strides = array<i32>} : memref<64x512xf32, #tpu.memory_space<vmem>>, vector<16xf32>,
        %mul3A_352 = arith.mulf %get3A_351, %get3A_64 : vector<16xf32>
        %add3A_353 = arith.addf %add3A_333, %mul3A_352 : vector<16xf32>
        %get3A_354 = arith.index_cast %add3A_252 : i32 to index
        %get3A_355 = arith.constant 336 : index
        %get3A_356 = tpu.vector_load %arg12[%get3A_354, %get3A_355] {strides = array<i32>} : memref<64x512xf32, #tpu.memory_space<vmem>>, vector<16xf32>,
        %mul3A_357 = arith.mulf %get3A_356, %get3A_66 : vector<16xf32>
        %add3A_358 = arith.addf %add3A_338, %mul3A_357 : vector<16xf32>
        %get3A_359 = arith.index_cast %add3A_252 : i32 to index
        %get3A_360 = arith.constant 352 : index
        %get3A_361 = tpu.vector_load %arg12[%get3A_359, %get3A_360] {strides = array<i32>} : memref<64x512xf32, #tpu.memory_space<vmem>>, vector<16xf32>,
        %mul3A_362 = arith.mulf %get3A_361, %get3A_68 : vector<16xf32>
        %add3A_363 = arith.addf %add3A_343, %mul3A_362 : vector<16xf32>
        %get3A_364 = arith.index_cast %add3A_252 : i32 to index
        %get3A_365 = arith.constant 368 : index
        %get3A_366 = tpu.vector_load %arg12[%get3A_364, %get3A_365] {strides = array<i32>} : memref<64x512xf32, #tpu.memory_space<vmem>>, vector<16xf32>,
        %mul3A_367 = arith.mulf %get3A_366, %get3A_70 : vector<16xf32>
        %add3A_368 = arith.addf %add3A_348, %mul3A_367 : vector<16xf32>
        %get3A_369 = arith.index_cast %add3A_252 : i32 to index
        %get3A_370 = arith.constant 384 : index
        %get3A_371 = tpu.vector_load %arg12[%get3A_369, %get3A_370] {strides = array<i32>} : memref<64x512xf32, #tpu.memory_space<vmem>>, vector<16xf32>,
        %mul3A_372 = arith.mulf %get3A_371, %get3A_72 : vector<16xf32>
        %add3A_373 = arith.addf %add3A_353, %mul3A_372 : vector<16xf32>
        %get3A_374 = arith.index_cast %add3A_252 : i32 to index
        %get3A_375 = arith.constant 400 : index
        %get3A_376 = tpu.vector_load %arg12[%get3A_374, %get3A_375] {strides = array<i32>} : memref<64x512xf32, #tpu.memory_space<vmem>>, vector<16xf32>,
        %mul3A_377 = arith.mulf %get3A_376, %get3A_74 : vector<16xf32>
        %add3A_378 = arith.addf %add3A_358, %mul3A_377 : vector<16xf32>
        %get3A_379 = arith.index_cast %add3A_252 : i32 to index
        %get3A_380 = arith.constant 416 : index
        %get3A_381 = tpu.vector_load %arg12[%get3A_379, %get3A_380] {strides = array<i32>} : memref<64x512xf32, #tpu.memory_space<vmem>>, vector<16xf32>,
        %mul3A_382 = arith.mulf %get3A_381, %get3A_76 : vector<16xf32>
        %add3A_383 = arith.addf %add3A_363, %mul3A_382 : vector<16xf32>
        %get3A_384 = arith.index_cast %add3A_252 : i32 to index
        %get3A_385 = arith.constant 432 : index
        %get3A_386 = tpu.vector_load %arg12[%get3A_384, %get3A_385] {strides = array<i32>} : memref<64x512xf32, #tpu.memory_space<vmem>>, vector<16xf32>,
        %mul3A_387 = arith.mulf %get3A_386, %get3A_78 : vector<16xf32>
        %add3A_388 = arith.addf %add3A_368, %mul3A_387 : vector<16xf32>
        %get3A_389 = arith.index_cast %add3A_252 : i32 to index
        %get3A_390 = arith.constant 448 : index
        %get3A_391 = tpu.vector_load %arg12[%get3A_389, %get3A_390] {strides = array<i32>} : memref<64x512xf32, #tpu.memory_space<vmem>>, vector<16xf32>,
        %mul3A_392 = arith.mulf %get3A_391, %get3A_80 : vector<16xf32>
        %add3A_393 = arith.addf %add3A_373, %mul3A_392 : vector<16xf32>
        %get3A_394 = arith.index_cast %add3A_252 : i32 to index
        %get3A_395 = arith.constant 464 : index
        %get3A_396 = tpu.vector_load %arg12[%get3A_394, %get3A_395] {strides = array<i32>} : memref<64x512xf32, #tpu.memory_space<vmem>>, vector<16xf32>,
        %mul3A_397 = arith.mulf %get3A_396, %get3A_82 : vector<16xf32>
        %add3A_398 = arith.addf %add3A_378, %mul3A_397 : vector<16xf32>
        %get3A_399 = arith.index_cast %add3A_252 : i32 to index
        %get3A_400 = arith.constant 480 : index
        %get3A_401 = tpu.vector_load %arg12[%get3A_399, %get3A_400] {strides = array<i32>} : memref<64x512xf32, #tpu.memory_space<vmem>>, vector<16xf32>,
        %mul3A_402 = arith.mulf %get3A_401, %get3A_84 : vector<16xf32>
        %add3A_403 = arith.addf %add3A_383, %mul3A_402 : vector<16xf32>
        %get3A_404 = arith.index_cast %add3A_252 : i32 to index
        %get3A_405 = arith.constant 496 : index
        %get3A_406 = tpu.vector_load %arg12[%get3A_404, %get3A_405] {strides = array<i32>} : memref<64x512xf32, #tpu.memory_space<vmem>>, vector<16xf32>,
        %mul3A_407 = arith.mulf %get3A_406, %get3A_86 : vector<16xf32>
        %add3A_408 = arith.addf %add3A_388, %mul3A_407 : vector<16xf32>
        %add3A_409 = arith.addf %add3A_393, %add3A_398 : vector<16xf32>
        %add3A_410 = arith.addf %add3A_403, %add3A_408 : vector<16xf32>
        %add3A_411 = arith.addf %add3A_409, %add3A_410 : vector<16xf32>
        %eq3A_412 = vector.broadcast %scan3A_248 : i32 to vector<16xi32>
        %eq3A_413 = arith.cmpi eq, %iota3A, %eq3A_412 : vector<16xi32>
        %reduce_sum3A_414 = arith.constant true
        %reduce_sum3A_415 = vector.broadcast %reduce_sum3A_414 : i1 to vector<16xi1>
        %reduce_sum3A_416 = tpu.scan <sum>, %add3A_411 masked %reduce_sum3A_415 : vector<16xf32>, vector<16xi1> -> vector<16xf32>
        %reduce_sum3A_417 = vector.extract %reduce_sum3A_416[15] : f32 from vector<16xf32>
        %broadcast_in_dim3A_418 = vector.broadcast %reduce_sum3A_417 : f32 to vector<16xf32>
        %select_n3A_419 = arith.select %eq3A_413, %broadcast_in_dim3A_418, %scan3A_249 : vector<16xi1>, vector<16xf32>
        scf.yield %select_n3A_419 : vector<16xf32>
      }
      %scan3A_241 = arith.constant 16 : i32
      %mul3A_242 = arith.constant 16 : i32
      %mul3A_243 = arith.muli %scan3A_233, %mul3A_242 : i32
      %add3A_244 = arith.constant 1984 : i32
      %add3A_245 = arith.addi %add3A_244, %mul3A_243 : i32
      %swap3A_246 = arith.index_cast %add3A_245 : i32 to index
      %swap3A_247 = tpu.vector_load %arg9[%swap3A_246] {strides = array<i32>} : memref<2048xf32, #tpu.memory_space<vmem>>, vector<16xf32>,
      tpu.vector_store %arg9[%swap3A_246], %scan3A_240 {strides = array<i32>} : memref<2048xf32, #tpu.memory_space<vmem>>, vector<16xf32>,
    }
    %scan3A_118 = arith.constant 4 : i32
    %dma_wait3A_119 = arith.constant 0 : i32
    %dma_wait3A_120 = arith.constant 0 : i32
    %dma_wait3A_121 = tpu.memref_slice %arg2[%add3A, %dma_wait3A_119, %dma_wait3A_120] : memref<32x2048x512xf32, #tpu.memory_space<hbm>> -> memref<1x64x512xf32, #tpu.memory_space<hbm>>
    %dma_wait3A_122 = tpu.memref_squeeze %dma_wait3A_121 : memref<1x64x512xf32, #tpu.memory_space<hbm>> -> memref<64x512xf32, #tpu.memory_space<hbm>>
    %dma_wait3A_123 = arith.constant 0 : i32
    %dma_wait3A_124 = arith.constant 0 : i32
    %dma_wait3A_125 = tpu.memref_slice %arg2[%add3A, %dma_wait3A_123, %dma_wait3A_124] : memref<32x2048x512xf32, #tpu.memory_space<hbm>> -> memref<1x64x512xf32, #tpu.memory_space<hbm>>
    %dma_wait3A_126 = tpu.memref_squeeze %dma_wait3A_125 : memref<1x64x512xf32, #tpu.memory_space<hbm>> -> memref<64x512xf32, #tpu.memory_space<hbm>>
    tpu.wait_dma2 semaphore(%arg16 : memref<!tpu.dma_semaphore, #tpu.memory_space<semaphore_mem>>) src(%dma_wait3A_126 : memref<64x512xf32, #tpu.memory_space<hbm>>) dst(%arg13 : memref<64x512xf32, #tpu.memory_space<vmem>>)
    %and3A = arith.constant -16 : i32
    %and3A_127 = arith.andi %add3A, %and3A : i32
    %get3A_128 = arith.index_cast %and3A_127 : i32 to index
    %get3A_129 = tpu.vector_load %arg8[%get3A_128] {strides = array<i32>} : memref<32xi32, #tpu.memory_space<vmem>>, vector<16xi32>,
    %and3A_130 = arith.constant 15 : i32
    %and3A_131 = arith.andi %add3A, %and3A_130 : i32
    %eq3A = vector.broadcast %and3A_131 : i32 to vector<16xi32>
    %eq3A_132 = arith.cmpi eq, %iota3A, %eq3A : vector<16xi32>
    %convert_element_type3A = arith.sitofp %get3A_129 : vector<16xi32> to vector<16xf32>
    %jit3A = arith.constant 0.000000e+00 : f32
    %broadcast_in_dim3A = vector.broadcast %jit3A : f32 to vector<16xf32>
    %select_n3A = arith.select %eq3A_132, %convert_element_type3A, %broadcast_in_dim3A : vector<16xi1>, vector<16xf32>
    %reduce_max3A = arith.constant true
    %reduce_max3A_133 = vector.broadcast %reduce_max3A : i1 to vector<16xi1>
    %reduce_max3A_134 = tpu.scan <max>, %select_n3A masked %reduce_max3A_133 : vector<16xf32>, vector<16xi1> -> vector<16xf32>
    %reduce_max3A_135 = vector.extract %reduce_max3A_134[15] : f32 from vector<16xf32>
    %convert_element_type3A_136 = arith.fptosi %reduce_max3A_135 : f32 to i32
    %and3A_137 = arith.constant -16 : i32
    %and3A_138 = arith.andi %convert_element_type3A_136, %and3A_137 : i32
    %get3A_139 = arith.index_cast %and3A_138 : i32 to index
    %get3A_140 = tpu.vector_load %arg9[%get3A_139] {strides = array<i32>} : memref<2048xf32, #tpu.memory_space<vmem>>, vector<16xf32>,
    %and3A_141 = arith.constant 15 : i32
    %and3A_142 = arith.andi %convert_element_type3A_136, %and3A_141 : i32
    %eq3A_143 = vector.broadcast %and3A_142 : i32 to vector<16xi32>
    %eq3A_144 = arith.cmpi eq, %iota3A, %eq3A_143 : vector<16xi32>
    %jit3A_145 = arith.constant -1.000000e+30 : f32
    %broadcast_in_dim3A_146 = vector.broadcast %jit3A_145 : f32 to vector<16xf32>
    %select_n3A_147 = arith.select %eq3A_144, %get3A_140, %broadcast_in_dim3A_146 : vector<16xi1>, vector<16xf32>
    %reduce_max3A_148 = arith.constant true
    %reduce_max3A_149 = vector.broadcast %reduce_max3A_148 : i1 to vector<16xi1>
    %reduce_max3A_150 = tpu.scan <max>, %select_n3A_147 masked %reduce_max3A_149 : vector<16xf32>, vector<16xi1> -> vector<16xf32>
    %reduce_max3A_151 = vector.extract %reduce_max3A_150[15] : f32 from vector<16xf32>
    %get3A_152 = arith.constant 2032 : index
    %get3A_153 = tpu.vector_load %arg9[%get3A_152] {strides = array<i32>} : memref<2048xf32, #tpu.memory_space<vmem>>, vector<16xf32>,
    %eq3A_154 = arith.constant 15 : i32
    %eq3A_155 = vector.broadcast %eq3A_154 : i32 to vector<16xi32>
    %eq3A_156 = arith.cmpi eq, %iota3A, %eq3A_155 : vector<16xi32>
    %jit3A_157 = arith.constant -1.000000e+30 : f32
    %broadcast_in_dim3A_158 = vector.broadcast %jit3A_157 : f32 to vector<16xf32>
    %select_n3A_159 = arith.select %eq3A_156, %broadcast_in_dim3A_158, %get3A_153 : vector<16xi1>, vector<16xf32>
    %swap3A = arith.constant 2032 : index
    %swap3A_160 = tpu.vector_load %arg9[%swap3A] {strides = array<i32>} : memref<2048xf32, #tpu.memory_space<vmem>>, vector<16xf32>,
    tpu.vector_store %arg9[%swap3A], %select_n3A_159 {strides = array<i32>} : memref<2048xf32, #tpu.memory_space<vmem>>, vector<16xf32>,
    %broadcast_in_dim3A_161 = arith.constant -1.000000e+30 : f32
    %broadcast_in_dim3A_162 = vector.broadcast %broadcast_in_dim3A_161 : f32 to vector<16xf32>
    %scan3A_163 = arith.constant 0 : i32
    %scan3A_164 = arith.constant 128 : i32
    %scan3A_165 = arith.addi %scan3A_163, %scan3A_164 : i32
    %scan3A_166 = arith.constant 1 : i32
    %scan3A_167 = scf.for %scan3A_233 = %scan3A_163 to %scan3A_165 step %scan3A_166 iter_args(%scan3A_234 = %broadcast_in_dim3A_162) -> (vector<16xf32>)  : i32 {
      %mul3A_235 = arith.constant 16 : i32
      %mul3A_236 = arith.muli %mul3A_235, %scan3A_233 : i32
      %get3A_237 = arith.index_cast %mul3A_236 : i32 to index
      %get3A_238 = tpu.vector_load %arg9[%get3A_237] {strides = array<i32>} : memref<2048xf32, #tpu.memory_space<vmem>>, vector<16xf32>,
      %max3A = arith.maximumf %scan3A_234, %get3A_238 : vector<16xf32>
      scf.yield %max3A : vector<16xf32>
    }
    %scan3A_168 = arith.constant 128 : i32
    %reduce_max3A_169 = arith.constant true
    %reduce_max3A_170 = vector.broadcast %reduce_max3A_169 : i1 to vector<16xi1>
    %reduce_max3A_171 = tpu.scan <max>, %scan3A_167 masked %reduce_max3A_170 : vector<16xf32>, vector<16xi1> -> vector<16xf32>
    %reduce_max3A_172 = vector.extract %reduce_max3A_171[15] : f32 from vector<16xf32>
    %broadcast_in_dim3A_173 = arith.constant 0.000000e+00 : f32
    %broadcast_in_dim3A_174 = vector.broadcast %broadcast_in_dim3A_173 : f32 to vector<16xf32>
    %scan3A_175 = arith.constant 0 : i32
    %scan3A_176 = arith.constant 128 : i32
    %scan3A_177 = arith.addi %scan3A_175, %scan3A_176 : i32
    %scan3A_178 = arith.constant 1 : i32
    %scan3A_179 = scf.for %scan3A_233 = %scan3A_175 to %scan3A_177 step %scan3A_178 iter_args(%scan3A_234 = %broadcast_in_dim3A_174) -> (vector<16xf32>)  : i32 {
      %mul3A_235 = arith.constant 16 : i32
      %mul3A_236 = arith.muli %mul3A_235, %scan3A_233 : i32
      %get3A_237 = arith.index_cast %mul3A_236 : i32 to index
      %get3A_238 = tpu.vector_load %arg9[%get3A_237] {strides = array<i32>} : memref<2048xf32, #tpu.memory_space<vmem>>, vector<16xf32>,
      %sub3A_239 = vector.broadcast %reduce_max3A_172 : f32 to vector<16xf32>
      %sub3A_240 = arith.subf %get3A_238, %sub3A_239 : vector<16xf32>
      %exp3A_241 = math.exp %sub3A_240 : vector<16xf32>
      %mul3A_242 = arith.constant 16 : i32
      %mul3A_243 = arith.muli %mul3A_242, %scan3A_233 : i32
      %swap3A_244 = arith.index_cast %mul3A_243 : i32 to index
      %swap3A_245 = tpu.vector_load %arg9[%swap3A_244] {strides = array<i32>} : memref<2048xf32, #tpu.memory_space<vmem>>, vector<16xf32>,
      tpu.vector_store %arg9[%swap3A_244], %exp3A_241 {strides = array<i32>} : memref<2048xf32, #tpu.memory_space<vmem>>, vector<16xf32>,
      %add3A_246 = arith.addf %scan3A_234, %exp3A_241 : vector<16xf32>
      scf.yield %add3A_246 : vector<16xf32>
    }
    %scan3A_180 = arith.constant 128 : i32
    %reduce_sum3A = arith.constant true
    %reduce_sum3A_181 = vector.broadcast %reduce_sum3A : i1 to vector<16xi1>
    %reduce_sum3A_182 = tpu.scan <sum>, %scan3A_179 masked %reduce_sum3A_181 : vector<16xf32>, vector<16xi1> -> vector<16xf32>
    %reduce_sum3A_183 = vector.extract %reduce_sum3A_182[15] : f32 from vector<16xf32>
    %broadcast_in_dim3A_184 = arith.constant 1.000000e+00 : f32
    %broadcast_in_dim3A_185 = vector.broadcast %broadcast_in_dim3A_184 : f32 to vector<16xf32>
    %broadcast_in_dim3A_186 = vector.broadcast %reduce_sum3A_183 : f32 to vector<16xf32>
    %div3A = arith.divf %broadcast_in_dim3A_185, %broadcast_in_dim3A_186 : vector<16xf32>
    %scan3A_187 = arith.constant 0 : i32
    %scan3A_188 = arith.constant 0 : i32
    %scan3A_189 = arith.constant 128 : i32
    %scan3A_190 = arith.addi %scan3A_188, %scan3A_189 : i32
    %scan3A_191 = arith.constant 1 : i32
    scf.for %scan3A_233 = %scan3A_188 to %scan3A_190 step %scan3A_191  : i32 {
      %mul3A_234 = arith.constant 16 : i32
      %mul3A_235 = arith.muli %mul3A_234, %scan3A_233 : i32
      %get3A_236 = arith.index_cast %mul3A_235 : i32 to index
      %get3A_237 = tpu.vector_load %arg9[%get3A_236] {strides = array<i32>} : memref<2048xf32, #tpu.memory_space<vmem>>, vector<16xf32>,
      %mul3A_238 = arith.mulf %get3A_237, %div3A : vector<16xf32>
      %mul3A_239 = arith.constant 16 : i32
      %mul3A_240 = arith.muli %mul3A_239, %scan3A_233 : i32
      %swap3A_241 = arith.index_cast %mul3A_240 : i32 to index
      %swap3A_242 = tpu.vector_load %arg9[%swap3A_241] {strides = array<i32>} : memref<2048xf32, #tpu.memory_space<vmem>>, vector<16xf32>,
      tpu.vector_store %arg9[%swap3A_241], %mul3A_238 {strides = array<i32>} : memref<2048xf32, #tpu.memory_space<vmem>>, vector<16xf32>,
    }
    %scan3A_192 = arith.constant 128 : i32
    "tpu.region"() ({
      %run_scoped3A = tpu.sem_alloc : memref<!tpu.dma_semaphore, #tpu.memory_space<semaphore_mem>>
      %dma_start3A_233 = arith.constant 0 : i32
      %dma_start3A_234 = tpu.memref_slice %arg5[%add3A, %dma_start3A_233] : memref<32x2048xf32, #tpu.memory_space<hbm>> -> memref<1x2048xf32, #tpu.memory_space<hbm>>
      %dma_start3A_235 = tpu.memref_squeeze %dma_start3A_234 : memref<1x2048xf32, #tpu.memory_space<hbm>> -> memref<2048xf32, #tpu.memory_space<hbm>>
      %dma_start3A_236 = arith.constant 0 : i32
      %dma_start3A_237 = tpu.memref_slice %arg5[%add3A, %dma_start3A_236] : memref<32x2048xf32, #tpu.memory_space<hbm>> -> memref<1x2048xf32, #tpu.memory_space<hbm>>
      %dma_start3A_238 = tpu.memref_squeeze %dma_start3A_237 : memref<1x2048xf32, #tpu.memory_space<hbm>> -> memref<2048xf32, #tpu.memory_space<hbm>>
      tpu.enqueue_dma source(%arg9 : memref<2048xf32, #tpu.memory_space<vmem>>) target(%dma_start3A_238 : memref<2048xf32, #tpu.memory_space<hbm>>) target_semaphore(%run_scoped3A : memref<!tpu.dma_semaphore, #tpu.memory_space<semaphore_mem>>)
      %dma_wait3A_239 = arith.constant 0 : i32
      %dma_wait3A_240 = tpu.memref_slice %arg5[%add3A, %dma_wait3A_239] : memref<32x2048xf32, #tpu.memory_space<hbm>> -> memref<1x2048xf32, #tpu.memory_space<hbm>>
      %dma_wait3A_241 = tpu.memref_squeeze %dma_wait3A_240 : memref<1x2048xf32, #tpu.memory_space<hbm>> -> memref<2048xf32, #tpu.memory_space<hbm>>
      %dma_wait3A_242 = arith.constant 0 : i32
      %dma_wait3A_243 = tpu.memref_slice %arg5[%add3A, %dma_wait3A_242] : memref<32x2048xf32, #tpu.memory_space<hbm>> -> memref<1x2048xf32, #tpu.memory_space<hbm>>
      %dma_wait3A_244 = tpu.memref_squeeze %dma_wait3A_243 : memref<1x2048xf32, #tpu.memory_space<hbm>> -> memref<2048xf32, #tpu.memory_space<hbm>>
      tpu.wait_dma2 semaphore(%run_scoped3A : memref<!tpu.dma_semaphore, #tpu.memory_space<semaphore_mem>>) src(%arg9 : memref<2048xf32, #tpu.memory_space<vmem>>) dst(%dma_wait3A_244 : memref<2048xf32, #tpu.memory_space<hbm>>)
      tpu.yield
    }) : () -> ()
    %broadcast_in_dim3A_193 = arith.constant 1.000000e+00 : f32
    %broadcast_in_dim3A_194 = vector.broadcast %broadcast_in_dim3A_193 : f32 to vector<16xf32>
    %mul3A_195 = vector.broadcast %reduce_sum3A_183 : f32 to vector<16xf32>
    %mul3A_196 = arith.mulf %broadcast_in_dim3A_194, %mul3A_195 : vector<16xf32>
    %bitcast3A = vector.bitcast %mul3A_196 : vector<16xf32> to vector<16xi32>
    %convert_element_type3A_197 = arith.sitofp %bitcast3A : vector<16xi32> to vector<16xf32>
    %mul3A_198 = arith.constant 8.26295832E-8 : f32
    %mul3A_199 = vector.broadcast %mul3A_198 : f32 to vector<16xf32>
    %mul3A_200 = arith.mulf %convert_element_type3A_197, %mul3A_199 : vector<16xf32>
    %sub3A = arith.constant 88.0296936 : f32
    %sub3A_201 = vector.broadcast %sub3A : f32 to vector<16xf32>
    %sub3A_202 = arith.subf %mul3A_200, %sub3A_201 : vector<16xf32>
    %neg3A = arith.constant 0.000000e+00 : f32
    %neg3A_203 = vector.broadcast %neg3A : f32 to vector<16xf32>
    %neg3A_204 = arith.subf %neg3A_203, %sub3A_202 : vector<16xf32>
    %exp3A = math.exp %neg3A_204 : vector<16xf32>
    %mul3A_205 = arith.mulf %mul3A_196, %exp3A : vector<16xf32>
    %add3A_206 = arith.addf %sub3A_202, %mul3A_205 : vector<16xf32>
    %sub3A_207 = arith.constant 1.000000e+00 : f32
    %sub3A_208 = vector.broadcast %sub3A_207 : f32 to vector<16xf32>
    %sub3A_209 = arith.subf %add3A_206, %sub3A_208 : vector<16xf32>
    %neg3A_210 = arith.constant 0.000000e+00 : f32
    %neg3A_211 = vector.broadcast %neg3A_210 : f32 to vector<16xf32>
    %neg3A_212 = arith.subf %neg3A_211, %sub3A_209 : vector<16xf32>
    %exp3A_213 = math.exp %neg3A_212 : vector<16xf32>
    %mul3A_214 = arith.mulf %mul3A_196, %exp3A_213 : vector<16xf32>
    %add3A_215 = arith.addf %sub3A_209, %mul3A_214 : vector<16xf32>
    %sub3A_216 = arith.constant 1.000000e+00 : f32
    %sub3A_217 = vector.broadcast %sub3A_216 : f32 to vector<16xf32>
    %sub3A_218 = arith.subf %add3A_215, %sub3A_217 : vector<16xf32>
    %neg3A_219 = arith.constant 0.000000e+00 : f32
    %neg3A_220 = vector.broadcast %neg3A_219 : f32 to vector<16xf32>
    %neg3A_221 = arith.subf %neg3A_220, %sub3A_218 : vector<16xf32>
    %exp3A_222 = math.exp %neg3A_221 : vector<16xf32>
    %mul3A_223 = arith.mulf %mul3A_196, %exp3A_222 : vector<16xf32>
    %add3A_224 = arith.addf %sub3A_218, %mul3A_223 : vector<16xf32>
    %sub3A_225 = arith.constant 1.000000e+00 : f32
    %sub3A_226 = vector.broadcast %sub3A_225 : f32 to vector<16xf32>
    %sub3A_227 = arith.subf %add3A_224, %sub3A_226 : vector<16xf32>
    %sub3A_228 = arith.subf %reduce_max3A_151, %reduce_max3A_172 : f32
    %sub3A_229 = vector.broadcast %sub3A_228 : f32 to vector<16xf32>
    %sub3A_230 = arith.subf %sub3A_229, %sub3A_227 : vector<16xf32>
    %swap3A_231 = arith.constant 0 : index
    %swap3A_232 = tpu.vector_load %arg10[%swap3A_231] {strides = array<i32>} : memref<16xf32, #tpu.memory_space<vmem>>, vector<16xf32>,
    tpu.vector_store %arg10[%swap3A_231], %sub3A_230 {strides = array<i32>} : memref<16xf32, #tpu.memory_space<vmem>>, vector<16xf32>,
    "tpu.region"() ({
      %run_scoped3A = tpu.sem_alloc : memref<!tpu.dma_semaphore, #tpu.memory_space<semaphore_mem>>
      %dma_start3A_233 = arith.constant 0 : i32
      %dma_start3A_234 = tpu.memref_slice %arg6[%add3A, %dma_start3A_233] : memref<32x16xf32, #tpu.memory_space<hbm>> -> memref<1x16xf32, #tpu.memory_space<hbm>>
      %dma_start3A_235 = tpu.memref_squeeze %dma_start3A_234 : memref<1x16xf32, #tpu.memory_space<hbm>> -> memref<16xf32, #tpu.memory_space<hbm>>
      %dma_start3A_236 = arith.constant 0 : i32
      %dma_start3A_237 = tpu.memref_slice %arg6[%add3A, %dma_start3A_236] : memref<32x16xf32, #tpu.memory_space<hbm>> -> memref<1x16xf32, #tpu.memory_space<hbm>>
      %dma_start3A_238 = tpu.memref_squeeze %dma_start3A_237 : memref<1x16xf32, #tpu.memory_space<hbm>> -> memref<16xf32, #tpu.memory_space<hbm>>
      tpu.enqueue_dma source(%arg10 : memref<16xf32, #tpu.memory_space<vmem>>) target(%dma_start3A_238 : memref<16xf32, #tpu.memory_space<hbm>>) target_semaphore(%run_scoped3A : memref<!tpu.dma_semaphore, #tpu.memory_space<semaphore_mem>>)
      %dma_wait3A_239 = arith.constant 0 : i32
      %dma_wait3A_240 = tpu.memref_slice %arg6[%add3A, %dma_wait3A_239] : memref<32x16xf32, #tpu.memory_space<hbm>> -> memref<1x16xf32, #tpu.memory_space<hbm>>
      %dma_wait3A_241 = tpu.memref_squeeze %dma_wait3A_240 : memref<1x16xf32, #tpu.memory_space<hbm>> -> memref<16xf32, #tpu.memory_space<hbm>>
      %dma_wait3A_242 = arith.constant 0 : i32
      %dma_wait3A_243 = tpu.memref_slice %arg6[%add3A, %dma_wait3A_242] : memref<32x16xf32, #tpu.memory_space<hbm>> -> memref<1x16xf32, #tpu.memory_space<hbm>>
      %dma_wait3A_244 = tpu.memref_squeeze %dma_wait3A_243 : memref<1x16xf32, #tpu.memory_space<hbm>> -> memref<16xf32, #tpu.memory_space<hbm>>
      tpu.wait_dma2 semaphore(%run_scoped3A : memref<!tpu.dma_semaphore, #tpu.memory_space<semaphore_mem>>) src(%arg10 : memref<16xf32, #tpu.memory_space<vmem>>) dst(%dma_wait3A_244 : memref<16xf32, #tpu.memory_space<hbm>>)
      tpu.yield
    }) : () -> ()
    return
  }
}

</mosaic_0001>

<sc_bundles>
// kernel: kernel.3.cloned.1.call-start
scs
__scs_entry_jumppad:
0x0: {  	(pc) =	sbr.rel $0x88, $3  }
0x1: {  	(tag) =	ssettag $0x0;
	lr =	simm.s32 $0x1  }
0x2: {  	[smem:$0x3F9E] =	sst lr;
	_ =	strace $0xD0000000  }
0x3: {  	_ = 	snop  }
0x4: {  	_ = 	snop  }
0x5: {  	_ = 	snop  }
0x6: {  	_ = 	snop  }
0x7: {  	_ = 	snop  }
__scs_overlays_trampoline_lowered:
0x8: {  	[smem:$0x3FAD] =	sst s0  }
0x9: {  	[smem:$0x3FAE] =	sst s1  }
0xa: {  	[smem:$0x3FAF] =	sst s2  }
0xb: {  	[smem:$0x3FB0] =	sst s3  }
0xc: {  	[smem:$0x3FB1] =	sst s4  }
0xd: {  	[smem:$0x3FB2] =	sst s5  }
0xe: {  	[smem:$0x3FB3] =	sst s6  }
0xf: {  	[smem:$0x3FB4] =	sst s7  }
0x10: {  	[smem:$0x3FB5] =	sst s8  }
0x11: {  	[smem:$0x3FB6] =	sst s9;
	s0 =	simm.s32 @!p0 $0x0  }
0x12: {  	s1 =	sld [smem:$0x3F9C];
	s0 =	simm.s32 @p0 $0x1  }
0x13: {  	[smem:$0x3FB7] =	sst s0;
	s0 =	simm.s32 @!p1 $0x0  }
0x14: {  	s2 =	sld [smem:$0x3F9B];
	s0 =	simm.s32 @p1 $0x1  }
0x15: {  	[smem:$0x3FB8] =	sst s0;
	s0 =	simm.s32 @!p2 $0x0  }
0x16: {  	s3 =	sld [smem:$0x3FDB];
	s0 =	simm.s32 @p2 $0x1  }
0x17: {  	s4 =	simm.s32 $0x1BF5;
	[smem:$0x3FBA] =	sst s0  }
0x18: {  	s0 =	sld [smem:$0x3F9D];
	_ =	swait.ge [sflag:s4], $0x0  }
0x19: {  	s7 =	sld [smem:$0x3F9E]  }
0x1a: {  	s8 =	sadd.s32 $0xFFFFE003, lr  }
0x1b: {  	s9 =	sadd.s32 $0xFFFFFEF7, lr;
	s5 =	simm.s32 $0xFFFFFFFF;
	p2 =	slt.u32 s8, $0xFFFFF086  }
0x1c: {  	p1 =	slt.u32 s9, $0xF7A;
	s5 =	simm.s32 @!p2 $0x0  }
0x1d: {  	s5 =	simm.s32 @p1 $0x1;
	p0 =	seq.s32 s7, s2  }
0x1e: {  	s7 =	smul.u32 @!p0 $0xF7A, s2;
	p2 =	seq.s32 @!p0 s5, $0x0  }
0x1f: {  	s9 =	smul.u32 $0xF7A, s1;
	s8 =	simm.s32 @!p0 $0x1BF5;
	p2 =	por !p2, p0  }
0x20: {  	[sflag:s8] =	ssyncset.s32 @!p0 $0xFFFFF086;
	s6 =	sadd.s32 @!p0 s3, s7;
	s7 =	simm.s32 @!p0 $0x108  }
0x21: {  	s3 =	sadd.s32 s3, s9;
	s6 =	sadd.s32 @!p0 $0x88, s6;
	s7 =	simm.s32 @p2 $0x1082  }
0x22: {  	[simem:s7], [sflag:s8] =	dma.local @!p0 [hbm:s6], $0xF7A  }
0x23: {  	s9 =	sor.u32 $0xD0000000, s2;
	s6 =	simm.s32 $0x108;
	_ =	swait.ge @!p0 [sflag:s8], $0x0  }
0x24: {  	s3 =	sadd.s32 $0x88, s3;
	s6 =	simm.s32 @!p1 $0x1082;
	[sflag:s4] =	ssyncset.s32 $0xFFFFF086  }
0x25: {  	[simem:s6], [sflag:s4] =	dma.local [hbm:s3], $0xF7A  }
0x26: {  	[smem:$0x3F9E] =	sst s1;
	(tag) =	ssettag s2;
	_ =	strace s9  }
0x27: {  	s1 =	sld [smem:$0x3FAE]  }
0x28: {  	s2 =	sld [smem:$0x3FAF]  }
0x29: {  	s4 =	sld [smem:$0x3FB1]  }
0x2a: {  	p0 =	seq.s32 s5, $0x0;
	s5 =	sld [smem:$0x3FB2]  }
0x2b: {  	s6 =	sld [smem:$0x3FB3]  }
0x2c: {  	s7 =	sld [smem:$0x3FB4]  }
0x2d: {  	s3 =	simm.s32 $0x108;
	s8 =	sld [smem:$0x3FB5]  }
0x2e: {  	s3 =	simm.s32 @!p0 $0x1082;
	s9 =	sld [smem:$0x3FB6]  }
0x2f: {  	lr =	sadd.s32 s0, s3;
	s0 =	sld [smem:$0x3FAD]  }
0x30: {  	s3 =	sld [smem:$0x3FB0]  }
0x31: {  	[smem:$0x3FB9] =	sst s10  }
0x32: {  	s10 =	sld [smem:$0x3FB7];
	_ =	sdelay $0x3  }
0x33: {  	p0 =	seq.s32 s10, $0x1;
	s10 =	sld [smem:$0x3FB9];
	_ =	sdelay $0x3  }
0x34: {  	[smem:$0x3FB9] =	sst s10  }
0x35: {  	s10 =	sld [smem:$0x3FB8];
	_ =	sdelay $0x3  }
0x36: {  	p1 =	seq.s32 s10, $0x1;
	s10 =	sld [smem:$0x3FB9];
	_ =	sdelay $0x3  }
0x37: {  	[smem:$0x3FB9] =	sst s10  }
0x38: {  	s10 =	sld [smem:$0x3FBA]  }
0x39: {  	_ = 	snop;
	(pc) =	sbr.ind lr, $3  }
0x3a: {  	_ = 	snop  }
0x3b: {  	_ = 	snop  }
0x3c: {  	p2 =	seq.s32 s10, $0x1;
	s10 =	sld [smem:$0x3FB9]  }
0x3d: {  	_ =	shalt  }
0x3e: {  	_ =	shalt  }
0x3f: {  	_ =	shalt  }
0x40: {  	_ =	shalt  }
0x41: {  	_ =	shalt  }
0x42: {  	_ =	shalt  }
0x43: {  	_ =	shalt  }
0x44: {  	_ =	shalt  }
0x45: {  	_ =	shalt  }
0x46: {  	_ =	shalt  }
0x47: {  	_ =	shalt  }
0x48: {  	_ =	shalt  }
0x49: {  	_ =	shalt  }
0x4a: {  	_ =	shalt  }
0x4b: {  	_ =	shalt  }
0x4c: {  	_ =	shalt  }
0x4d: {  	_ =	shalt  }
0x4e: {  	_ =	shalt  }
0x4f: {  	_ =	shalt  }
0x50: {  	_ =	shalt  }
0x51: {  	_ =	shalt  }
0x52: {  	_ =	shalt  }
0x53: {  	_ =	shalt  }
0x54: {  	_ =	shalt  }
0x55: {  	_ =	shalt  }
0x56: {  	_ =	shalt  }
0x57: {  	_ =	shalt  }
0x58: {  	_ =	shalt  }
0x59: {  	_ =	shalt  }
0x5a: {  	_ =	shalt  }
0x5b: {  	_ =	shalt  }
0x5c: {  	_ =	shalt  }
0x5d: {  	_ =	shalt  }
0x5e: {  	_ =	shalt  }
0x5f: {  	_ =	shalt  }
0x60: {  	_ =	shalt  }
0x61: {  	_ =	shalt  }
0x62: {  	_ =	shalt  }
0x63: {  	_ =	shalt  }
0x64: {  	_ =	shalt  }
0x65: {  	_ =	shalt  }
0x66: {  	_ =	shalt  }
0x67: {  	_ =	shalt  }
0x68: {  	_ =	shalt  }
0x69: {  	_ =	shalt  }
0x6a: {  	_ =	shalt  }
0x6b: {  	_ =	shalt  }
0x6c: {  	_ =	shalt  }
0x6d: {  	_ =	shalt  }
0x6e: {  	_ =	shalt  }
0x6f: {  	_ =	shalt  }
0x70: {  	_ =	shalt  }
0x71: {  	_ =	shalt  }
0x72: {  	_ =	shalt  }
0x73: {  	_ =	shalt  }
0x74: {  	_ =	shalt  }
0x75: {  	_ =	shalt  }
0x76: {  	_ =	shalt  }
0x77: {  	_ =	shalt  }
0x78: {  	_ =	shalt  }
0x79: {  	_ =	shalt  }
0x7a: {  	_ =	shalt  }
0x7b: {  	_ =	shalt  }
0x7c: {  	_ =	shalt  }
0x7d: {  	_ =	shalt  }
0x7e: {  	_ =	shalt  }
0x7f: {  	_ =	shalt  }
0x80: {  	_ =	shalt  }
0x81: {  	_ =	shalt  }
0x82: {  	_ =	shalt  }
0x83: {  	_ =	shalt  }
0x84: {  	_ =	shalt  }
0x85: {  	_ =	shalt  }
0x86: {  	_ =	shalt  }
0x87: {  	_ =	shalt  }
.Lfunc_end0:
.L_simem_size_0:
called_computation_lowered:
.L_overlay_start_0:
0x88: {  	s2 =	sld [smem:$0x3FD9]  }
0x89: {  	s3 =	sld [smem:$0x3FFE];
	_ =	sdelay $0x1  }
0x8a: {  	s1 =	srdreg.scid  }
0x8b: {  	s0 =	sand.u32 $0x1, s1  }
0x8c: {  	s14 =	sshll.u32 s0, $0xA;
	s2 =	sadd.s32 s3, s2  }
0x8d: {  	s2 =	sadd.s32 s2, s14  }
0x8e: {  	[smem:$0x3FC5] =	sst s2  }
0x8f: {  	_ = 	snop  }
0x90: {  	s2 =	sld [smem:$0x3FD0];
	_ =	sdelay $0x1  }
0x91: {  	s15 =	sld [smem:$0x3FC9]  }
0x92: {  	s5 =	simm.s32 $0xA;
	s6 =	simm.s32 $0x10;
	s4 =	sld [smem:$0x3FC7]  }
0x93: {  	[smem:s6], [sflag:s5] =	dma.local [hbm:s2], $0x1  }
0x94: {  	_ =	swait.eq [sflag:s5], $0x1  }
0x95: {  	[sflag:s5] =	ssyncset.done $0x0  }
0x96: {  	[sflag:s5] =	ssyncadd.s32 $0xFFFFFFFF  }
0x97: {  	s16 =	sld [smem:$0x10];
	(tm) =	ssettm $0x1  }
0x98: {  	s17 =	sld [smem:$0x3FFB];
	_ =	sdelay $0x3  }
0x99: {  	_ =	strace s17  }
0x9a: {  	s5 =	sld [smem:$0x3FFC];
	_ =	sdelay $0x3  }
0x9b: {  	_ =	strace s5  }
0x9c: {  	s5 =	sld [smem:$0x3FFD];
	_ =	sdelay $0x3  }
0x9d: {  	_ =	strace s5  }
0x9e: {  	_ =	strace $0x8FFFFFFF  }
0x9f: {  	s18 =	sld [smem:$0x3FDB];
	_ =	sdelay $0x1  }
0xa0: {  	s19 =	simm.s32 $_scs_section_size  }
0xa1: {  	s7 =	simm.s32 $_size__tile_overlayer_lowered;
	s8 =	simm.s32 $_tile_overlayer_lowered  }
0xa2: {  	s22 =	simm.s32 $0x1BFF;
	s21 =	sshll.u32 s8, $0x1;
	s5 =	sadd.s32 s19, s18  }
0xa3: {  	s9 =	simm.s32 $0x0;
	s20 =	sshll.u32 s7, $0x1;
	s7 =	sadd.s32 s21, s5  }
0xa4: {  	[timem:s9], [sflag:s22] =	dma.local [hbm:s7], s20  }
0xa5: {  	_ =	swait.ge [sflag:s22], s20  }
0xa6: {  	s6 =	ssub.s32 $0x0, s20;
	[sflag:s22] =	ssyncset.done $0x0  }
0xa7: {  	[sflag:s22] =	ssyncadd.s32 s6;
	_ =	sdelay $0x1  }
0xa8: {  	s23 =	simm.s32 $0x1B8B  }
0xa9: {  	_ =	swait.ge [sflag:s23], $0x1  }
0xaa: {  	[sflag:s23] =	ssyncset.done $0x0  }
0xab: {  	s25 =	simm.s32 $0x1B8E;
	s24 =	sld [smem:$0x3FFE];
	[sflag:s23] =	ssyncadd.s32 $0xFFFFFFFF  }
0xac: {  	s26 =	simm.s32 $execute0_lowered;
	[smem:$0x3FD2] =	sst s25  }
0xad: {  	s7 =	sshll.u32 s26, $0x1;
	_ =	strace $0x80000046;
	[dreg:$0x1] =	wrdreg $0xFFFFFFFF  }
0xae: {  	s28 =	simm.s32 $_size_execute0_lowered;
	s5 =	sadd.s32 s5, s7;
	[dreg:$0x0] =	wrdreg $0x0  }
0xaf: {  	s7 =	sshll.u32 s28, $0x1;
	[dreg:$0x2] =	wrdreg s5  }
0xb0: {  	[dreg:$0x3] =	wrdreg s7  }
0xb1: {  	[dreg:$0x4] =	wrdreg $0xC0  }
0xb2: {  	_ =	task [dreg:s9], $0x5FFFF  }
0xb3: {  	[dreg:$0x1] =	wrdreg $0xFFFFFFFF  }
0xb4: {  	[dreg:$0x0] =	wrdreg $0x60  }
0xb5: {  	[dreg:$0x2] =	wrdreg s15  }
0xb6: {  	[dreg:$0x3] =	wrdreg s24  }
0xb7: {  	[dreg:$0x4] =	wrdreg s4  }
0xb8: {  	[dreg:$0x5] =	wrdreg s16  }
0xb9: {  	[dreg:$0x6] =	wrdreg $0x9  }
0xba: {  	_ =	task.clear_ibuf [dreg:s9], $0x7FFFF;
	_ =	strace $0x90000046  }
0xbb: {  	s29 =	simm.s32 $0x9;
	_ =	strace $0x80000048  }
0xbc: {  	_ =	swait.ge [sflag:s29], $0x1  }
0xbd: {  	[sflag:s29] =	ssyncadd.s32 $0xFFFFFFFF  }
0xbe: {  	_ =	strace $0x90000048  }
0xbf: {  	_ =	sfence  }
0xc0: {  	s30 =	sld [smem:$0x0];
	_ =	sdelay $0x2  }
0xc1: {  	s31 =	sshll.u32 s1, $0xD;
	s1 =	sshrl.u32 s1, $0x2  }
0xc2: {  	s3 =	sand.u32 $0x4000, s31;
	s1 =	sadd.s32 s1, s30  }
0xc3: {  	s0 =	sor.u32 s3, s0;
	s1 =	sshll.u32 s1, $0x11  }
0xc4: {  	s0 =	sor.u32 s1, s0  }
0xc5: {  	s0 =	sadd.s32 $0x8F2B, s0  }
0xc6: {  	[sflag:s0] =	ssyncadd.remote.s32 $0x1  }
0xc7: {  	_ =	sfence.sel $0xFFFF  }
0xc8: {  	[dreg:$0x0] =	wrdreg $0xFFFFFFFF;
	(pc) =	sbr.abs _section_cstart, $3  }
0xc9: {  	[dreg:$0x1] =	wrdreg $0xFFFFFFFF  }
0xca: {  	_ =	task.clear_ibuf [dreg:s9], $0x2FFFF;
	_ =	strace $0x9FFFFFFF  }
0xcb: {  	(tm) =	ssettm $0x7FFFFFFF  }
tec
execute0_lowered:
.L_overlay_start_1:
0x0: {  	(tag) =	ssettag $0x1  }
0x1: {  	s1 =	rddreg [dreg:$0x0]  }
0x2: {  	s0 =	rddreg [dreg:$0x1];
	s2 =	srdreg.scid  }
0x3: {  	s6 =	stileid.u32;
	s3 =	rddreg [dreg:$0x3];
	s4 =	simm.s32 $0x0  }
0x4: {  	s14 =	simm.s32 $0xB00;
	s15 =	simm.s32 $0x8B00;
	s16 =	simm.s32 $0x10B00  }
0x5: {  	s18 =	simm.s32 $0x4;
	s19 =	simm.s32 $0x1;
	s20 =	simm.s32 $0x2  }
0x6: {  	s21 =	simm.s32 $0x3;
	s28 =	simm.s32 $0x0;
	s2 =	sand.u32 $0x1, s2  }
0x7: {  	s5 =	sshll.u32 s6, $0x1;
	s7 =	sshrl.u32 s6, $0x2;
	[smem:$0x7FF] =	sst s4  }
0x8: {  	s10 =	sadd.s32 $0x800, s0;
	s8 =	sor.u32 s2, s5;
	s24 =	sshll.u32 s7, $0xA  }
0x9: {  	_ =	strace $0x80000047;
	[dreg:$0x5] =	wrdreg s10;
	s2 =	ssub.s32 $0x2, s2  }
0xa: {  	s29 =	sshll.u32 s7, $0xE;
	s5 =	sand.u32 $0x10, s5;
	s23 =	sshll.u32 s8, $0x7  }
0xb: {  	s25 =	sshrl.u32 s2, $0x1;
	s26 =	sshll.u32 s8, $0x11;
	s9 =	sand.u32 $0x380, s23  }
0xc: {  	s7 =	sshll.u32 s8, $0x14;
	[dreg:$0x8] =	wrdreg s5;
	s6 =	sor.u32 s24, s9  }
0xd: {  	s8 =	sand.u32 $0xF, s8;
	s2 =	ssub.s32 s2, s25;
	s6 =	sshrl.u32 s6, $0x3  }
0xe: {  	s25 =	simm.s32 $0x5;
	s0 =	sadd.s32 s6, s0;
	s6 =	sadd.s32 s1, s26  }
0xf: {  	s9 =	sor.u32 s29, s9;
	s13 =	smax.u32 s2, $0x1;
	s11 =	sadd.s32 $0x1000, s6  }
0x10: {  	v0 =	vlaneseq.u32;
	v1 =	vmov s8;
	s31 =	sshrl.u32 s9, $0x3;
	s30 =	sadd.s32 $0x2000, s6;
	[dreg:$0x6] =	wrdreg s11  }
0x11: {  	vm0 =	veq.s32 v1, v0;
	s12 =	sadd.s32 $0xA00, s0;
	[dreg:$0x7] =	wrdreg s30;
	s11 =	sadd.s32 s3, s31  }
.LBB2_1:
0x12: {  	[tilespmem:s14], [sflag:$0x1] =	stream.linear.gather [hbm4b:s6+s4], $0x8000, $0x38;
	[tilespmem:$0x18B00] =	vst v63  }
0x13: {  	s0 =	rddreg [dreg:$0x6]  }
0x14: {  	[tilespmem:s15], [sflag:$0x2] =	stream.linear.gather [hbm4b:s0+s4], $0x8000, $0x38;
	[tilespmem:$0x18B00] =	vst v63  }
0x15: {  	s26 =	rddreg [dreg:$0x7]  }
0x16: {  	[tilespmem:s16], [sflag:$0x3] =	stream.linear.gather [hbm4b:s26+s4], $0x8000, $0x38;
	[tilespmem:$0x18B00] =	vst v63  }
0x17: {  	s30 =	rddreg [dreg:$0x5]  }
0x18: {  	[tilespmem:s4], [sflag:$0x4] =	stream.linear.gather [hbm4b:s30+s4], $0x200, $0x38;
	[tilespmem:$0x18B00] =	vst v63  }
0x19: {  	s31 =	rddreg [dreg:$0x2];
	s2 =	simm.s32 $0x200  }
0x1a: {  	[tilespmem:s2], [sflag:$0x4] =	stream.linear.gather [hbm4b:s31+s4], $0x80, $0x38;
	[tilespmem:$0x18B00] =	vst v63  }
0x1b: {  	_ =	swait.ge [sflag:s18], $0x200  }
0x1c: {  	[sflag:s18] =	ssyncset.done $0x0  }
0x1d: {  	[sflag:s18] =	ssyncadd.s32 $0xFFFFFE00  }
0x1e: {  	_ =	swait.ge [sflag:s18], $0x80  }
0x1f: {  	[sflag:s18] =	ssyncset.done $0x0  }
0x20: {  	[sflag:s18] =	ssyncadd.s32 $0xFFFFFF80  }
0x21: {  	v1 =	vld [tilespmem:$0x0]  }
0x22: {  	v2 =	vld [tilespmem:$0x10]  }
0x23: {  	v3 =	vld [tilespmem:$0x20]  }
0x24: {  	v4 =	vld [tilespmem:$0x30]  }
0x25: {  	v5 =	vld [tilespmem:$0x40]  }
0x26: {  	v6 =	vld [tilespmem:$0x50]  }
0x27: {  	v7 =	vld [tilespmem:$0x60]  }
0x28: {  	v8 =	vld [tilespmem:$0x70]  }
0x29: {  	v9 =	vld [tilespmem:$0x80]  }
0x2a: {  	v10 =	vld [tilespmem:$0x90]  }
0x2b: {  	v11 =	vld [tilespmem:$0xA0]  }
0x2c: {  	v12 =	vld [tilespmem:$0xB0]  }
0x2d: {  	v13 =	vld [tilespmem:$0xC0]  }
0x2e: {  	v14 =	vld [tilespmem:$0xD0]  }
0x2f: {  	v15 =	vld [tilespmem:$0xE0]  }
0x30: {  	v16 =	vld [tilespmem:$0xF0]  }
0x31: {  	v17 =	vld [tilespmem:$0x100]  }
0x32: {  	v18 =	vld [tilespmem:$0x110]  }
0x33: {  	v19 =	vld [tilespmem:$0x120]  }
0x34: {  	v20 =	vld [tilespmem:$0x130]  }
0x35: {  	v21 =	vld [tilespmem:$0x140]  }
0x36: {  	v22 =	vld [tilespmem:$0x150]  }
0x37: {  	v23 =	vld [tilespmem:$0x160]  }
0x38: {  	v24 =	vld [tilespmem:$0x170]  }
0x39: {  	v25 =	vld [tilespmem:$0x180]  }
0x3a: {  	v26 =	vld [tilespmem:$0x190]  }
0x3b: {  	v27 =	vld [tilespmem:$0x1A0]  }
0x3c: {  	v28 =	vld [tilespmem:$0x1B0]  }
0x3d: {  	v29 =	vld [tilespmem:$0x1C0]  }
0x3e: {  	v30 =	vld [tilespmem:$0x1D0]  }
0x3f: {  	v31 =	vld [tilespmem:$0x1E0]  }
0x40: {  	s29 =	simm.s32 $0x0;
	v32 =	vld [tilespmem:$0x1F0]  }
.LBB2_2:
0x41: {  	s0 =	smul.u32 $0x300, s29;
	_ =	sdelay $0x1  }
0x42: {  	_ =	swait.ge [sflag:s19], $0x8000;
	s30 =	sshra.s32 s0, $0x2  }
0x43: {  	[sflag:s19] =	ssyncset.done $0x0;
	s2 =	sadd.s32 $0x280, s30  }
0x44: {  	[sflag:s19] =	ssyncadd.s32 $0xFFFF8000;
	s0 =	simm.s32 $0x0;
	v33 =	vmov s2;
	s2 =	simm.s32 $0x0  }
.LBB2_3:
0x45: {  	s3 =	sshll.u32 s2, $0xD  }
0x46: {  	s3 =	sand.u32 $0x3FFFE000, s3  }
0x47: {  	s26 =	sand.u32 $0x1000, s0;
	s17 =	sor.u32 $0xB00, s3  }
0x48: {  	s5 =	sand.u32 $0x380, s0;
	s3 =	sadd.s32 s26, s17  }
0x49: {  	s5 =	sadd.s32 s5, s3  }
0x4a: {  	v34 =	vld [tilespmem:s5+$0xC40]  }
0x4b: {  	v35 =	vld [tilespmem:s5+$0xC50]  }
0x4c: {  	v36 =	vld [tilespmem:s5+$0xC00]  }
0x4d: {  	v37 =	vld [tilespmem:s5+$0xC10]  }
0x4e: {  	v38 =	vld [tilespmem:s5+$0x840]  }
0x4f: {  	v39 =	vld [tilespmem:s5+$0x850]  }
0x50: {  	v40 =	vld [tilespmem:s5+$0x800]  }
0x51: {  	v41 =	vld [tilespmem:s5+$0x810]  }
0x52: {  	v42 =	vld [tilespmem:s5+$0x440]  }
0x53: {  	v43 =	vld [tilespmem:s5+$0x450]  }
0x54: {  	v44 =	vld [tilespmem:s5+$0x400]  }
0x55: {  	v47 =	vld [tilespmem:s5+$0x0]  }
0x56: {  	v48 =	vld [tilespmem:s5+$0x10]  }
0x57: {  	v49 =	vld [tilespmem:s5+$0x20]  }
0x58: {  	v50 =	vld [tilespmem:s5+$0x30]  }
0x59: {  	v51 =	vld [tilespmem:s5+$0x40]  }
0x5a: {  	v52 =	vld [tilespmem:s5+$0x50];
	v34 =	vmul.f32 v34, v29;
	v35 =	vmul.f32 v35, v30  }
0x5b: {  	v53 =	vld [tilespmem:s5+$0x60];
	v36 =	vmul.f32 v36, v25;
	v37 =	vmul.f32 v37, v26  }
0x5c: {  	v54 =	vld [tilespmem:s5+$0x70];
	v38 =	vmul.f32 v38, v21;
	v39 =	vmul.f32 v39, v22  }
0x5d: {  	v45 =	vld [tilespmem:s5+$0x410];
	v40 =	vmul.f32 v40, v17;
	v47 =	vmul.f32 v47, v1  }
0x5e: {  	v46 =	vld [tilespmem:s5+$0x420];
	v51 =	vmul.f32 v51, v5;
	v48 =	vmul.f32 v48, v2  }
0x5f: {  	v56 =	vld [tilespmem:s5+$0x430];
	v52 =	vmul.f32 v52, v6;
	v49 =	vmul.f32 v49, v3  }
0x60: {  	s31 =	simm.s32 $0x200;
	v57 =	vld [tilespmem:s5+$0x460];
	v53 =	vmul.f32 v53, v7;
	v50 =	vmul.f32 v50, v4  }
0x61: {  	s22 =	simm.s32 $0x80;
	s3 =	sand.u32 $0x1000, s31;
	v58 =	vld [tilespmem:s5+$0x470];
	v54 =	vmul.f32 v54, v8;
	v41 =	vmul.f32 v41, v18  }
0x62: {  	s8 =	sand.u32 $0x380, s22;
	s3 =	sadd.s32 s3, s17;
	v59 =	vld [tilespmem:s5+$0x820];
	v44 =	vmul.f32 v44, v9;
	v42 =	vmul.f32 v42, v13  }
0x63: {  	v60 =	vld [tilespmem:s5+$0x830];
	s3 =	sadd.s32 s8, s3;
	v45 =	vmul.f32 v45, v10;
	v46 =	vmul.f32 v46, v11  }
0x64: {  	v55 =	vld [tilespmem:s3+$0xC40];
	v56 =	vmul.f32 v56, v12;
	v47 =	vadd.f32 v51, v47;
	v48 =	vadd.f32 v52, v48  }
0x65: {  	v43 =	vmul.f32 v43, v14;
	v51 =	vld [tilespmem:s5+$0x860];
	v49 =	vadd.f32 v53, v49;
	v50 =	vadd.f32 v54, v50  }
0x66: {  	v61 =	vmul.f32 v57, v15;
	v52 =	vld [tilespmem:s5+$0x870];
	v44 =	vadd.f32 v44, v47;
	v45 =	vadd.f32 v45, v48  }
0x67: {  	v63 =	vmul.f32 v58, v16;
	v53 =	vld [tilespmem:s5+$0xC20];
	v46 =	vadd.f32 v46, v49;
	v62 =	vadd.f32 v56, v50  }
0x68: {  	v54 =	vld [tilespmem:s5+$0xC30];
	v48 =	vmul.f32 v60, v20;
	v42 =	vadd.f32 v42, v44;
	v43 =	vadd.f32 v43, v45  }
0x69: {  	v57 =	vld [tilespmem:s5+$0xC70];
	v44 =	vmul.f32 v59, v19;
	v45 =	vadd.f32 v61, v46;
	v46 =	vadd.f32 v63, v62  }
0x6a: {  	v47 =	vld [tilespmem:s5+$0xC60];
	v49 =	vmul.f32 v51, v23;
	v40 =	vadd.f32 v40, v42;
	v41 =	vadd.f32 v41, v43  }
0x6b: {  	v58 =	vld [tilespmem:s3+$0xC00];
	v52 =	vmul.f32 v52, v24;
	v50 =	vadd.f32 v44, v45;
	v51 =	vadd.f32 v48, v46  }
0x6c: {  	v56 =	vld [tilespmem:s3+$0xC50];
	v48 =	vmul.f32 v53, v27;
	v38 =	vadd.f32 v38, v40;
	v39 =	vadd.f32 v39, v41  }
0x6d: {  	v60 =	vld [tilespmem:s3+$0x840];
	v42 =	vadd.f32 v49, v50;
	v45 =	vadd.f32 v52, v51;
	v49 =	vmul.f32 v54, v28  }
0x6e: {  	v59 =	vld [tilespmem:s3+$0xC10];
	v53 =	vmul.f32 v57, v32;
	v36 =	vadd.f32 v36, v38;
	v37 =	vadd.f32 v37, v39  }
0x6f: {  	v61 =	vld [tilespmem:s3+$0x850];
	v50 =	vmul.f32 v47, v31;
	v51 =	vadd.f32 v48, v42;
	v52 =	vadd.f32 v49, v45  }
0x70: {  	v43 =	vld [tilespmem:s3+$0x810];
	v34 =	vadd.f32 v34, v36;
	v35 =	vadd.f32 v35, v37  }
0x71: {  	v44 =	vld [tilespmem:s3+$0x440];
	v54 =	vadd.f32 v50, v51;
	v57 =	vadd.f32 v53, v52  }
0x72: {  	v46 =	vld [tilespmem:s3+$0x400]  }
0x73: {  	v41 =	vld [tilespmem:s3+$0x800];
	v34 =	vadd.f32 v35, v34;
	v62 =	vadd.f32 v57, v54  }
0x74: {  	v47 =	vld [tilespmem:s3+$0x410]  }
0x75: {  	v45 =	vld [tilespmem:s3+$0x450];
	v63 =	vadd.f32 v62, v34  }
0x76: {  	v42 =	vld [tilespmem:s3+$0x420]  }
0x77: {  	v48 =	vld [tilespmem:s3+$0x0];
	(xrf2) =	vadd.scan.msk.f32 $0xffff, v63  }
0x78: {  	v49 =	vld [tilespmem:s3+$0x10]  }
0x79: {  	v40 =	vmul.f32 v61, v22;
	v38 =	vmul.f32 v59, v26;
	v50 =	vld [tilespmem:s3+$0x20]  }
0x7a: {  	s23 =	simm.s32 $0x1;
	v39 =	vmul.f32 v60, v21;
	v36 =	vmul.f32 v56, v30;
	v51 =	vld [tilespmem:s3+$0x30]  }
0x7b: {  	s24 =	simm.s32 $0x0;
	s26 =	simm.s32 $0x400;
	s5 =	simm.s32 $0x2;
	v37 =	vmul.f32 v58, v25;
	v52 =	vld [tilespmem:s3+$0x40];
	v35 =	vmul.f32 v55, v29;
	v34 =	vimm.f32 $0.0e+00  }
.LBB2_4:
0x7c: {  	s8 =	sand.u32 $0x1000, s26;
	p0 =	sne.s32 s5, $0xF;
	v53 =	vld [tilespmem:s3+$0x50];
	v41 =	vmul.f32 v41, v17;
	v43 =	vmul.f32 v43, v18;
	s22 =	sadd.s32 $0x80, s22  }
0x7d: {  	v44 =	vmul.f32 v44, v13;
	v45 =	vmul.f32 v45, v14;
	s9 =	sand.u32 $0x380, s22;
	s8 =	sadd.s32 s8, s17;
	v54 =	vld [tilespmem:s3+$0x60]  }
0x7e: {  	v46 =	vmul.f32 v46, v9;
	v47 =	vmul.f32 v47, v10;
	s8 =	sadd.s32 s9, s8;
	v55 =	vld [tilespmem:s3+$0x70]  }
0x7f: {  	v48 =	vmul.f32 v48, v1;
	v42 =	vmul.f32 v42, v11;
	v56 =	vld [tilespmem:s8+$0xC40]  }
0x80: {  	v49 =	vmul.f32 v49, v2;
	v50 =	vmul.f32 v50, v3;
	v57 =	vld [tilespmem:s3+$0x430]  }
0x81: {  	v51 =	vmul.f32 v51, v4;
	v52 =	vmul.f32 v52, v5;
	v58 =	vld [tilespmem:s3+$0x460];
	v59, _, _ =	vpop (xrf2)  }
0x82: {  	v61 =	vmov s24;
	s24 =	smov.u32 s23;
	s23 =	smov.u32 s5;
	v53 =	vmul.f32 v53, v6;
	v60 =	vld [tilespmem:s3+$0x470];
	v59 =	vbroadcast v59, $0xF  }
0x83: {  	vm1 =	veq.s32 v61, v0;
	v54 =	vmul.f32 v54, v7;
	v55 =	vmul.f32 v55, v8;
	v62 =	vld [tilespmem:s3+$0x820]  }
0x84: {  	v48 =	vadd.f32 v52, v48;
	v49 =	vadd.f32 v53, v49;
	v52 =	vld [tilespmem:s3+$0x830];
	v34 =	vsel vm1, v59, v34  }
0x85: {  	v50 =	vadd.f32 v54, v50;
	v51 =	vadd.f32 v55, v51;
	v53 =	vmul.f32 v57, v12;
	v54 =	vld [tilespmem:s3+$0x860]  }
0x86: {  	v46 =	vadd.f32 v46, v48;
	v47 =	vadd.f32 v47, v49;
	v48 =	vmul.f32 v58, v15;
	v49 =	vld [tilespmem:s3+$0x870]  }
0x87: {  	v42 =	vadd.f32 v42, v50;
	v50 =	vadd.f32 v53, v51;
	v51 =	vmul.f32 v60, v16;
	v53 =	vld [tilespmem:s3+$0xC20]  }
0x88: {  	v44 =	vadd.f32 v44, v46;
	v45 =	vadd.f32 v45, v47;
	v46 =	vmul.f32 v62, v19;
	v47 =	vld [tilespmem:s3+$0xC30]  }
0x89: {  	v42 =	vadd.f32 v48, v42;
	v48 =	vadd.f32 v51, v50;
	v50 =	vmul.f32 v52, v20;
	v51 =	vld [tilespmem:s3+$0xC60]  }
0x8a: {  	v41 =	vadd.f32 v41, v44;
	v43 =	vadd.f32 v43, v45;
	v44 =	vmul.f32 v54, v23;
	v45 =	vld [tilespmem:s3+$0xC70];
	s3 =	smov.u32 s8  }
0x8b: {  	v42 =	vadd.f32 v46, v42;
	v52 =	vld [tilespmem:s3+$0xC50];
	v46 =	vadd.f32 v50, v48;
	v48 =	vmul.f32 v49, v24  }
0x8c: {  	v39 =	vadd.f32 v39, v41;
	v40 =	vadd.f32 v40, v43;
	v54 =	vld [tilespmem:s3+$0xC00];
	v41 =	vmul.f32 v53, v27  }
0x8d: {  	v42 =	vadd.f32 v44, v42;
	v53 =	vld [tilespmem:s3+$0xC10];
	v43 =	vadd.f32 v48, v46;
	v44 =	vmul.f32 v47, v28  }
0x8e: {  	v37 =	vadd.f32 v37, v39;
	v38 =	vadd.f32 v38, v40;
	v55 =	vld [tilespmem:s3+$0x840];
	v39 =	vmul.f32 v51, v31  }
0x8f: {  	v42 =	vadd.f32 v41, v42;
	v40 =	vld [tilespmem:s3+$0x850];
	v44 =	vadd.f32 v44, v43;
	v45 =	vmul.f32 v45, v32  }
0x90: {  	v35 =	vadd.f32 v35, v37;
	v36 =	vadd.f32 v36, v38;
	v41 =	vld [tilespmem:s3+$0x800]  }
0x91: {  	v37 =	vadd.f32 v39, v42;
	v43 =	vld [tilespmem:s3+$0x810];
	v38 =	vadd.f32 v45, v44  }
0x92: {  	v44 =	vld [tilespmem:s3+$0x440]  }
0x93: {  	v35 =	vadd.f32 v36, v35;
	v45 =	vld [tilespmem:s3+$0x450];
	v36 =	vadd.f32 v38, v37  }
0x94: {  	v46 =	vld [tilespmem:s3+$0x400]  }
0x95: {  	v47 =	vld [tilespmem:s3+$0x410];
	v35 =	vadd.f32 v36, v35  }
0x96: {  	v42 =	vld [tilespmem:s3+$0x420]  }
.Ltmp0:
0x97: {  	v48 =	vld [tilespmem:s3+$0x0];
	(xrf2) =	vadd.scan.msk.f32 $0xffff, v35;
	(pc) =	sbr.rel @p0 .LBB2_4-.Ltmp0, $4  }
0x98: {  	v49 =	vld [tilespmem:s3+$0x10]  }
0x99: {  	v36 =	vmul.f32 v52, v30;
	v35 =	vmul.f32 v56, v29;
	v50 =	vld [tilespmem:s3+$0x20]  }
0x9a: {  	v37 =	vmul.f32 v54, v25;
	v38 =	vmul.f32 v53, v26;
	v51 =	vld [tilespmem:s3+$0x30]  }
0x9b: {  	s26 =	sadd.s32 $0x200, s26;
	s5 =	sadd.s32 $0x1, s5;
	v39 =	vmul.f32 v55, v21;
	v40 =	vmul.f32 v40, v22;
	v52 =	vld [tilespmem:s3+$0x40]  }
0x9c: {  	v53 =	vld [tilespmem:s3+$0x50]  }
0x9d: {  	v41 =	vmul.f32 v41, v17;
	v43 =	vmul.f32 v43, v18;
	v54 =	vld [tilespmem:s3+$0x60]  }
0x9e: {  	v44 =	vmul.f32 v44, v13;
	v45 =	vmul.f32 v45, v14;
	v55 =	vld [tilespmem:s3+$0x70]  }
0x9f: {  	v46 =	vmul.f32 v46, v9;
	v47 =	vmul.f32 v47, v10  }
0xa0: {  	v48 =	vmul.f32 v48, v1;
	v56 =	vld [tilespmem:s3+$0x430];
	v49 =	vmul.f32 v49, v2  }
0xa1: {  	v57 =	vld [tilespmem:s3+$0x460];
	v50 =	vmul.f32 v50, v3;
	v51 =	vmul.f32 v51, v4  }
0xa2: {  	v58 =	vld [tilespmem:s3+$0x470];
	v52 =	vmul.f32 v52, v5;
	v53 =	vmul.f32 v53, v6  }
0xa3: {  	v59 =	vld [tilespmem:s3+$0x820];
	v54 =	vmul.f32 v54, v7;
	v55 =	vmul.f32 v55, v8  }
0xa4: {  	v42 =	vmul.f32 v42, v11;
	v48 =	vadd.f32 v52, v48;
	v52 =	vld [tilespmem:s3+$0x830];
	v49 =	vadd.f32 v53, v49  }
0xa5: {  	v60 =	vld [tilespmem:s3+$0x860];
	v63 =	vmul.f32 v56, v12;
	v50 =	vadd.f32 v54, v50;
	v51 =	vadd.f32 v55, v51  }
0xa6: {  	v61 =	vmul.f32 v57, v15;
	v46 =	vadd.f32 v46, v48;
	v47 =	vadd.f32 v47, v49;
	v49 =	vld [tilespmem:s3+$0x870]  }
0xa7: {  	v56 =	vld [tilespmem:s3+$0xC30];
	v42 =	vadd.f32 v42, v50;
	v62 =	vadd.f32 v63, v51;
	v63 =	vmul.f32 v58, v16  }
0xa8: {  	v53 =	vld [tilespmem:s3+$0xC20];
	v55 =	vmul.f32 v59, v19;
	v44 =	vadd.f32 v44, v46;
	v45 =	vadd.f32 v45, v47  }
0xa9: {  	v59 =	vld [tilespmem:s3+$0xC60];
	v42 =	vadd.f32 v61, v42;
	v57 =	vadd.f32 v63, v62;
	v58 =	vmul.f32 v52, v20  }
0xaa: {  	v60 =	vmul.f32 v60, v23;
	v61 =	vld [tilespmem:s3+$0xC70];
	v41 =	vadd.f32 v41, v44;
	v43 =	vadd.f32 v43, v45  }
0xab: {  	v42 =	vadd.f32 v55, v42;
	v62 =	vadd.f32 v58, v57;
	v63 =	vmul.f32 v49, v24  }
0xac: {  	v52 =	vmul.f32 v56, v28;
	v39 =	vadd.f32 v39, v41;
	v40 =	vadd.f32 v40, v43  }
0xad: {  	v49 =	vmul.f32 v53, v27;
	v42 =	vadd.f32 v60, v42;
	v50 =	vadd.f32 v63, v62  }
0xae: {  	v53 =	vmul.f32 v59, v31;
	v37 =	vadd.f32 v37, v39;
	v38 =	vadd.f32 v38, v40  }
0xaf: {  	v56 =	vmul.f32 v61, v32;
	v54 =	vadd.f32 v49, v42;
	v55 =	vadd.f32 v52, v50  }
0xb0: {  	v35 =	vadd.f32 v35, v37;
	v36 =	vadd.f32 v36, v38  }
0xb1: {  	v57 =	vadd.f32 v53, v54;
	v58 =	vadd.f32 v56, v55;
	_ =	sdelay $0x1  }
0xb2: {  	v35 =	vadd.f32 v36, v35;
	v59 =	vadd.f32 v58, v57;
	_ =	sdelay $0x1  }
0xb3: {  	v35 =	vadd.f32 v59, v35;
	_ =	sdelay $0x1  }
0xb4: {  	(xrf2) =	vadd.scan.msk.f32 $0xffff, v35;
	_ =	sdelay $0x7  }
0xb5: {  	s31 =	sshll.u32 s2, $0x4;
	s2 =	sadd.s32 $0x1, s2  }
0xb6: {  	p0 =	sne.s32 s2, $0x4;
	v60, _, _ =	vpop (xrf2)  }
.Ltmp1:
0xb7: {  	v61 =	vmov s24;
	v35 =	vbroadcast v60, $0xF;
	v62, _, _ =	vpop (xrf2);
	(pc) =	sbr.rel @p0 .LBB2_3-.Ltmp1, $4  }
0xb8: {  	v63 =	vmov s23;
	vm1 =	veq.s32 v61, v0;
	v37 =	vbroadcast v62, $0xF  }
0xb9: {  	v34 =	vsel vm1, v35, v34;
	vm1 =	veq.s32 v63, v0  }
0xba: {  	s3 =	sand.u32 $0x3FFFFFF0, s31;
	v34 =	vsel vm1, v37, v34  }
0xbb: {  	[tilespmem:v33+s3+$0x0 ss:$0x1] =	vst.idx.msk $0xffff, v34  }
0xbc: {  	s31 =	smul.u32 $0x18000, s29;
	_ =	sdelay $0x1  }
0xbd: {  	s2 =	sadd.s32 s7, s31  }
0xbe: {  	s0 =	sadd.s32 $0x18000, s2  }
0xbf: {  	s0 =	sshrl.u32 s0, $0x3  }
0xc0: {  	s3 =	sadd.s32 s1, s0;
	s0 =	simm.s32 $0x0  }
0xc1: {  	[tilespmem:s14], [sflag:$0x1] =	stream.linear.gather [hbm4b:s3+s0], $0x8000, $0x38;
	[tilespmem:$0x18B00] =	vst v63  }
0xc2: {  	_ =	swait.ge [sflag:s20], $0x8000  }
0xc3: {  	s26 =	sadd.s32 $0x2C0, s30;
	[sflag:s20] =	ssyncset.done $0x0  }
0xc4: {  	v33 =	vmov s26;
	s3 =	simm.s32 $0x0;
	[sflag:s20] =	ssyncadd.s32 $0xFFFF8000  }
.LBB2_7:
0xc5: {  	s5 =	sshll.u32 s3, $0xD  }
0xc6: {  	s5 =	sand.u32 $0x3FFFE000, s5  }
0xc7: {  	s24 =	sand.u32 $0x1000, s0;
	s22 =	sadd.s32 $0x8B00, s5  }
0xc8: {  	s8 =	sand.u32 $0x380, s0;
	s5 =	sadd.s32 s24, s22  }
0xc9: {  	s5 =	sadd.s32 s8, s5  }
0xca: {  	v34 =	vld [tilespmem:s5+$0xC40]  }
0xcb: {  	v35 =	vld [tilespmem:s5+$0xC50]  }
0xcc: {  	v36 =	vld [tilespmem:s5+$0xC00]  }
0xcd: {  	v37 =	vld [tilespmem:s5+$0xC10]  }
0xce: {  	v38 =	vld [tilespmem:s5+$0x840]  }
0xcf: {  	v39 =	vld [tilespmem:s5+$0x850]  }
0xd0: {  	v40 =	vld [tilespmem:s5+$0x800]  }
0xd1: {  	v41 =	vld [tilespmem:s5+$0x810]  }
0xd2: {  	v42 =	vld [tilespmem:s5+$0x440]  }
0xd3: {  	v43 =	vld [tilespmem:s5+$0x450]  }
0xd4: {  	v44 =	vld [tilespmem:s5+$0x400]  }
0xd5: {  	v47 =	vld [tilespmem:s5+$0x0]  }
0xd6: {  	v48 =	vld [tilespmem:s5+$0x10]  }
0xd7: {  	v49 =	vld [tilespmem:s5+$0x20]  }
0xd8: {  	v50 =	vld [tilespmem:s5+$0x30]  }
0xd9: {  	v51 =	vld [tilespmem:s5+$0x40]  }
0xda: {  	v52 =	vld [tilespmem:s5+$0x50];
	v34 =	vmul.f32 v34, v29;
	v35 =	vmul.f32 v35, v30  }
0xdb: {  	v53 =	vld [tilespmem:s5+$0x60];
	v36 =	vmul.f32 v36, v25;
	v37 =	vmul.f32 v37, v26  }
0xdc: {  	v54 =	vld [tilespmem:s5+$0x70];
	v38 =	vmul.f32 v38, v21;
	v39 =	vmul.f32 v39, v22  }
0xdd: {  	v45 =	vld [tilespmem:s5+$0x410];
	v40 =	vmul.f32 v40, v17;
	v47 =	vmul.f32 v47, v1  }
0xde: {  	v46 =	vld [tilespmem:s5+$0x420];
	v51 =	vmul.f32 v51, v5;
	v48 =	vmul.f32 v48, v2  }
0xdf: {  	v56 =	vld [tilespmem:s5+$0x430];
	v52 =	vmul.f32 v52, v6;
	v49 =	vmul.f32 v49, v3  }
0xe0: {  	s26 =	simm.s32 $0x200;
	v57 =	vld [tilespmem:s5+$0x460];
	v53 =	vmul.f32 v53, v7;
	v50 =	vmul.f32 v50, v4  }
0xe1: {  	s23 =	simm.s32 $0x80;
	s8 =	sand.u32 $0x1000, s26;
	v58 =	vld [tilespmem:s5+$0x470];
	v54 =	vmul.f32 v54, v8;
	v41 =	vmul.f32 v41, v18  }
0xe2: {  	s9 =	sand.u32 $0x380, s23;
	s8 =	sadd.s32 s8, s22;
	v59 =	vld [tilespmem:s5+$0x820];
	v44 =	vmul.f32 v44, v9;
	v42 =	vmul.f32 v42, v13  }
0xe3: {  	v60 =	vld [tilespmem:s5+$0x830];
	s17 =	sadd.s32 s9, s8;
	v45 =	vmul.f32 v45, v10;
	v46 =	vmul.f32 v46, v11  }
0xe4: {  	v55 =	vld [tilespmem:s17+$0xC40];
	v56 =	vmul.f32 v56, v12;
	v47 =	vadd.f32 v51, v47;
	v48 =	vadd.f32 v52, v48  }
0xe5: {  	v43 =	vmul.f32 v43, v14;
	v51 =	vld [tilespmem:s5+$0x860];
	v49 =	vadd.f32 v53, v49;
	v50 =	vadd.f32 v54, v50  }
0xe6: {  	v61 =	vmul.f32 v57, v15;
	v52 =	vld [tilespmem:s5+$0x870];
	v44 =	vadd.f32 v44, v47;
	v45 =	vadd.f32 v45, v48  }
0xe7: {  	v63 =	vmul.f32 v58, v16;
	v53 =	vld [tilespmem:s5+$0xC20];
	v46 =	vadd.f32 v46, v49;
	v62 =	vadd.f32 v56, v50  }
0xe8: {  	v54 =	vld [tilespmem:s5+$0xC30];
	v48 =	vmul.f32 v60, v20;
	v42 =	vadd.f32 v42, v44;
	v43 =	vadd.f32 v43, v45  }
0xe9: {  	v57 =	vld [tilespmem:s5+$0xC70];
	v44 =	vmul.f32 v59, v19;
	v45 =	vadd.f32 v61, v46;
	v46 =	vadd.f32 v63, v62  }
0xea: {  	v47 =	vld [tilespmem:s5+$0xC60];
	v49 =	vmul.f32 v51, v23;
	v40 =	vadd.f32 v40, v42;
	v41 =	vadd.f32 v41, v43  }
0xeb: {  	v58 =	vld [tilespmem:s17+$0xC00];
	v52 =	vmul.f32 v52, v24;
	v50 =	vadd.f32 v44, v45;
	v51 =	vadd.f32 v48, v46  }
0xec: {  	v56 =	vld [tilespmem:s17+$0xC50];
	v48 =	vmul.f32 v53, v27;
	v38 =	vadd.f32 v38, v40;
	v39 =	vadd.f32 v39, v41  }
0xed: {  	v60 =	vld [tilespmem:s17+$0x840];
	v42 =	vadd.f32 v49, v50;
	v45 =	vadd.f32 v52, v51;
	v49 =	vmul.f32 v54, v28  }
0xee: {  	v59 =	vld [tilespmem:s17+$0xC10];
	v53 =	vmul.f32 v57, v32;
	v36 =	vadd.f32 v36, v38;
	v37 =	vadd.f32 v37, v39  }
0xef: {  	v61 =	vld [tilespmem:s17+$0x850];
	v50 =	vmul.f32 v47, v31;
	v51 =	vadd.f32 v48, v42;
	v52 =	vadd.f32 v49, v45  }
0xf0: {  	v43 =	vld [tilespmem:s17+$0x810];
	v34 =	vadd.f32 v34, v36;
	v35 =	vadd.f32 v35, v37  }
0xf1: {  	v44 =	vld [tilespmem:s17+$0x440];
	v54 =	vadd.f32 v50, v51;
	v57 =	vadd.f32 v53, v52  }
0xf2: {  	v46 =	vld [tilespmem:s17+$0x400]  }
0xf3: {  	v41 =	vld [tilespmem:s17+$0x800];
	v34 =	vadd.f32 v35, v34;
	v62 =	vadd.f32 v57, v54  }
0xf4: {  	v47 =	vld [tilespmem:s17+$0x410]  }
0xf5: {  	v45 =	vld [tilespmem:s17+$0x450];
	v63 =	vadd.f32 v62, v34  }
0xf6: {  	v42 =	vld [tilespmem:s17+$0x420]  }
0xf7: {  	v48 =	vld [tilespmem:s17+$0x0];
	(xrf2) =	vadd.scan.msk.f32 $0xffff, v63  }
0xf8: {  	v49 =	vld [tilespmem:s17+$0x10]  }
0xf9: {  	v40 =	vmul.f32 v61, v22;
	v38 =	vmul.f32 v59, v26;
	v50 =	vld [tilespmem:s17+$0x20]  }
0xfa: {  	s24 =	simm.s32 $0x1;
	v39 =	vmul.f32 v60, v21;
	v36 =	vmul.f32 v56, v30;
	v51 =	vld [tilespmem:s17+$0x30]  }
0xfb: {  	s26 =	simm.s32 $0x0;
	s8 =	simm.s32 $0x2;
	s5 =	simm.s32 $0x400;
	v37 =	vmul.f32 v58, v25;
	v52 =	vld [tilespmem:s17+$0x40];
	v35 =	vmul.f32 v55, v29;
	v34 =	vimm.f32 $0.0e+00  }
.LBB2_8:
0xfc: {  	s9 =	sand.u32 $0x1000, s5;
	p0 =	sne.s32 s8, $0xF;
	v53 =	vld [tilespmem:s17+$0x50];
	v41 =	vmul.f32 v41, v17;
	v43 =	vmul.f32 v43, v18;
	s23 =	sadd.s32 $0x80, s23  }
0xfd: {  	v44 =	vmul.f32 v44, v13;
	v45 =	vmul.f32 v45, v14;
	s10 =	sand.u32 $0x380, s23;
	s9 =	sadd.s32 s9, s22;
	v54 =	vld [tilespmem:s17+$0x60]  }
0xfe: {  	v46 =	vmul.f32 v46, v9;
	v47 =	vmul.f32 v47, v10;
	s9 =	sadd.s32 s10, s9;
	v55 =	vld [tilespmem:s17+$0x70]  }
0xff: {  	v48 =	vmul.f32 v48, v1;
	v42 =	vmul.f32 v42, v11;
	v56 =	vld [tilespmem:s9+$0xC40]  }
0x100: {  	v49 =	vmul.f32 v49, v2;
	v50 =	vmul.f32 v50, v3;
	v57 =	vld [tilespmem:s17+$0x430]  }
0x101: {  	v51 =	vmul.f32 v51, v4;
	v52 =	vmul.f32 v52, v5;
	v58 =	vld [tilespmem:s17+$0x460];
	v59, _, _ =	vpop (xrf2)  }
0x102: {  	v61 =	vmov s26;
	s26 =	smov.u32 s24;
	s24 =	smov.u32 s8;
	v53 =	vmul.f32 v53, v6;
	v60 =	vld [tilespmem:s17+$0x470];
	v59 =	vbroadcast v59, $0xF  }
0x103: {  	vm1 =	veq.s32 v61, v0;
	v54 =	vmul.f32 v54, v7;
	v55 =	vmul.f32 v55, v8;
	v62 =	vld [tilespmem:s17+$0x820]  }
0x104: {  	v48 =	vadd.f32 v52, v48;
	v49 =	vadd.f32 v53, v49;
	v52 =	vld [tilespmem:s17+$0x830];
	v34 =	vsel vm1, v59, v34  }
0x105: {  	v50 =	vadd.f32 v54, v50;
	v51 =	vadd.f32 v55, v51;
	v53 =	vmul.f32 v57, v12;
	v54 =	vld [tilespmem:s17+$0x860]  }
0x106: {  	v46 =	vadd.f32 v46, v48;
	v47 =	vadd.f32 v47, v49;
	v48 =	vmul.f32 v58, v15;
	v49 =	vld [tilespmem:s17+$0x870]  }
0x107: {  	v42 =	vadd.f32 v42, v50;
	v50 =	vadd.f32 v53, v51;
	v51 =	vmul.f32 v60, v16;
	v53 =	vld [tilespmem:s17+$0xC20]  }
0x108: {  	v44 =	vadd.f32 v44, v46;
	v45 =	vadd.f32 v45, v47;
	v46 =	vmul.f32 v62, v19;
	v47 =	vld [tilespmem:s17+$0xC30]  }
0x109: {  	v42 =	vadd.f32 v48, v42;
	v48 =	vadd.f32 v51, v50;
	v50 =	vmul.f32 v52, v20;
	v51 =	vld [tilespmem:s17+$0xC60]  }
0x10a: {  	v41 =	vadd.f32 v41, v44;
	v43 =	vadd.f32 v43, v45;
	v44 =	vmul.f32 v54, v23;
	v45 =	vld [tilespmem:s17+$0xC70];
	s17 =	smov.u32 s9  }
0x10b: {  	v42 =	vadd.f32 v46, v42;
	v52 =	vld [tilespmem:s17+$0xC50];
	v46 =	vadd.f32 v50, v48;
	v48 =	vmul.f32 v49, v24  }
0x10c: {  	v39 =	vadd.f32 v39, v41;
	v40 =	vadd.f32 v40, v43;
	v54 =	vld [tilespmem:s17+$0xC00];
	v41 =	vmul.f32 v53, v27  }
0x10d: {  	v42 =	vadd.f32 v44, v42;
	v53 =	vld [tilespmem:s17+$0xC10];
	v43 =	vadd.f32 v48, v46;
	v44 =	vmul.f32 v47, v28  }
0x10e: {  	v37 =	vadd.f32 v37, v39;
	v38 =	vadd.f32 v38, v40;
	v55 =	vld [tilespmem:s17+$0x840];
	v39 =	vmul.f32 v51, v31  }
0x10f: {  	v42 =	vadd.f32 v41, v42;
	v40 =	vld [tilespmem:s17+$0x850];
	v44 =	vadd.f32 v44, v43;
	v45 =	vmul.f32 v45, v32  }
0x110: {  	v35 =	vadd.f32 v35, v37;
	v36 =	vadd.f32 v36, v38;
	v41 =	vld [tilespmem:s17+$0x800]  }
0x111: {  	v37 =	vadd.f32 v39, v42;
	v43 =	vld [tilespmem:s17+$0x810];
	v38 =	vadd.f32 v45, v44  }
0x112: {  	v44 =	vld [tilespmem:s17+$0x440]  }
0x113: {  	v35 =	vadd.f32 v36, v35;
	v45 =	vld [tilespmem:s17+$0x450];
	v36 =	vadd.f32 v38, v37  }
0x114: {  	v46 =	vld [tilespmem:s17+$0x400]  }
0x115: {  	v47 =	vld [tilespmem:s17+$0x410];
	v35 =	vadd.f32 v36, v35  }
0x116: {  	v42 =	vld [tilespmem:s17+$0x420]  }
.Ltmp2:
0x117: {  	v48 =	vld [tilespmem:s17+$0x0];
	(xrf2) =	vadd.scan.msk.f32 $0xffff, v35;
	(pc) =	sbr.rel @p0 .LBB2_8-.Ltmp2, $4  }
0x118: {  	v49 =	vld [tilespmem:s17+$0x10]  }
0x119: {  	v36 =	vmul.f32 v52, v30;
	v35 =	vmul.f32 v56, v29;
	v50 =	vld [tilespmem:s17+$0x20]  }
0x11a: {  	v37 =	vmul.f32 v54, v25;
	v38 =	vmul.f32 v53, v26;
	v51 =	vld [tilespmem:s17+$0x30]  }
0x11b: {  	s5 =	sadd.s32 $0x200, s5;
	s8 =	sadd.s32 $0x1, s8;
	v39 =	vmul.f32 v55, v21;
	v40 =	vmul.f32 v40, v22;
	v52 =	vld [tilespmem:s17+$0x40]  }
0x11c: {  	v53 =	vld [tilespmem:s17+$0x50]  }
0x11d: {  	v41 =	vmul.f32 v41, v17;
	v43 =	vmul.f32 v43, v18;
	v54 =	vld [tilespmem:s17+$0x60]  }
0x11e: {  	v44 =	vmul.f32 v44, v13;
	v45 =	vmul.f32 v45, v14;
	v55 =	vld [tilespmem:s17+$0x70]  }
0x11f: {  	v46 =	vmul.f32 v46, v9;
	v47 =	vmul.f32 v47, v10  }
0x120: {  	v48 =	vmul.f32 v48, v1;
	v56 =	vld [tilespmem:s17+$0x430];
	v49 =	vmul.f32 v49, v2  }
0x121: {  	v57 =	vld [tilespmem:s17+$0x460];
	v50 =	vmul.f32 v50, v3;
	v51 =	vmul.f32 v51, v4  }
0x122: {  	v58 =	vld [tilespmem:s17+$0x470];
	v52 =	vmul.f32 v52, v5;
	v53 =	vmul.f32 v53, v6  }
0x123: {  	v59 =	vld [tilespmem:s17+$0x820];
	v54 =	vmul.f32 v54, v7;
	v55 =	vmul.f32 v55, v8  }
0x124: {  	v42 =	vmul.f32 v42, v11;
	v48 =	vadd.f32 v52, v48;
	v52 =	vld [tilespmem:s17+$0x830];
	v49 =	vadd.f32 v53, v49  }
0x125: {  	v60 =	vld [tilespmem:s17+$0x860];
	v63 =	vmul.f32 v56, v12;
	v50 =	vadd.f32 v54, v50;
	v51 =	vadd.f32 v55, v51  }
0x126: {  	v61 =	vmul.f32 v57, v15;
	v46 =	vadd.f32 v46, v48;
	v47 =	vadd.f32 v47, v49;
	v49 =	vld [tilespmem:s17+$0x870]  }
0x127: {  	v56 =	vld [tilespmem:s17+$0xC30];
	v42 =	vadd.f32 v42, v50;
	v62 =	vadd.f32 v63, v51;
	v63 =	vmul.f32 v58, v16  }
0x128: {  	v53 =	vld [tilespmem:s17+$0xC20];
	v55 =	vmul.f32 v59, v19;
	v44 =	vadd.f32 v44, v46;
	v45 =	vadd.f32 v45, v47  }
0x129: {  	v59 =	vld [tilespmem:s17+$0xC60];
	v42 =	vadd.f32 v61, v42;
	v57 =	vadd.f32 v63, v62;
	v58 =	vmul.f32 v52, v20  }
0x12a: {  	v60 =	vmul.f32 v60, v23;
	v61 =	vld [tilespmem:s17+$0xC70];
	v41 =	vadd.f32 v41, v44;
	v43 =	vadd.f32 v43, v45  }
0x12b: {  	v42 =	vadd.f32 v55, v42;
	v62 =	vadd.f32 v58, v57;
	v63 =	vmul.f32 v49, v24  }
0x12c: {  	v52 =	vmul.f32 v56, v28;
	v39 =	vadd.f32 v39, v41;
	v40 =	vadd.f32 v40, v43  }
0x12d: {  	v49 =	vmul.f32 v53, v27;
	v42 =	vadd.f32 v60, v42;
	v50 =	vadd.f32 v63, v62  }
0x12e: {  	v53 =	vmul.f32 v59, v31;
	v37 =	vadd.f32 v37, v39;
	v38 =	vadd.f32 v38, v40  }
0x12f: {  	v56 =	vmul.f32 v61, v32;
	v54 =	vadd.f32 v49, v42;
	v55 =	vadd.f32 v52, v50  }
0x130: {  	v35 =	vadd.f32 v35, v37;
	v36 =	vadd.f32 v36, v38  }
0x131: {  	v57 =	vadd.f32 v53, v54;
	v58 =	vadd.f32 v56, v55;
	_ =	sdelay $0x1  }
0x132: {  	v35 =	vadd.f32 v36, v35;
	v59 =	vadd.f32 v58, v57;
	_ =	sdelay $0x1  }
0x133: {  	v35 =	vadd.f32 v59, v35;
	_ =	sdelay $0x1  }
0x134: {  	(xrf2) =	vadd.scan.msk.f32 $0xffff, v35;
	_ =	sdelay $0x7  }
0x135: {  	s5 =	sshll.u32 s3, $0x4;
	s3 =	sadd.s32 $0x1, s3  }
0x136: {  	p0 =	sne.s32 s3, $0x4;
	v60, _, _ =	vpop (xrf2)  }
.Ltmp3:
0x137: {  	v61 =	vmov s26;
	v35 =	vbroadcast v60, $0xF;
	v62, _, _ =	vpop (xrf2);
	(pc) =	sbr.rel @p0 .LBB2_7-.Ltmp3, $4  }
0x138: {  	v63 =	vmov s24;
	vm1 =	veq.s32 v61, v0;
	v37 =	vbroadcast v62, $0xF  }
0x139: {  	v34 =	vsel vm1, v35, v34;
	vm1 =	veq.s32 v63, v0  }
0x13a: {  	s5 =	sand.u32 $0x3FFFFFF0, s5;
	v34 =	vsel vm1, v37, v34  }
0x13b: {  	[tilespmem:v33+s5+$0x0 ss:$0x1] =	vst.idx.msk $0xffff, v34  }
0x13c: {  	s0 =	sadd.s32 $0x20000, s2  }
0x13d: {  	s0 =	sshrl.u32 s0, $0x3  }
0x13e: {  	s26 =	sadd.s32 s1, s0;
	s0 =	simm.s32 $0x0  }
0x13f: {  	[tilespmem:s15], [sflag:$0x2] =	stream.linear.gather [hbm4b:s26+s0], $0x8000, $0x38;
	[tilespmem:$0x18B00] =	vst v63  }
0x140: {  	_ =	swait.ge [sflag:s21], $0x8000  }
0x141: {  	s30 =	sadd.s32 $0x300, s30;
	[sflag:s21] =	ssyncset.done $0x0  }
0x142: {  	s2 =	simm.s32 $0x0;
	v33 =	vmov s30;
	[sflag:s21] =	ssyncadd.s32 $0xFFFF8000  }
.LBB2_11:
0x143: {  	s3 =	sshll.u32 s2, $0xD  }
0x144: {  	s3 =	sand.u32 $0x3FFFE000, s3  }
0x145: {  	s26 =	sand.u32 $0x1000, s0;
	s17 =	sadd.s32 $0x10B00, s3  }
0x146: {  	s5 =	sand.u32 $0x380, s0;
	s3 =	sadd.s32 s26, s17  }
0x147: {  	s5 =	sadd.s32 s5, s3  }
0x148: {  	v34 =	vld [tilespmem:s5+$0xC40]  }
0x149: {  	v35 =	vld [tilespmem:s5+$0xC50]  }
0x14a: {  	v36 =	vld [tilespmem:s5+$0xC00]  }
0x14b: {  	v37 =	vld [tilespmem:s5+$0xC10]  }
0x14c: {  	v38 =	vld [tilespmem:s5+$0x840]  }
0x14d: {  	v39 =	vld [tilespmem:s5+$0x850]  }
0x14e: {  	v40 =	vld [tilespmem:s5+$0x800]  }
0x14f: {  	v41 =	vld [tilespmem:s5+$0x810]  }
0x150: {  	v42 =	vld [tilespmem:s5+$0x440]  }
0x151: {  	v43 =	vld [tilespmem:s5+$0x450]  }
0x152: {  	v44 =	vld [tilespmem:s5+$0x400]  }
0x153: {  	v47 =	vld [tilespmem:s5+$0x0]  }
0x154: {  	v48 =	vld [tilespmem:s5+$0x10]  }
0x155: {  	v49 =	vld [tilespmem:s5+$0x20]  }
0x156: {  	v50 =	vld [tilespmem:s5+$0x30]  }
0x157: {  	v51 =	vld [tilespmem:s5+$0x40]  }
0x158: {  	v52 =	vld [tilespmem:s5+$0x50];
	v34 =	vmul.f32 v34, v29;
	v35 =	vmul.f32 v35, v30  }
0x159: {  	v53 =	vld [tilespmem:s5+$0x60];
	v36 =	vmul.f32 v36, v25;
	v37 =	vmul.f32 v37, v26  }
0x15a: {  	v54 =	vld [tilespmem:s5+$0x70];
	v38 =	vmul.f32 v38, v21;
	v39 =	vmul.f32 v39, v22  }
0x15b: {  	v45 =	vld [tilespmem:s5+$0x410];
	v40 =	vmul.f32 v40, v17;
	v47 =	vmul.f32 v47, v1  }
0x15c: {  	v46 =	vld [tilespmem:s5+$0x420];
	v51 =	vmul.f32 v51, v5;
	v48 =	vmul.f32 v48, v2  }
0x15d: {  	v56 =	vld [tilespmem:s5+$0x430];
	v52 =	vmul.f32 v52, v6;
	v49 =	vmul.f32 v49, v3  }
0x15e: {  	s30 =	simm.s32 $0x200;
	v57 =	vld [tilespmem:s5+$0x460];
	v53 =	vmul.f32 v53, v7;
	v50 =	vmul.f32 v50, v4  }
0x15f: {  	s22 =	simm.s32 $0x80;
	s3 =	sand.u32 $0x1000, s30;
	v58 =	vld [tilespmem:s5+$0x470];
	v54 =	vmul.f32 v54, v8;
	v41 =	vmul.f32 v41, v18  }
0x160: {  	s8 =	sand.u32 $0x380, s22;
	s3 =	sadd.s32 s3, s17;
	v59 =	vld [tilespmem:s5+$0x820];
	v44 =	vmul.f32 v44, v9;
	v42 =	vmul.f32 v42, v13  }
0x161: {  	v60 =	vld [tilespmem:s5+$0x830];
	s3 =	sadd.s32 s8, s3;
	v45 =	vmul.f32 v45, v10;
	v46 =	vmul.f32 v46, v11  }
0x162: {  	v55 =	vld [tilespmem:s3+$0xC40];
	v56 =	vmul.f32 v56, v12;
	v47 =	vadd.f32 v51, v47;
	v48 =	vadd.f32 v52, v48  }
0x163: {  	v43 =	vmul.f32 v43, v14;
	v51 =	vld [tilespmem:s5+$0x860];
	v49 =	vadd.f32 v53, v49;
	v50 =	vadd.f32 v54, v50  }
0x164: {  	v61 =	vmul.f32 v57, v15;
	v52 =	vld [tilespmem:s5+$0x870];
	v44 =	vadd.f32 v44, v47;
	v45 =	vadd.f32 v45, v48  }
0x165: {  	v63 =	vmul.f32 v58, v16;
	v53 =	vld [tilespmem:s5+$0xC20];
	v46 =	vadd.f32 v46, v49;
	v62 =	vadd.f32 v56, v50  }
0x166: {  	v54 =	vld [tilespmem:s5+$0xC30];
	v48 =	vmul.f32 v60, v20;
	v42 =	vadd.f32 v42, v44;
	v43 =	vadd.f32 v43, v45  }
0x167: {  	v57 =	vld [tilespmem:s5+$0xC70];
	v44 =	vmul.f32 v59, v19;
	v45 =	vadd.f32 v61, v46;
	v46 =	vadd.f32 v63, v62  }
0x168: {  	v47 =	vld [tilespmem:s5+$0xC60];
	v49 =	vmul.f32 v51, v23;
	v40 =	vadd.f32 v40, v42;
	v41 =	vadd.f32 v41, v43  }
0x169: {  	v58 =	vld [tilespmem:s3+$0xC00];
	v52 =	vmul.f32 v52, v24;
	v50 =	vadd.f32 v44, v45;
	v51 =	vadd.f32 v48, v46  }
0x16a: {  	v56 =	vld [tilespmem:s3+$0xC50];
	v48 =	vmul.f32 v53, v27;
	v38 =	vadd.f32 v38, v40;
	v39 =	vadd.f32 v39, v41  }
0x16b: {  	v60 =	vld [tilespmem:s3+$0x840];
	v42 =	vadd.f32 v49, v50;
	v45 =	vadd.f32 v52, v51;
	v49 =	vmul.f32 v54, v28  }
0x16c: {  	v59 =	vld [tilespmem:s3+$0xC10];
	v53 =	vmul.f32 v57, v32;
	v36 =	vadd.f32 v36, v38;
	v37 =	vadd.f32 v37, v39  }
0x16d: {  	v61 =	vld [tilespmem:s3+$0x850];
	v50 =	vmul.f32 v47, v31;
	v51 =	vadd.f32 v48, v42;
	v52 =	vadd.f32 v49, v45  }
0x16e: {  	v43 =	vld [tilespmem:s3+$0x810];
	v34 =	vadd.f32 v34, v36;
	v35 =	vadd.f32 v35, v37  }
0x16f: {  	v44 =	vld [tilespmem:s3+$0x440];
	v54 =	vadd.f32 v50, v51;
	v57 =	vadd.f32 v53, v52  }
0x170: {  	v46 =	vld [tilespmem:s3+$0x400]  }
0x171: {  	v41 =	vld [tilespmem:s3+$0x800];
	v34 =	vadd.f32 v35, v34;
	v62 =	vadd.f32 v57, v54  }
0x172: {  	v47 =	vld [tilespmem:s3+$0x410]  }
0x173: {  	v45 =	vld [tilespmem:s3+$0x450];
	v63 =	vadd.f32 v62, v34  }
0x174: {  	v42 =	vld [tilespmem:s3+$0x420]  }
0x175: {  	v48 =	vld [tilespmem:s3+$0x0];
	(xrf2) =	vadd.scan.msk.f32 $0xffff, v63  }
0x176: {  	v49 =	vld [tilespmem:s3+$0x10]  }
0x177: {  	v40 =	vmul.f32 v61, v22;
	v38 =	vmul.f32 v59, v26;
	v50 =	vld [tilespmem:s3+$0x20]  }
0x178: {  	s23 =	simm.s32 $0x1;
	v39 =	vmul.f32 v60, v21;
	v36 =	vmul.f32 v56, v30;
	v51 =	vld [tilespmem:s3+$0x30]  }
0x179: {  	s24 =	simm.s32 $0x0;
	s8 =	simm.s32 $0x2;
	s5 =	simm.s32 $0x400;
	v37 =	vmul.f32 v58, v25;
	v52 =	vld [tilespmem:s3+$0x40];
	v35 =	vmul.f32 v55, v29;
	v34 =	vimm.f32 $0.0e+00  }
.LBB2_12:
0x17a: {  	s9 =	sand.u32 $0x1000, s5;
	p0 =	sne.s32 s8, $0xF;
	v53 =	vld [tilespmem:s3+$0x50];
	v41 =	vmul.f32 v41, v17;
	v43 =	vmul.f32 v43, v18;
	s22 =	sadd.s32 $0x80, s22  }
0x17b: {  	v44 =	vmul.f32 v44, v13;
	v45 =	vmul.f32 v45, v14;
	s10 =	sand.u32 $0x380, s22;
	s9 =	sadd.s32 s9, s17;
	v54 =	vld [tilespmem:s3+$0x60]  }
0x17c: {  	v46 =	vmul.f32 v46, v9;
	v47 =	vmul.f32 v47, v10;
	s9 =	sadd.s32 s10, s9;
	v55 =	vld [tilespmem:s3+$0x70]  }
0x17d: {  	v48 =	vmul.f32 v48, v1;
	v42 =	vmul.f32 v42, v11;
	v56 =	vld [tilespmem:s9+$0xC40]  }
0x17e: {  	v49 =	vmul.f32 v49, v2;
	v50 =	vmul.f32 v50, v3;
	v57 =	vld [tilespmem:s3+$0x430]  }
0x17f: {  	v51 =	vmul.f32 v51, v4;
	v52 =	vmul.f32 v52, v5;
	v58 =	vld [tilespmem:s3+$0x460];
	v59, _, _ =	vpop (xrf2)  }
0x180: {  	v61 =	vmov s24;
	s24 =	smov.u32 s23;
	s23 =	smov.u32 s8;
	v53 =	vmul.f32 v53, v6;
	v60 =	vld [tilespmem:s3+$0x470];
	v59 =	vbroadcast v59, $0xF  }
0x181: {  	vm1 =	veq.s32 v61, v0;
	v54 =	vmul.f32 v54, v7;
	v55 =	vmul.f32 v55, v8;
	v62 =	vld [tilespmem:s3+$0x820]  }
0x182: {  	v48 =	vadd.f32 v52, v48;
	v49 =	vadd.f32 v53, v49;
	v52 =	vld [tilespmem:s3+$0x830];
	v34 =	vsel vm1, v59, v34  }
0x183: {  	v50 =	vadd.f32 v54, v50;
	v51 =	vadd.f32 v55, v51;
	v53 =	vmul.f32 v57, v12;
	v54 =	vld [tilespmem:s3+$0x860]  }
0x184: {  	v46 =	vadd.f32 v46, v48;
	v47 =	vadd.f32 v47, v49;
	v48 =	vmul.f32 v58, v15;
	v49 =	vld [tilespmem:s3+$0x870]  }
0x185: {  	v42 =	vadd.f32 v42, v50;
	v50 =	vadd.f32 v53, v51;
	v51 =	vmul.f32 v60, v16;
	v53 =	vld [tilespmem:s3+$0xC20]  }
0x186: {  	v44 =	vadd.f32 v44, v46;
	v45 =	vadd.f32 v45, v47;
	v46 =	vmul.f32 v62, v19;
	v47 =	vld [tilespmem:s3+$0xC30]  }
0x187: {  	v42 =	vadd.f32 v48, v42;
	v48 =	vadd.f32 v51, v50;
	v50 =	vmul.f32 v52, v20;
	v51 =	vld [tilespmem:s3+$0xC60]  }
0x188: {  	v41 =	vadd.f32 v41, v44;
	v43 =	vadd.f32 v43, v45;
	v44 =	vmul.f32 v54, v23;
	v45 =	vld [tilespmem:s3+$0xC70];
	s3 =	smov.u32 s9  }
0x189: {  	v42 =	vadd.f32 v46, v42;
	v52 =	vld [tilespmem:s3+$0xC50];
	v46 =	vadd.f32 v50, v48;
	v48 =	vmul.f32 v49, v24  }
0x18a: {  	v39 =	vadd.f32 v39, v41;
	v40 =	vadd.f32 v40, v43;
	v54 =	vld [tilespmem:s3+$0xC00];
	v41 =	vmul.f32 v53, v27  }
0x18b: {  	v42 =	vadd.f32 v44, v42;
	v53 =	vld [tilespmem:s3+$0xC10];
	v43 =	vadd.f32 v48, v46;
	v44 =	vmul.f32 v47, v28  }
0x18c: {  	v37 =	vadd.f32 v37, v39;
	v38 =	vadd.f32 v38, v40;
	v55 =	vld [tilespmem:s3+$0x840];
	v39 =	vmul.f32 v51, v31  }
0x18d: {  	v42 =	vadd.f32 v41, v42;
	v40 =	vld [tilespmem:s3+$0x850];
	v44 =	vadd.f32 v44, v43;
	v45 =	vmul.f32 v45, v32  }
0x18e: {  	v35 =	vadd.f32 v35, v37;
	v36 =	vadd.f32 v36, v38;
	v41 =	vld [tilespmem:s3+$0x800]  }
0x18f: {  	v37 =	vadd.f32 v39, v42;
	v43 =	vld [tilespmem:s3+$0x810];
	v38 =	vadd.f32 v45, v44  }
0x190: {  	v44 =	vld [tilespmem:s3+$0x440]  }
0x191: {  	v35 =	vadd.f32 v36, v35;
	v45 =	vld [tilespmem:s3+$0x450];
	v36 =	vadd.f32 v38, v37  }
0x192: {  	v46 =	vld [tilespmem:s3+$0x400]  }
0x193: {  	v47 =	vld [tilespmem:s3+$0x410];
	v35 =	vadd.f32 v36, v35  }
0x194: {  	v42 =	vld [tilespmem:s3+$0x420]  }
.Ltmp4:
0x195: {  	v48 =	vld [tilespmem:s3+$0x0];
	(xrf2) =	vadd.scan.msk.f32 $0xffff, v35;
	(pc) =	sbr.rel @p0 .LBB2_12-.Ltmp4, $4  }
0x196: {  	v49 =	vld [tilespmem:s3+$0x10]  }
0x197: {  	v36 =	vmul.f32 v52, v30;
	v35 =	vmul.f32 v56, v29;
	v50 =	vld [tilespmem:s3+$0x20]  }
0x198: {  	v37 =	vmul.f32 v54, v25;
	v38 =	vmul.f32 v53, v26;
	v51 =	vld [tilespmem:s3+$0x30]  }
0x199: {  	s5 =	sadd.s32 $0x200, s5;
	s8 =	sadd.s32 $0x1, s8;
	v39 =	vmul.f32 v55, v21;
	v40 =	vmul.f32 v40, v22;
	v52 =	vld [tilespmem:s3+$0x40]  }
0x19a: {  	v53 =	vld [tilespmem:s3+$0x50]  }
0x19b: {  	v41 =	vmul.f32 v41, v17;
	v43 =	vmul.f32 v43, v18;
	v54 =	vld [tilespmem:s3+$0x60]  }
0x19c: {  	v44 =	vmul.f32 v44, v13;
	v45 =	vmul.f32 v45, v14;
	v55 =	vld [tilespmem:s3+$0x70]  }
0x19d: {  	v46 =	vmul.f32 v46, v9;
	v47 =	vmul.f32 v47, v10  }
0x19e: {  	v48 =	vmul.f32 v48, v1;
	v56 =	vld [tilespmem:s3+$0x430];
	v49 =	vmul.f32 v49, v2  }
0x19f: {  	v57 =	vld [tilespmem:s3+$0x460];
	v50 =	vmul.f32 v50, v3;
	v51 =	vmul.f32 v51, v4  }
0x1a0: {  	v58 =	vld [tilespmem:s3+$0x470];
	v52 =	vmul.f32 v52, v5;
	v53 =	vmul.f32 v53, v6  }
0x1a1: {  	v59 =	vld [tilespmem:s3+$0x820];
	v54 =	vmul.f32 v54, v7;
	v55 =	vmul.f32 v55, v8  }
0x1a2: {  	v42 =	vmul.f32 v42, v11;
	v48 =	vadd.f32 v52, v48;
	v52 =	vld [tilespmem:s3+$0x830];
	v49 =	vadd.f32 v53, v49  }
0x1a3: {  	v60 =	vld [tilespmem:s3+$0x860];
	v63 =	vmul.f32 v56, v12;
	v50 =	vadd.f32 v54, v50;
	v51 =	vadd.f32 v55, v51  }
0x1a4: {  	v61 =	vmul.f32 v57, v15;
	v46 =	vadd.f32 v46, v48;
	v47 =	vadd.f32 v47, v49;
	v49 =	vld [tilespmem:s3+$0x870]  }
0x1a5: {  	v56 =	vld [tilespmem:s3+$0xC30];
	v42 =	vadd.f32 v42, v50;
	v62 =	vadd.f32 v63, v51;
	v63 =	vmul.f32 v58, v16  }
0x1a6: {  	v53 =	vld [tilespmem:s3+$0xC20];
	v55 =	vmul.f32 v59, v19;
	v44 =	vadd.f32 v44, v46;
	v45 =	vadd.f32 v45, v47  }
0x1a7: {  	v59 =	vld [tilespmem:s3+$0xC60];
	v42 =	vadd.f32 v61, v42;
	v57 =	vadd.f32 v63, v62;
	v58 =	vmul.f32 v52, v20  }
0x1a8: {  	v60 =	vmul.f32 v60, v23;
	v61 =	vld [tilespmem:s3+$0xC70];
	v41 =	vadd.f32 v41, v44;
	v43 =	vadd.f32 v43, v45  }
0x1a9: {  	v42 =	vadd.f32 v55, v42;
	v62 =	vadd.f32 v58, v57;
	v63 =	vmul.f32 v49, v24  }
0x1aa: {  	v52 =	vmul.f32 v56, v28;
	v39 =	vadd.f32 v39, v41;
	v40 =	vadd.f32 v40, v43  }
0x1ab: {  	v49 =	vmul.f32 v53, v27;
	v42 =	vadd.f32 v60, v42;
	v50 =	vadd.f32 v63, v62  }
0x1ac: {  	v53 =	vmul.f32 v59, v31;
	v37 =	vadd.f32 v37, v39;
	v38 =	vadd.f32 v38, v40  }
0x1ad: {  	v56 =	vmul.f32 v61, v32;
	v54 =	vadd.f32 v49, v42;
	v55 =	vadd.f32 v52, v50  }
0x1ae: {  	v35 =	vadd.f32 v35, v37;
	v36 =	vadd.f32 v36, v38  }
0x1af: {  	v57 =	vadd.f32 v53, v54;
	v58 =	vadd.f32 v56, v55;
	_ =	sdelay $0x1  }
0x1b0: {  	v35 =	vadd.f32 v36, v35;
	v59 =	vadd.f32 v58, v57;
	_ =	sdelay $0x1  }
0x1b1: {  	v35 =	vadd.f32 v59, v35;
	_ =	sdelay $0x1  }
0x1b2: {  	(xrf2) =	vadd.scan.msk.f32 $0xffff, v35;
	_ =	sdelay $0x7  }
0x1b3: {  	s30 =	sshll.u32 s2, $0x4;
	s2 =	sadd.s32 $0x1, s2  }
0x1b4: {  	p0 =	sne.s32 s2, $0x4;
	v60, _, _ =	vpop (xrf2)  }
.Ltmp5:
0x1b5: {  	v61 =	vmov s24;
	v35 =	vbroadcast v60, $0xF;
	v62, _, _ =	vpop (xrf2);
	(pc) =	sbr.rel @p0 .LBB2_11-.Ltmp5, $4  }
0x1b6: {  	v63 =	vmov s23;
	vm1 =	veq.s32 v61, v0;
	v37 =	vbroadcast v62, $0xF  }
0x1b7: {  	v34 =	vsel vm1, v35, v34;
	vm1 =	veq.s32 v63, v0  }
0x1b8: {  	s3 =	sand.u32 $0x3FFFFFF0, s30;
	v34 =	vsel vm1, v37, v34  }
0x1b9: {  	[tilespmem:v33+s3+$0x0 ss:$0x1] =	vst.idx.msk $0xffff, v34  }
0x1ba: {  	s29 =	sadd.s32 $0x1, s29  }
0x1bb: {  	s0 =	sadd.s32 $0x28000, s31;
	p0 =	sne.s32 s29, $0xA  }
.Ltmp6:
0x1bc: {  	s0 =	sand.u32 $0xF8000, s0;
	(pc) =	sbr.rel @p0 .LBB2_2-.Ltmp6, $4  }
0x1bd: {  	s0 =	sor.u32 s7, s0  }
0x1be: {  	s0 =	sshrl.u32 s0, $0x3  }
0x1bf: {  	s0 =	sadd.s32 s1, s0  }
0x1c0: {  	[tilespmem:s16], [sflag:$0x3] =	stream.linear.gather [hbm4b:s0+s4], $0x8000, $0x38;
	[tilespmem:$0x18B00] =	vst v63  }
0x1c1: {  	_ =	swait.ge [sflag:s19], $0x8000  }
0x1c2: {  	[sflag:s19] =	ssyncset.done $0x0  }
0x1c3: {  	s0 =	simm.s32 $0x0;
	s2 =	simm.s32 $0x0;
	[sflag:s19] =	ssyncadd.s32 $0xFFFF8000  }
.LBB2_16:
0x1c4: {  	s3 =	sshll.u32 s2, $0xD  }
0x1c5: {  	s3 =	sand.u32 $0x3FFFE000, s3  }
0x1c6: {  	s30 =	sand.u32 $0x1000, s0;
	s17 =	sor.u32 $0xB00, s3  }
0x1c7: {  	s5 =	sand.u32 $0x380, s0;
	s3 =	sadd.s32 s30, s17  }
0x1c8: {  	s5 =	sadd.s32 s5, s3  }
0x1c9: {  	v33 =	vld [tilespmem:s5+$0xC40]  }
0x1ca: {  	v34 =	vld [tilespmem:s5+$0xC50]  }
0x1cb: {  	v35 =	vld [tilespmem:s5+$0xC00]  }
0x1cc: {  	v36 =	vld [tilespmem:s5+$0xC10]  }
0x1cd: {  	v37 =	vld [tilespmem:s5+$0x840]  }
0x1ce: {  	v38 =	vld [tilespmem:s5+$0x850]  }
0x1cf: {  	v39 =	vld [tilespmem:s5+$0x800]  }
0x1d0: {  	v40 =	vld [tilespmem:s5+$0x810]  }
0x1d1: {  	v41 =	vld [tilespmem:s5+$0x440]  }
0x1d2: {  	v42 =	vld [tilespmem:s5+$0x450]  }
0x1d3: {  	v43 =	vld [tilespmem:s5+$0x400]  }
0x1d4: {  	v46 =	vld [tilespmem:s5+$0x0]  }
0x1d5: {  	v47 =	vld [tilespmem:s5+$0x10]  }
0x1d6: {  	v48 =	vld [tilespmem:s5+$0x20]  }
0x1d7: {  	v49 =	vld [tilespmem:s5+$0x30]  }
0x1d8: {  	v50 =	vld [tilespmem:s5+$0x40]  }
0x1d9: {  	v51 =	vld [tilespmem:s5+$0x50];
	v33 =	vmul.f32 v33, v29;
	v34 =	vmul.f32 v34, v30  }
0x1da: {  	v52 =	vld [tilespmem:s5+$0x60];
	v35 =	vmul.f32 v35, v25;
	v36 =	vmul.f32 v36, v26  }
0x1db: {  	v53 =	vld [tilespmem:s5+$0x70];
	v37 =	vmul.f32 v37, v21;
	v38 =	vmul.f32 v38, v22  }
0x1dc: {  	v44 =	vld [tilespmem:s5+$0x410];
	v39 =	vmul.f32 v39, v17;
	v46 =	vmul.f32 v46, v1  }
0x1dd: {  	v45 =	vld [tilespmem:s5+$0x420];
	v50 =	vmul.f32 v50, v5;
	v47 =	vmul.f32 v47, v2  }
0x1de: {  	v55 =	vld [tilespmem:s5+$0x430];
	v51 =	vmul.f32 v51, v6;
	v48 =	vmul.f32 v48, v3  }
0x1df: {  	s31 =	simm.s32 $0x200;
	v56 =	vld [tilespmem:s5+$0x460];
	v52 =	vmul.f32 v52, v7;
	v49 =	vmul.f32 v49, v4  }
0x1e0: {  	s22 =	simm.s32 $0x80;
	s3 =	sand.u32 $0x1000, s31;
	v57 =	vld [tilespmem:s5+$0x470];
	v53 =	vmul.f32 v53, v8;
	v40 =	vmul.f32 v40, v18  }
0x1e1: {  	s8 =	sand.u32 $0x380, s22;
	s3 =	sadd.s32 s3, s17;
	v58 =	vld [tilespmem:s5+$0x820];
	v43 =	vmul.f32 v43, v9;
	v41 =	vmul.f32 v41, v13  }
0x1e2: {  	v59 =	vld [tilespmem:s5+$0x830];
	s3 =	sadd.s32 s8, s3;
	v44 =	vmul.f32 v44, v10;
	v45 =	vmul.f32 v45, v11  }
0x1e3: {  	v54 =	vld [tilespmem:s3+$0xC40];
	v55 =	vmul.f32 v55, v12;
	v46 =	vadd.f32 v50, v46;
	v47 =	vadd.f32 v51, v47  }
0x1e4: {  	v42 =	vmul.f32 v42, v14;
	v51 =	vld [tilespmem:s5+$0x870];
	v48 =	vadd.f32 v52, v48;
	v49 =	vadd.f32 v53, v49  }
0x1e5: {  	v62 =	vmul.f32 v56, v15;
	v50 =	vld [tilespmem:s5+$0x860];
	v43 =	vadd.f32 v43, v46;
	v44 =	vadd.f32 v44, v47  }
0x1e6: {  	v60 =	vmul.f32 v57, v16;
	v52 =	vld [tilespmem:s5+$0xC20];
	v45 =	vadd.f32 v45, v48;
	v63 =	vadd.f32 v55, v49  }
0x1e7: {  	v61 =	vmul.f32 v58, v19;
	v53 =	vld [tilespmem:s5+$0xC30];
	v41 =	vadd.f32 v41, v43;
	v42 =	vadd.f32 v42, v44  }
0x1e8: {  	v46 =	vld [tilespmem:s5+$0xC60];
	v48 =	vmul.f32 v59, v20;
	v62 =	vadd.f32 v62, v45;
	v63 =	vadd.f32 v60, v63  }
0x1e9: {  	v56 =	vld [tilespmem:s5+$0xC70];
	v51 =	vmul.f32 v51, v24;
	v39 =	vadd.f32 v39, v41;
	v40 =	vadd.f32 v40, v42  }
0x1ea: {  	v57 =	vld [tilespmem:s3+$0xC00];
	v41 =	vmul.f32 v50, v23;
	v49 =	vadd.f32 v61, v62;
	v50 =	vadd.f32 v48, v63  }
0x1eb: {  	v58 =	vld [tilespmem:s3+$0xC10];
	v48 =	vmul.f32 v52, v27;
	v37 =	vadd.f32 v37, v39;
	v38 =	vadd.f32 v38, v40  }
0x1ec: {  	v55 =	vld [tilespmem:s3+$0xC50];
	v41 =	vadd.f32 v41, v49;
	v44 =	vadd.f32 v51, v50;
	v49 =	vmul.f32 v53, v28  }
0x1ed: {  	v59 =	vld [tilespmem:s3+$0x840];
	v50 =	vmul.f32 v46, v31;
	v35 =	vadd.f32 v35, v37;
	v36 =	vadd.f32 v36, v38  }
0x1ee: {  	v47 =	vld [tilespmem:s3+$0x0];
	v53 =	vmul.f32 v56, v32;
	v51 =	vadd.f32 v48, v41;
	v52 =	vadd.f32 v49, v44  }
0x1ef: {  	v60 =	vld [tilespmem:s3+$0x850];
	v33 =	vadd.f32 v33, v35;
	v34 =	vadd.f32 v34, v36  }
0x1f0: {  	v43 =	vld [tilespmem:s3+$0x440];
	v56 =	vadd.f32 v50, v51;
	v61 =	vadd.f32 v53, v52  }
0x1f1: {  	v45 =	vld [tilespmem:s3+$0x400]  }
0x1f2: {  	v42 =	vld [tilespmem:s3+$0x810];
	v33 =	vadd.f32 v34, v33;
	v62 =	vadd.f32 v61, v56  }
0x1f3: {  	v40 =	vld [tilespmem:s3+$0x800]  }
0x1f4: {  	v46 =	vld [tilespmem:s3+$0x410];
	v63 =	vadd.f32 v62, v33  }
0x1f5: {  	v44 =	vld [tilespmem:s3+$0x450]  }
0x1f6: {  	v41 =	vld [tilespmem:s3+$0x420];
	(xrf2) =	vadd.scan.msk.f32 $0xffff, v63  }
0x1f7: {  	v48 =	vld [tilespmem:s3+$0x10]  }
0x1f8: {  	v39 =	vmul.f32 v60, v22;
	v49 =	vld [tilespmem:s3+$0x20];
	v37 =	vmul.f32 v58, v26  }
0x1f9: {  	s23 =	simm.s32 $0x1;
	v38 =	vmul.f32 v59, v21;
	v35 =	vmul.f32 v55, v30;
	v50 =	vld [tilespmem:s3+$0x30]  }
0x1fa: {  	s24 =	simm.s32 $0x0;
	s8 =	simm.s32 $0x2;
	s5 =	simm.s32 $0x400;
	v36 =	vmul.f32 v57, v25;
	v51 =	vld [tilespmem:s3+$0x40];
	v34 =	vmul.f32 v54, v29;
	v33 =	vimm.f32 $0.0e+00  }
.LBB2_17:
0x1fb: {  	s9 =	sand.u32 $0x1000, s5;
	p0 =	sne.s32 s8, $0xF;
	v52 =	vld [tilespmem:s3+$0x50];
	v40 =	vmul.f32 v40, v17;
	v42 =	vmul.f32 v42, v18;
	s22 =	sadd.s32 $0x80, s22  }
0x1fc: {  	v43 =	vmul.f32 v43, v13;
	v44 =	vmul.f32 v44, v14;
	s10 =	sand.u32 $0x380, s22;
	s9 =	sadd.s32 s9, s17;
	v53 =	vld [tilespmem:s3+$0x60]  }
0x1fd: {  	v45 =	vmul.f32 v45, v9;
	v46 =	vmul.f32 v46, v10;
	s9 =	sadd.s32 s10, s9;
	v54 =	vld [tilespmem:s3+$0x70]  }
0x1fe: {  	v47 =	vmul.f32 v47, v1;
	v41 =	vmul.f32 v41, v11;
	v55 =	vld [tilespmem:s9+$0xC40]  }
0x1ff: {  	v48 =	vmul.f32 v48, v2;
	v49 =	vmul.f32 v49, v3;
	v56 =	vld [tilespmem:s3+$0x430]  }
0x200: {  	v50 =	vmul.f32 v50, v4;
	v51 =	vmul.f32 v51, v5;
	v57 =	vld [tilespmem:s3+$0x460];
	v58, _, _ =	vpop (xrf2)  }
0x201: {  	v60 =	vmov s24;
	s24 =	smov.u32 s23;
	s23 =	smov.u32 s8;
	v52 =	vmul.f32 v52, v6;
	v59 =	vld [tilespmem:s3+$0x470];
	v58 =	vbroadcast v58, $0xF  }
0x202: {  	vm1 =	veq.s32 v60, v0;
	v53 =	vmul.f32 v53, v7;
	v54 =	vmul.f32 v54, v8;
	v61 =	vld [tilespmem:s3+$0x820]  }
0x203: {  	v47 =	vadd.f32 v51, v47;
	v48 =	vadd.f32 v52, v48;
	v51 =	vld [tilespmem:s3+$0x830];
	v33 =	vsel vm1, v58, v33  }
0x204: {  	v49 =	vadd.f32 v53, v49;
	v50 =	vadd.f32 v54, v50;
	v52 =	vmul.f32 v56, v12;
	v53 =	vld [tilespmem:s3+$0x860]  }
0x205: {  	v45 =	vadd.f32 v45, v47;
	v46 =	vadd.f32 v46, v48;
	v47 =	vmul.f32 v57, v15;
	v48 =	vld [tilespmem:s3+$0x870]  }
0x206: {  	v41 =	vadd.f32 v41, v49;
	v49 =	vadd.f32 v52, v50;
	v50 =	vmul.f32 v59, v16;
	v52 =	vld [tilespmem:s3+$0xC20]  }
0x207: {  	v43 =	vadd.f32 v43, v45;
	v44 =	vadd.f32 v44, v46;
	v45 =	vmul.f32 v61, v19;
	v46 =	vld [tilespmem:s3+$0xC30]  }
0x208: {  	v41 =	vadd.f32 v47, v41;
	v47 =	vadd.f32 v50, v49;
	v49 =	vmul.f32 v51, v20;
	v50 =	vld [tilespmem:s3+$0xC60]  }
0x209: {  	v40 =	vadd.f32 v40, v43;
	v42 =	vadd.f32 v42, v44;
	v43 =	vmul.f32 v53, v23;
	v44 =	vld [tilespmem:s3+$0xC70];
	s3 =	smov.u32 s9  }
0x20a: {  	v41 =	vadd.f32 v45, v41;
	v51 =	vld [tilespmem:s3+$0xC50];
	v45 =	vadd.f32 v49, v47;
	v47 =	vmul.f32 v48, v24  }
0x20b: {  	v38 =	vadd.f32 v38, v40;
	v39 =	vadd.f32 v39, v42;
	v53 =	vld [tilespmem:s3+$0xC00];
	v40 =	vmul.f32 v52, v27  }
0x20c: {  	v41 =	vadd.f32 v43, v41;
	v52 =	vld [tilespmem:s3+$0xC10];
	v42 =	vadd.f32 v47, v45;
	v43 =	vmul.f32 v46, v28  }
0x20d: {  	v36 =	vadd.f32 v36, v38;
	v37 =	vadd.f32 v37, v39;
	v54 =	vld [tilespmem:s3+$0x840];
	v38 =	vmul.f32 v50, v31  }
0x20e: {  	v41 =	vadd.f32 v40, v41;
	v39 =	vld [tilespmem:s3+$0x850];
	v43 =	vadd.f32 v43, v42;
	v44 =	vmul.f32 v44, v32  }
0x20f: {  	v34 =	vadd.f32 v34, v36;
	v35 =	vadd.f32 v35, v37;
	v40 =	vld [tilespmem:s3+$0x800]  }
0x210: {  	v36 =	vadd.f32 v38, v41;
	v42 =	vld [tilespmem:s3+$0x810];
	v37 =	vadd.f32 v44, v43  }
0x211: {  	v43 =	vld [tilespmem:s3+$0x440]  }
0x212: {  	v34 =	vadd.f32 v35, v34;
	v44 =	vld [tilespmem:s3+$0x450];
	v35 =	vadd.f32 v37, v36  }
0x213: {  	v45 =	vld [tilespmem:s3+$0x400]  }
0x214: {  	v46 =	vld [tilespmem:s3+$0x410];
	v34 =	vadd.f32 v35, v34  }
0x215: {  	v41 =	vld [tilespmem:s3+$0x420]  }
.Ltmp7:
0x216: {  	v47 =	vld [tilespmem:s3+$0x0];
	(xrf2) =	vadd.scan.msk.f32 $0xffff, v34;
	(pc) =	sbr.rel @p0 .LBB2_17-.Ltmp7, $4  }
0x217: {  	v48 =	vld [tilespmem:s3+$0x10]  }
0x218: {  	v35 =	vmul.f32 v51, v30;
	v34 =	vmul.f32 v55, v29;
	v49 =	vld [tilespmem:s3+$0x20]  }
0x219: {  	v36 =	vmul.f32 v53, v25;
	v37 =	vmul.f32 v52, v26;
	v50 =	vld [tilespmem:s3+$0x30]  }
0x21a: {  	s5 =	sadd.s32 $0x200, s5;
	s8 =	sadd.s32 $0x1, s8;
	v38 =	vmul.f32 v54, v21;
	v39 =	vmul.f32 v39, v22;
	v51 =	vld [tilespmem:s3+$0x40]  }
0x21b: {  	v52 =	vld [tilespmem:s3+$0x50]  }
0x21c: {  	v40 =	vmul.f32 v40, v17;
	v42 =	vmul.f32 v42, v18;
	v53 =	vld [tilespmem:s3+$0x60]  }
0x21d: {  	v43 =	vmul.f32 v43, v13;
	v44 =	vmul.f32 v44, v14;
	v54 =	vld [tilespmem:s3+$0x70]  }
0x21e: {  	v45 =	vmul.f32 v45, v9;
	v46 =	vmul.f32 v46, v10  }
0x21f: {  	v47 =	vmul.f32 v47, v1;
	v55 =	vld [tilespmem:s3+$0x430];
	v48 =	vmul.f32 v48, v2  }
0x220: {  	v56 =	vld [tilespmem:s3+$0x460];
	v49 =	vmul.f32 v49, v3;
	v50 =	vmul.f32 v50, v4  }
0x221: {  	v57 =	vld [tilespmem:s3+$0x470];
	v51 =	vmul.f32 v51, v5;
	v52 =	vmul.f32 v52, v6  }
0x222: {  	v58 =	vld [tilespmem:s3+$0x820];
	v53 =	vmul.f32 v53, v7;
	v54 =	vmul.f32 v54, v8  }
0x223: {  	v41 =	vmul.f32 v41, v11;
	v59 =	vld [tilespmem:s3+$0x830];
	v47 =	vadd.f32 v51, v47;
	v48 =	vadd.f32 v52, v48  }
0x224: {  	v60 =	vmul.f32 v55, v12;
	v49 =	vadd.f32 v53, v49;
	v50 =	vadd.f32 v54, v50;
	v53 =	vld [tilespmem:s3+$0x860]  }
0x225: {  	v61 =	vmul.f32 v56, v15;
	v45 =	vadd.f32 v45, v47;
	v46 =	vadd.f32 v46, v48;
	v48 =	vld [tilespmem:s3+$0x870]  }
0x226: {  	v63 =	vmul.f32 v57, v16;
	v52 =	vld [tilespmem:s3+$0xC20];
	v41 =	vadd.f32 v41, v49;
	v62 =	vadd.f32 v60, v50  }
0x227: {  	v56 =	vmul.f32 v58, v19;
	v57 =	vld [tilespmem:s3+$0xC30];
	v43 =	vadd.f32 v43, v45;
	v44 =	vadd.f32 v44, v46  }
0x228: {  	v59 =	vmul.f32 v59, v20;
	v60 =	vld [tilespmem:s3+$0xC60];
	v41 =	vadd.f32 v61, v41;
	v58 =	vadd.f32 v63, v62  }
0x229: {  	v62 =	vld [tilespmem:s3+$0xC70];
	v40 =	vadd.f32 v40, v43;
	v61 =	vmul.f32 v53, v23;
	v42 =	vadd.f32 v42, v44  }
0x22a: {  	v41 =	vadd.f32 v56, v41;
	v63 =	vadd.f32 v59, v58;
	v48 =	vmul.f32 v48, v24  }
0x22b: {  	v49 =	vmul.f32 v52, v27;
	v38 =	vadd.f32 v38, v40;
	v39 =	vadd.f32 v39, v42  }
0x22c: {  	v52 =	vmul.f32 v57, v28;
	v41 =	vadd.f32 v61, v41;
	v51 =	vadd.f32 v48, v63  }
0x22d: {  	v53 =	vmul.f32 v60, v31;
	v36 =	vadd.f32 v36, v38;
	v37 =	vadd.f32 v37, v39  }
0x22e: {  	v56 =	vmul.f32 v62, v32;
	v54 =	vadd.f32 v49, v41;
	v55 =	vadd.f32 v52, v51  }
0x22f: {  	v34 =	vadd.f32 v34, v36;
	v35 =	vadd.f32 v35, v37  }
0x230: {  	v57 =	vadd.f32 v53, v54;
	v58 =	vadd.f32 v56, v55;
	_ =	sdelay $0x1  }
0x231: {  	v34 =	vadd.f32 v35, v34;
	v59 =	vadd.f32 v58, v57;
	_ =	sdelay $0x1  }
0x232: {  	v34 =	vadd.f32 v59, v34;
	_ =	sdelay $0x1  }
0x233: {  	(xrf2) =	vadd.scan.msk.f32 $0xffff, v34;
	_ =	sdelay $0x7  }
0x234: {  	s31 =	sshll.u32 s2, $0x4;
	s2 =	sadd.s32 $0x1, s2  }
0x235: {  	p0 =	sne.s32 s2, $0x4;
	v60, _, _ =	vpop (xrf2)  }
.Ltmp8:
0x236: {  	v61 =	vmov s24;
	v34 =	vbroadcast v60, $0xF;
	v62, _, _ =	vpop (xrf2);
	(pc) =	sbr.rel @p0 .LBB2_16-.Ltmp8, $4  }
0x237: {  	vm1 =	veq.s32 v61, v0;
	v63 =	vmov s23;
	v36 =	vbroadcast v62, $0xF  }
0x238: {  	v33 =	vsel vm1, v34, v33;
	vm1 =	veq.s32 v63, v0  }
0x239: {  	s3 =	sand.u32 $0x3FFFFFF0, s31;
	v33 =	vsel vm1, v36, v33  }
0x23a: {  	[tilespmem:s3+$0xA00] =	vst v33  }
0x23b: {  	_ =	swait.ge [sflag:s20], $0x8000  }
0x23c: {  	[sflag:s20] =	ssyncset.done $0x0  }
0x23d: {  	s0 =	simm.s32 $0x0;
	s2 =	simm.s32 $0x0;
	[sflag:s20] =	ssyncadd.s32 $0xFFFF8000  }
.LBB2_20:
0x23e: {  	s3 =	sshll.u32 s2, $0xD  }
0x23f: {  	s3 =	sand.u32 $0x3FFFE000, s3  }
0x240: {  	s30 =	sand.u32 $0x1000, s0;
	s17 =	sadd.s32 $0x8B00, s3  }
0x241: {  	s5 =	sand.u32 $0x380, s0;
	s3 =	sadd.s32 s30, s17  }
0x242: {  	s5 =	sadd.s32 s5, s3  }
0x243: {  	v33 =	vld [tilespmem:s5+$0xC40]  }
0x244: {  	v34 =	vld [tilespmem:s5+$0xC50]  }
0x245: {  	v35 =	vld [tilespmem:s5+$0xC00]  }
0x246: {  	v36 =	vld [tilespmem:s5+$0xC10]  }
0x247: {  	v37 =	vld [tilespmem:s5+$0x840]  }
0x248: {  	v38 =	vld [tilespmem:s5+$0x850]  }
0x249: {  	v39 =	vld [tilespmem:s5+$0x800]  }
0x24a: {  	v40 =	vld [tilespmem:s5+$0x810]  }
0x24b: {  	v41 =	vld [tilespmem:s5+$0x440]  }
0x24c: {  	v42 =	vld [tilespmem:s5+$0x450]  }
0x24d: {  	v43 =	vld [tilespmem:s5+$0x400]  }
0x24e: {  	v46 =	vld [tilespmem:s5+$0x0]  }
0x24f: {  	v47 =	vld [tilespmem:s5+$0x10]  }
0x250: {  	v48 =	vld [tilespmem:s5+$0x20]  }
0x251: {  	v49 =	vld [tilespmem:s5+$0x30]  }
0x252: {  	v50 =	vld [tilespmem:s5+$0x40]  }
0x253: {  	v51 =	vld [tilespmem:s5+$0x50];
	v33 =	vmul.f32 v33, v29;
	v34 =	vmul.f32 v34, v30  }
0x254: {  	v52 =	vld [tilespmem:s5+$0x60];
	v35 =	vmul.f32 v35, v25;
	v36 =	vmul.f32 v36, v26  }
0x255: {  	v53 =	vld [tilespmem:s5+$0x70];
	v37 =	vmul.f32 v37, v21;
	v38 =	vmul.f32 v38, v22  }
0x256: {  	v44 =	vld [tilespmem:s5+$0x410];
	v39 =	vmul.f32 v39, v17;
	v46 =	vmul.f32 v46, v1  }
0x257: {  	v45 =	vld [tilespmem:s5+$0x420];
	v50 =	vmul.f32 v50, v5;
	v47 =	vmul.f32 v47, v2  }
0x258: {  	v55 =	vld [tilespmem:s5+$0x430];
	v51 =	vmul.f32 v51, v6;
	v48 =	vmul.f32 v48, v3  }
0x259: {  	s31 =	simm.s32 $0x200;
	v56 =	vld [tilespmem:s5+$0x460];
	v52 =	vmul.f32 v52, v7;
	v49 =	vmul.f32 v49, v4  }
0x25a: {  	s22 =	simm.s32 $0x80;
	s3 =	sand.u32 $0x1000, s31;
	v57 =	vld [tilespmem:s5+$0x470];
	v53 =	vmul.f32 v53, v8;
	v40 =	vmul.f32 v40, v18  }
0x25b: {  	s8 =	sand.u32 $0x380, s22;
	s3 =	sadd.s32 s3, s17;
	v58 =	vld [tilespmem:s5+$0x820];
	v43 =	vmul.f32 v43, v9;
	v41 =	vmul.f32 v41, v13  }
0x25c: {  	v59 =	vld [tilespmem:s5+$0x830];
	s3 =	sadd.s32 s8, s3;
	v44 =	vmul.f32 v44, v10;
	v45 =	vmul.f32 v45, v11  }
0x25d: {  	v54 =	vld [tilespmem:s3+$0xC40];
	v55 =	vmul.f32 v55, v12;
	v46 =	vadd.f32 v50, v46;
	v47 =	vadd.f32 v51, v47  }
0x25e: {  	v42 =	vmul.f32 v42, v14;
	v51 =	vld [tilespmem:s5+$0x870];
	v48 =	vadd.f32 v52, v48;
	v49 =	vadd.f32 v53, v49  }
0x25f: {  	v62 =	vmul.f32 v56, v15;
	v50 =	vld [tilespmem:s5+$0x860];
	v43 =	vadd.f32 v43, v46;
	v44 =	vadd.f32 v44, v47  }
0x260: {  	v60 =	vmul.f32 v57, v16;
	v52 =	vld [tilespmem:s5+$0xC20];
	v45 =	vadd.f32 v45, v48;
	v63 =	vadd.f32 v55, v49  }
0x261: {  	v61 =	vmul.f32 v58, v19;
	v53 =	vld [tilespmem:s5+$0xC30];
	v41 =	vadd.f32 v41, v43;
	v42 =	vadd.f32 v42, v44  }
0x262: {  	v46 =	vld [tilespmem:s5+$0xC60];
	v48 =	vmul.f32 v59, v20;
	v62 =	vadd.f32 v62, v45;
	v63 =	vadd.f32 v60, v63  }
0x263: {  	v56 =	vld [tilespmem:s5+$0xC70];
	v51 =	vmul.f32 v51, v24;
	v39 =	vadd.f32 v39, v41;
	v40 =	vadd.f32 v40, v42  }
0x264: {  	v57 =	vld [tilespmem:s3+$0xC00];
	v41 =	vmul.f32 v50, v23;
	v49 =	vadd.f32 v61, v62;
	v50 =	vadd.f32 v48, v63  }
0x265: {  	v58 =	vld [tilespmem:s3+$0xC10];
	v48 =	vmul.f32 v52, v27;
	v37 =	vadd.f32 v37, v39;
	v38 =	vadd.f32 v38, v40  }
0x266: {  	v55 =	vld [tilespmem:s3+$0xC50];
	v41 =	vadd.f32 v41, v49;
	v44 =	vadd.f32 v51, v50;
	v49 =	vmul.f32 v53, v28  }
0x267: {  	v59 =	vld [tilespmem:s3+$0x840];
	v50 =	vmul.f32 v46, v31;
	v35 =	vadd.f32 v35, v37;
	v36 =	vadd.f32 v36, v38  }
0x268: {  	v47 =	vld [tilespmem:s3+$0x0];
	v53 =	vmul.f32 v56, v32;
	v51 =	vadd.f32 v48, v41;
	v52 =	vadd.f32 v49, v44  }
0x269: {  	v60 =	vld [tilespmem:s3+$0x850];
	v33 =	vadd.f32 v33, v35;
	v34 =	vadd.f32 v34, v36  }
0x26a: {  	v43 =	vld [tilespmem:s3+$0x440];
	v56 =	vadd.f32 v50, v51;
	v61 =	vadd.f32 v53, v52  }
0x26b: {  	v45 =	vld [tilespmem:s3+$0x400]  }
0x26c: {  	v42 =	vld [tilespmem:s3+$0x810];
	v33 =	vadd.f32 v34, v33;
	v62 =	vadd.f32 v61, v56  }
0x26d: {  	v40 =	vld [tilespmem:s3+$0x800]  }
0x26e: {  	v46 =	vld [tilespmem:s3+$0x410];
	v63 =	vadd.f32 v62, v33  }
0x26f: {  	v44 =	vld [tilespmem:s3+$0x450]  }
0x270: {  	v41 =	vld [tilespmem:s3+$0x420];
	(xrf2) =	vadd.scan.msk.f32 $0xffff, v63  }
0x271: {  	v48 =	vld [tilespmem:s3+$0x10]  }
0x272: {  	v39 =	vmul.f32 v60, v22;
	v49 =	vld [tilespmem:s3+$0x20];
	v37 =	vmul.f32 v58, v26  }
0x273: {  	s23 =	simm.s32 $0x1;
	v38 =	vmul.f32 v59, v21;
	v35 =	vmul.f32 v55, v30;
	v50 =	vld [tilespmem:s3+$0x30]  }
0x274: {  	s24 =	simm.s32 $0x0;
	s8 =	simm.s32 $0x2;
	s5 =	simm.s32 $0x400;
	v36 =	vmul.f32 v57, v25;
	v51 =	vld [tilespmem:s3+$0x40];
	v34 =	vmul.f32 v54, v29;
	v33 =	vimm.f32 $0.0e+00  }
.LBB2_21:
0x275: {  	s9 =	sand.u32 $0x1000, s5;
	p0 =	sne.s32 s8, $0xF;
	v52 =	vld [tilespmem:s3+$0x50];
	v40 =	vmul.f32 v40, v17;
	v42 =	vmul.f32 v42, v18;
	s22 =	sadd.s32 $0x80, s22  }
0x276: {  	v43 =	vmul.f32 v43, v13;
	v44 =	vmul.f32 v44, v14;
	s10 =	sand.u32 $0x380, s22;
	s9 =	sadd.s32 s9, s17;
	v53 =	vld [tilespmem:s3+$0x60]  }
0x277: {  	v45 =	vmul.f32 v45, v9;
	v46 =	vmul.f32 v46, v10;
	s9 =	sadd.s32 s10, s9;
	v54 =	vld [tilespmem:s3+$0x70]  }
0x278: {  	v47 =	vmul.f32 v47, v1;
	v41 =	vmul.f32 v41, v11;
	v55 =	vld [tilespmem:s9+$0xC40]  }
0x279: {  	v48 =	vmul.f32 v48, v2;
	v49 =	vmul.f32 v49, v3;
	v56 =	vld [tilespmem:s3+$0x430]  }
0x27a: {  	v50 =	vmul.f32 v50, v4;
	v51 =	vmul.f32 v51, v5;
	v57 =	vld [tilespmem:s3+$0x460];
	v58, _, _ =	vpop (xrf2)  }
0x27b: {  	v60 =	vmov s24;
	s24 =	smov.u32 s23;
	s23 =	smov.u32 s8;
	v52 =	vmul.f32 v52, v6;
	v59 =	vld [tilespmem:s3+$0x470];
	v58 =	vbroadcast v58, $0xF  }
0x27c: {  	vm1 =	veq.s32 v60, v0;
	v53 =	vmul.f32 v53, v7;
	v54 =	vmul.f32 v54, v8;
	v61 =	vld [tilespmem:s3+$0x820]  }
0x27d: {  	v47 =	vadd.f32 v51, v47;
	v48 =	vadd.f32 v52, v48;
	v51 =	vld [tilespmem:s3+$0x830];
	v33 =	vsel vm1, v58, v33  }
0x27e: {  	v49 =	vadd.f32 v53, v49;
	v50 =	vadd.f32 v54, v50;
	v52 =	vmul.f32 v56, v12;
	v53 =	vld [tilespmem:s3+$0x860]  }
0x27f: {  	v45 =	vadd.f32 v45, v47;
	v46 =	vadd.f32 v46, v48;
	v47 =	vmul.f32 v57, v15;
	v48 =	vld [tilespmem:s3+$0x870]  }
0x280: {  	v41 =	vadd.f32 v41, v49;
	v49 =	vadd.f32 v52, v50;
	v50 =	vmul.f32 v59, v16;
	v52 =	vld [tilespmem:s3+$0xC20]  }
0x281: {  	v43 =	vadd.f32 v43, v45;
	v44 =	vadd.f32 v44, v46;
	v45 =	vmul.f32 v61, v19;
	v46 =	vld [tilespmem:s3+$0xC30]  }
0x282: {  	v41 =	vadd.f32 v47, v41;
	v47 =	vadd.f32 v50, v49;
	v49 =	vmul.f32 v51, v20;
	v50 =	vld [tilespmem:s3+$0xC60]  }
0x283: {  	v40 =	vadd.f32 v40, v43;
	v42 =	vadd.f32 v42, v44;
	v43 =	vmul.f32 v53, v23;
	v44 =	vld [tilespmem:s3+$0xC70];
	s3 =	smov.u32 s9  }
0x284: {  	v41 =	vadd.f32 v45, v41;
	v51 =	vld [tilespmem:s3+$0xC50];
	v45 =	vadd.f32 v49, v47;
	v47 =	vmul.f32 v48, v24  }
0x285: {  	v38 =	vadd.f32 v38, v40;
	v39 =	vadd.f32 v39, v42;
	v53 =	vld [tilespmem:s3+$0xC00];
	v40 =	vmul.f32 v52, v27  }
0x286: {  	v41 =	vadd.f32 v43, v41;
	v52 =	vld [tilespmem:s3+$0xC10];
	v42 =	vadd.f32 v47, v45;
	v43 =	vmul.f32 v46, v28  }
0x287: {  	v36 =	vadd.f32 v36, v38;
	v37 =	vadd.f32 v37, v39;
	v54 =	vld [tilespmem:s3+$0x840];
	v38 =	vmul.f32 v50, v31  }
0x288: {  	v41 =	vadd.f32 v40, v41;
	v39 =	vld [tilespmem:s3+$0x850];
	v43 =	vadd.f32 v43, v42;
	v44 =	vmul.f32 v44, v32  }
0x289: {  	v34 =	vadd.f32 v34, v36;
	v35 =	vadd.f32 v35, v37;
	v40 =	vld [tilespmem:s3+$0x800]  }
0x28a: {  	v36 =	vadd.f32 v38, v41;
	v42 =	vld [tilespmem:s3+$0x810];
	v37 =	vadd.f32 v44, v43  }
0x28b: {  	v43 =	vld [tilespmem:s3+$0x440]  }
0x28c: {  	v34 =	vadd.f32 v35, v34;
	v44 =	vld [tilespmem:s3+$0x450];
	v35 =	vadd.f32 v37, v36  }
0x28d: {  	v45 =	vld [tilespmem:s3+$0x400]  }
0x28e: {  	v46 =	vld [tilespmem:s3+$0x410];
	v34 =	vadd.f32 v35, v34  }
0x28f: {  	v41 =	vld [tilespmem:s3+$0x420]  }
.Ltmp9:
0x290: {  	v47 =	vld [tilespmem:s3+$0x0];
	(xrf2) =	vadd.scan.msk.f32 $0xffff, v34;
	(pc) =	sbr.rel @p0 .LBB2_21-.Ltmp9, $4  }
0x291: {  	v48 =	vld [tilespmem:s3+$0x10]  }
0x292: {  	v35 =	vmul.f32 v51, v30;
	v34 =	vmul.f32 v55, v29;
	v49 =	vld [tilespmem:s3+$0x20]  }
0x293: {  	v36 =	vmul.f32 v53, v25;
	v37 =	vmul.f32 v52, v26;
	v50 =	vld [tilespmem:s3+$0x30]  }
0x294: {  	s5 =	sadd.s32 $0x200, s5;
	s8 =	sadd.s32 $0x1, s8;
	v38 =	vmul.f32 v54, v21;
	v39 =	vmul.f32 v39, v22;
	v51 =	vld [tilespmem:s3+$0x40]  }
0x295: {  	v52 =	vld [tilespmem:s3+$0x50]  }
0x296: {  	v40 =	vmul.f32 v40, v17;
	v42 =	vmul.f32 v42, v18;
	v53 =	vld [tilespmem:s3+$0x60]  }
0x297: {  	v43 =	vmul.f32 v43, v13;
	v44 =	vmul.f32 v44, v14;
	v54 =	vld [tilespmem:s3+$0x70]  }
0x298: {  	v45 =	vmul.f32 v45, v9;
	v46 =	vmul.f32 v46, v10  }
0x299: {  	v47 =	vmul.f32 v47, v1;
	v55 =	vld [tilespmem:s3+$0x430];
	v48 =	vmul.f32 v48, v2  }
0x29a: {  	v56 =	vld [tilespmem:s3+$0x460];
	v49 =	vmul.f32 v49, v3;
	v50 =	vmul.f32 v50, v4  }
0x29b: {  	v57 =	vld [tilespmem:s3+$0x470];
	v51 =	vmul.f32 v51, v5;
	v52 =	vmul.f32 v52, v6  }
0x29c: {  	v58 =	vld [tilespmem:s3+$0x820];
	v53 =	vmul.f32 v53, v7;
	v54 =	vmul.f32 v54, v8  }
0x29d: {  	v41 =	vmul.f32 v41, v11;
	v59 =	vld [tilespmem:s3+$0x830];
	v47 =	vadd.f32 v51, v47;
	v48 =	vadd.f32 v52, v48  }
0x29e: {  	v60 =	vmul.f32 v55, v12;
	v49 =	vadd.f32 v53, v49;
	v50 =	vadd.f32 v54, v50;
	v53 =	vld [tilespmem:s3+$0x860]  }
0x29f: {  	v61 =	vmul.f32 v56, v15;
	v45 =	vadd.f32 v45, v47;
	v46 =	vadd.f32 v46, v48;
	v48 =	vld [tilespmem:s3+$0x870]  }
0x2a0: {  	v63 =	vmul.f32 v57, v16;
	v52 =	vld [tilespmem:s3+$0xC20];
	v41 =	vadd.f32 v41, v49;
	v62 =	vadd.f32 v60, v50  }
0x2a1: {  	v56 =	vmul.f32 v58, v19;
	v57 =	vld [tilespmem:s3+$0xC30];
	v43 =	vadd.f32 v43, v45;
	v44 =	vadd.f32 v44, v46  }
0x2a2: {  	v59 =	vmul.f32 v59, v20;
	v60 =	vld [tilespmem:s3+$0xC60];
	v41 =	vadd.f32 v61, v41;
	v58 =	vadd.f32 v63, v62  }
0x2a3: {  	v62 =	vld [tilespmem:s3+$0xC70];
	v40 =	vadd.f32 v40, v43;
	v61 =	vmul.f32 v53, v23;
	v42 =	vadd.f32 v42, v44  }
0x2a4: {  	v41 =	vadd.f32 v56, v41;
	v63 =	vadd.f32 v59, v58;
	v48 =	vmul.f32 v48, v24  }
0x2a5: {  	v49 =	vmul.f32 v52, v27;
	v38 =	vadd.f32 v38, v40;
	v39 =	vadd.f32 v39, v42  }
0x2a6: {  	v52 =	vmul.f32 v57, v28;
	v41 =	vadd.f32 v61, v41;
	v51 =	vadd.f32 v48, v63  }
0x2a7: {  	v53 =	vmul.f32 v60, v31;
	v36 =	vadd.f32 v36, v38;
	v37 =	vadd.f32 v37, v39  }
0x2a8: {  	v56 =	vmul.f32 v62, v32;
	v54 =	vadd.f32 v49, v41;
	v55 =	vadd.f32 v52, v51  }
0x2a9: {  	v34 =	vadd.f32 v34, v36;
	v35 =	vadd.f32 v35, v37  }
0x2aa: {  	v57 =	vadd.f32 v53, v54;
	v58 =	vadd.f32 v56, v55;
	_ =	sdelay $0x1  }
0x2ab: {  	v34 =	vadd.f32 v35, v34;
	v59 =	vadd.f32 v58, v57;
	_ =	sdelay $0x1  }
0x2ac: {  	v34 =	vadd.f32 v59, v34;
	_ =	sdelay $0x1  }
0x2ad: {  	(xrf2) =	vadd.scan.msk.f32 $0xffff, v34;
	_ =	sdelay $0x7  }
0x2ae: {  	s31 =	sshll.u32 s2, $0x4;
	s2 =	sadd.s32 $0x1, s2  }
0x2af: {  	p0 =	sne.s32 s2, $0x4;
	v60, _, _ =	vpop (xrf2)  }
.Ltmp10:
0x2b0: {  	v61 =	vmov s24;
	v34 =	vbroadcast v60, $0xF;
	v62, _, _ =	vpop (xrf2);
	(pc) =	sbr.rel @p0 .LBB2_20-.Ltmp10, $4  }
0x2b1: {  	vm1 =	veq.s32 v61, v0;
	v63 =	vmov s23;
	v36 =	vbroadcast v62, $0xF  }
0x2b2: {  	v33 =	vsel vm1, v34, v33;
	vm1 =	veq.s32 v63, v0  }
0x2b3: {  	s3 =	sand.u32 $0x3FFFFFF0, s31;
	v33 =	vsel vm1, v36, v33  }
0x2b4: {  	[tilespmem:s3+$0xA40] =	vst v33  }
0x2b5: {  	_ =	swait.ge [sflag:s21], $0x8000  }
0x2b6: {  	[sflag:s21] =	ssyncset.done $0x0  }
0x2b7: {  	s0 =	rddreg [dreg:$0x8];
	[sflag:s21] =	ssyncadd.s32 $0xFFFF8000  }
0x2b8: {  	v1 =	vld [tilespmem:s0+$0x200];
	_ =	sdelay $0x4  }
0x2b9: {  	v1 =	vcvt.s32.f32 v1;
	_ =	sdelay $0x1  }
0x2ba: {  	v1 =	vnsel vm0, $0x0, v1  }
0x2bb: {  	(xrf0) =	vmax.scan.msk.f32 $0xffff, v1;
	_ =	sdelay $0x5  }
0x2bc: {  	v1, _, _ =	vpop (xrf0)  }
0x2bd: {  	(v2sf) =	vpush v1, $0xF;
	_ =	sdelay $0xc  }
0x2be: {  	v2 =	vld [tilespmem:$0xA70];
	_ =	sdelay $0x1  }
0x2bf: {  	s31 =	spop (v2sf)  }
0x2c0: {  	s0 =	scvt.f32.s32 s31  }
0x2c1: {  	vm1 =	veq.s32 v0, $0xF  }
0x2c2: {  	v2 =	vsel vm1, $0xF149F2CA, v2;
	s2 =	sand.u32 $0xFFFFFFF0, s0  }
0x2c3: {  	s3 =	simm.s32 $0x0;
	v1 =	vld [tilespmem:s2+$0x280];
	[tilespmem:$0xA70] =	vst v2  }
0x2c4: {  	v2 =	vimm.f32 $-1.000000020e+30;
	s2 =	simm.s32 $0x40;
	v3 =	vld [tilespmem:s3+$0x280]  }
.LBB2_24:
0x2c5: {  	p0 =	sne.s32 s2, $0x1FC0  }
.Ltmp11:
0x2c6: {  	_ = 	snop;
	(pc) =	sbr.rel @p0 .LBB2_24-.Ltmp11, $3  }
0x2c7: {  	_ =	sdelay $0x1  }
0x2c8: {  	s3 =	sshra.s32 s2, $0x2;
	s2 =	sadd.s32 $0x40, s2;
	v2 =	vmax.f32 v2, v3  }
0x2c9: {  	v3 =	vld [tilespmem:s3+$0x280]  }
0x2ca: {  	_ =	sdelay $0x3  }
0x2cb: {  	v2 =	vmax.f32 v2, v3  }
0x2cc: {  	(xrf0) =	vmax.scan.msk.f32 $0xffff, v2;
	_ =	sdelay $0x5  }
0x2cd: {  	v2, _, _ =	vpop (xrf0)  }
0x2ce: {  	s2 =	simm.s32 $0x0;
	s3 =	simm.s32 $0x40;
	v3 =	vimm.f32 $0.0e+00;
	v4 =	vbroadcast v2, $0xF  }
.LBB2_26:
0x2cf: {  	p0 =	sne.s32 s3, $0x1FC0;
	v5 =	vld [tilespmem:s2+$0x280];
	_ =	sdelay $0x4  }
0x2d0: {  	v5 =	vsub.f32 v5, v4;
	_ =	sdelay $0x1  }
0x2d1: {  	v5 =	vmul.f32 $1.442695020e+00, v5;
	_ =	sdelay $0x1  }
0x2d2: {  	(erf) = vpow2.f32 v5;
	_ =	sdelay $0x5  }
.Ltmp12:
0x2d3: {  	(pc) =	sbr.rel @p0 .LBB2_26-.Ltmp12, $3  }
0x2d4: {  	_ =	sdelay $0x1  }
0x2d5: {  	v5 =	vpop (erf)  }
0x2d6: {  	[tilespmem:s2+$0x280] =	vst v5;
	s2 =	sshra.s32 s3, $0x2;
	s3 =	sadd.s32 $0x40, s3;
	v3 =	vadd.f32 v5, v3  }
0x2d7: {  	v5 =	vld [tilespmem:s2+$0x280];
	_ =	sdelay $0x4  }
0x2d8: {  	v4 =	vsub.f32 v5, v4;
	_ =	sdelay $0x1  }
0x2d9: {  	v4 =	vmul.f32 $1.442695020e+00, v4;
	_ =	sdelay $0x1  }
0x2da: {  	(erf) = vpow2.f32 v4;
	_ =	sdelay $0x8  }
0x2db: {  	v4 =	vpop (erf)  }
0x2dc: {  	v3 =	vadd.f32 v4, v3;
	_ =	sdelay $0x1  }
0x2dd: {  	(xrf2) =	vadd.scan.msk.f32 $0xffff, v3;
	_ =	sdelay $0x9  }
0x2de: {  	v3, _, _ =	vpop (xrf2)  }
0x2df: {  	v3 =	vbroadcast v3, $0xF;
	_ =	sdelay $0x1  }
0x2e0: {  	(erf) = vrcp.f32 v3;
	_ =	sdelay $0x8  }
0x2e1: {  	s3 =	simm.s32 $0x40;
	[tilespmem:s2+$0x280] =	vst v4;
	s2 =	simm.s32 $0x0;
	v4 =	vpop (erf)  }
.LBB2_28:
0x2e2: {  	p0 =	sne.s32 s3, $0x1FC0;
	v5 =	vld [tilespmem:s2+$0x280];
	_ =	sdelay $0x2  }
.Ltmp13:
0x2e3: {  	(pc) =	sbr.rel @p0 .LBB2_28-.Ltmp13, $3  }
0x2e4: {  	_ = 	snop  }
0x2e5: {  	v5 =	vmul.f32 v5, v4;
	_ =	sdelay $0x1  }
0x2e6: {  	[tilespmem:s2+$0x280] =	vst v5;
	s2 =	sshra.s32 s3, $0x2;
	s3 =	sadd.s32 $0x40, s3  }
0x2e7: {  	s0 =	sand.u32 $0xF, s0  }
0x2e8: {  	v5 =	vmov s0  }
0x2e9: {  	vm1 =	veq.s32 v5, v0  }
0x2ea: {  	v1 =	vnsel vm1, $0xF149F2CA, v1  }
0x2eb: {  	(xrf0) =	vmax.scan.msk.f32 $0xffff, v1;
	_ =	sdelay $0x5  }
0x2ec: {  	v1, _, _ =	vpop (xrf0)  }
0x2ed: {  	(v2sf) =	vpush v1, $0xF  }
0x2ee: {  	(v2sf) =	vpush v2, $0xF;
	_ =	sdelay $0x4  }
0x2ef: {  	v1 =	vld [tilespmem:s2+$0x280];
	_ =	sdelay $0x1  }
0x2f0: {  	v2 =	vcvt.s32.f32 v3;
	_ =	sdelay $0x1  }
0x2f1: {  	v2 =	vmul.f32 $8.262958320e-08, v2  }
0x2f2: {  	v1 =	vmul.f32 v1, v4  }
0x2f3: {  	v2 =	vadd.f32 $-8.802969360e+01, v2  }
0x2f4: {  	s3 =	simm.s32 $0x80;
	s5 =	simm.s32 $0x400;
	s8 =	simm.s32 $0x280;
	[tilespmem:s2+$0x280] =	vst v1  }
0x2f5: {  	v63 =	vsub.f32 $0.0e+00, v2;
	[hbm4b:s11+s3] =	stream.strided.scatter [tilespmem:s8], [sflag:$0x5], $0x800, s5, s3, $0x38;
	[tilespmem:$0x18B00] =	vst v63  }
0x2f6: {  	s29 =	spop (v2sf)  }
0x2f7: {  	v1 =	vmul.f32 $1.442695020e+00, v63;
	s30 =	spop (v2sf)  }
0x2f8: {  	_ =	swait.ge [sflag:s25], $0x800  }
0x2f9: {  	(erf) = vpow2.f32 v1;
	_ =	sdelay $0x8  }
0x2fa: {  	v1 =	vpop (erf)  }
0x2fb: {  	v1 =	vmul.f32 v1, v3;
	_ =	sdelay $0x1  }
0x2fc: {  	v1 =	vadd.f32 v1, v2;
	_ =	sdelay $0x1  }
0x2fd: {  	v1 =	vadd.f32 $-1.000000000e+00, v1;
	_ =	sdelay $0x1  }
0x2fe: {  	v2 =	vsub.f32 $0.0e+00, v1;
	_ =	sdelay $0x1  }
0x2ff: {  	v2 =	vmul.f32 $1.442695020e+00, v2;
	_ =	sdelay $0x1  }
0x300: {  	(erf) = vpow2.f32 v2;
	_ =	sdelay $0x8  }
0x301: {  	v2 =	vpop (erf)  }
0x302: {  	v2 =	vmul.f32 v2, v3;
	_ =	sdelay $0x1  }
0x303: {  	v1 =	vadd.f32 v2, v1;
	_ =	sdelay $0x1  }
0x304: {  	v1 =	vadd.f32 $-1.000000000e+00, v1;
	_ =	sdelay $0x1  }
0x305: {  	v2 =	vsub.f32 $0.0e+00, v1;
	_ =	sdelay $0x1  }
0x306: {  	v2 =	vmul.f32 $1.442695020e+00, v2;
	_ =	sdelay $0x1  }
0x307: {  	(erf) = vpow2.f32 v2;
	_ =	sdelay $0x8  }
0x308: {  	v2 =	vpop (erf)  }
0x309: {  	v2 =	vmul.f32 v2, v3;
	_ =	sdelay $0x1  }
0x30a: {  	v1 =	vadd.f32 v2, v1;
	_ =	sdelay $0x1  }
0x30b: {  	s0 =	ssub.f32 s29, s30;
	v1 =	vadd.f32 $-1.000000000e+00, v1;
	_ =	sdelay $0x1  }
0x30c: {  	s28 =	sadd.s32 $0x1, s28;
	[sflag:s25] =	ssyncset.done $0x0;
	v1 =	vsub.f32 s0, v1  }
0x30d: {  	p0 =	sne.s32 s28, s13;
	[sflag:s25] =	ssyncadd.s32 $0xFFFFF800  }
.Ltmp14:
0x30e: {  	s31 =	simm.s32 $0xA80;
	[tilespmem:$0xA80] =	vst v1;
	(pc) =	sbr.rel @p0 .LBB2_1-.Ltmp14, $4  }
0x30f: {  	[hbm4b:s12+s4] =	stream.linear.scatter [tilespmem:s31], [sflag:$0x5], $0x80, $0x38;
	[tilespmem:$0x18B00] =	vst v63  }
0x310: {  	_ =	swait.ge [sflag:s25], $0x80  }
0x311: {  	[sflag:s25] =	ssyncset.done $0x0  }
0x312: {  	[sflag:s25] =	ssyncadd.s32 $0xFFFFFF80  }
0x313: {  	_ =	sfence.sel $0x180000  }
0x314: {  	[bflag:$0x0] =	sbarrier.arrive $0xFFFF  }
0x315: {  	_ =	strace $0x90000047  }
0x316: {  	s0 =	stileid.u32;
	[bflag:$0x2] =	sbarrier.arrive $0xFFFF  }
0x317: {  	p0 =	sne.s32 s0, $0x0;
	s0 =	rddreg [dreg:$0x4]  }
0x318: {  	s0 =	sadd.s32 @!p0 $0x100000, s0  }
0x319: {  	[sflag:s0] =	ssyncadd.tile.s32 @!p0 $0x1;
	_ =	shalt  }
.Lfunc_end2:
_tile_overlayer_lowered:
.L_overlay_start_2:
0x31a: {  	(tag) =	ssettag $0x2  }
0x31b: {  	s0 =	rddreg [dreg:$0x0];
	s2 =	stileid.u32  }
0x31c: {  	s1 =	rddreg [dreg:$0x1];
	p0 =	sne.s32 s2, $0x0  }
0x31d: {  	s3 =	rddreg [dreg:$0x2];
	[bflag:$0x3] =	sbarrier.arrive $0xFFFF;
	s2 =	simm.s32 @!p0 $0x1C05  }
0x31e: {  	[timem:s3], [sflag:s2] =	dma.local @!p0 [hbm:s0], s1  }
0x31f: {  	s0 =	simm.s32 @!p0 $0x5  }
0x320: {  	_ =	swait.ge @!p0 [sflag:s0], s1  }
0x321: {  	s1 =	ssub.s32 @!p0 $0x0, s1;
	[sflag:s0] =	ssyncset.done @!p0 $0x0  }
0x322: {  	[sflag:s0] =	ssyncadd.s32 @!p0 s1  }
0x323: {  	[bflag:$0x3] =	sbarrier.arrive $0xFFFF  }
0x324: {  	_ =	shalt  }

</sc_bundles>
